<compile_context>
chip_gen: v7x
topology: tpu7x:2x2x1
jax: 0.10.2.dev20260603
libtpu: 0.0.44.dev20260713+nightly
codegen_flags: <defaults>
</compile_context>

<pallas_src>
import functools

import numpy as np
import jax
import jax.numpy as jnp
from jax import lax
from jax.experimental import pallas as pl
from jax.experimental.pallas import tpu as pltpu

_NMS_IOU = 0.7
_N_POST = 600
_NB = 72
_BS = 128


def _anchor_np():
    base_size, ratios, scales = 16, (0.5, 1, 2), (8, 16, 32)
    ab = np.zeros((9, 4), dtype=np.float32)
    for i, r in enumerate(ratios):
        for j, s in enumerate(scales):
            h = base_size * s * np.sqrt(r)
            w = base_size * s * np.sqrt(1.0 / r)
            k = i * len(scales) + j
            ab[k] = [-w / 2.0, -h / 2.0, w / 2.0, h / 2.0]
    shift_x = np.arange(0, 32 * 16, 16)
    shift_y = np.arange(0, 32 * 16, 16)
    sx, sy = np.meshgrid(shift_x, shift_y)
    shift = np.stack((sx.ravel(), sy.ravel(), sx.ravel(), sy.ravel()), axis=1)
    anchor = ab.reshape((1, 9, 4)) + shift.reshape((1024, 1, 4))
    return anchor.reshape((9216, 4)).astype(np.float32)


_ANCHOR = _anchor_np()
_TAPS = [(dy, dx) for dy in range(3) for dx in range(3)]


def _sel(dst, n_src, stride, off):
    m = np.zeros((n_src, dst), np.float32)
    for a in range(dst):
        m[a * stride + off, a] = 1.0
    return m


def _dotH(a, b):
    return jax.lax.dot_general(a, b, (((1,), (0,)), ((), ())),
                               precision=lax.Precision.HIGHEST,
                               preferred_element_type=jnp.float32)


def _ka_body(xt_ref, wt_ref, bc_ref, ws_ref, bs_ref, wl_ref, bl_ref,
             se_ref, so_ref, l0_ref, l1_ref, l2_ref, l3_ref,
             ax1_ref, ay1_ref, ax2_ref, ay2_ref, par_ref,
             sc_o, lo_o, x1_o, y1_o, x2_o, y2_o, ms_o):
    X = xt_ref[0]
    pidx = lax.broadcasted_iota(jnp.int32, (1024, 1), 0)
    yi = pidx // 32
    xi = pidx % 32

    def shifted(dy, dx):
        s = dy * 32 + dx
        Xs = jnp.roll(X, -s, axis=0) if s != 0 else X
        ok = ((yi + dy >= 0) & (yi + dy < 32) &
              (xi + dx >= 0) & (xi + dx < 32))
        return Xs * ok.astype(jnp.float32)

    tiles = []
    for k, (dy, dx) in enumerate(_TAPS):
        Xs = shifted(dy - 1, dx - 1)
        tiles.append(jnp.dot(Xs[:, :256], wt_ref[k, :256],
                             preferred_element_type=jnp.float32))
        tiles.append(jnp.dot(Xs[:, 256:], wt_ref[k, 256:],
                             preferred_element_type=jnp.float32))

    def _seq(vs):
        a = vs[0]
        for v in vs[1:]:
            a = a + v
        return a

    acc = _seq([_seq(tiles[0:3]), _seq(tiles[3:5]), _seq(tiles[5:7]),
                _seq(tiles[7:9]), tiles[9], _seq(tiles[10:16]),
                _seq(tiles[16:18])])
    feat = jnp.maximum(acc + bc_ref[0][None, :], 0.0)

    scores = (jnp.dot(feat, ws_ref[...], preferred_element_type=jnp.float32)
              + bs_ref[0][None, :])
    locs = (jnp.dot(feat, wl_ref[...], preferred_element_type=jnp.float32)
            + bl_ref[0][None, :])
    sc_o[0] = scores
    lo_o[0] = locs
    s0 = _dotH(scores, se_ref[...])
    s1 = _dotH(scores, so_ref[...])
    d0 = _dotH(locs, l0_ref[...])
    d1 = _dotH(locs, l1_ref[...])
    d2 = _dotH(locs, l2_ref[...])
    d3 = _dotH(locs, l3_ref[...])

    ax1, ay1, ax2, ay2 = ax1_ref[...], ay1_ref[...], ax2_ref[...], ay2_ref[...]
    sw = ax2 - ax1
    sh = ay2 - ay1
    scx = ax1 + 0.5 * sw
    scy = ay1 + 0.5 * sh
    cx = d0 * sw + scx
    cy = d1 * sh + scy
    ww = jnp.exp(d2) * sw
    hh = jnp.exp(d3) * sh
    rx1 = cx - 0.5 * ww
    ry1 = cy - 0.5 * hh
    rx2 = cx + 0.5 * ww
    ry2 = cy + 0.5 * hh

    par = par_ref[...]
    himg = par[0:1, 0:1]
    wimg = par[0:1, 1:2]
    msz = par[0:1, 2:3]
    x1c = jnp.clip(rx1, 0.0, wimg)
    x2c = jnp.clip(rx2, 0.0, wimg)
    y1c = jnp.clip(ry1, 0.0, himg)
    y2c = jnp.clip(ry2, 0.0, himg)
    valid = ((x2c - x1c) >= msz) & ((y2c - y1c) >= msz)

    m = jnp.maximum(s0, s1)
    e0 = jnp.exp(s0 - m)
    e1 = jnp.exp(s1 - m)
    fg = e1 / (e0 + e1)
    ms = jnp.where(valid, fg, -jnp.inf)

    x1_o[0], y1_o[0], x2_o[0], y2_o[0] = x1c, y1c, x2c, y2c
    ms_o[0] = ms


def _conv_heads(xt, wtaps, bc, ws, bs, wl, bl, sels, axp, par):
    n = xt.shape[0]
    full = lambda s: pl.BlockSpec(s, lambda i: (0,) * len(s))
    img3 = lambda s: pl.BlockSpec(s, lambda i: (i, 0, 0))
    out9 = jax.ShapeDtypeStruct((n, 1024, 9), jnp.float32)
    in_specs = ([img3((1, 1024, 512)), full((9, 512, 512)), full((1, 512)),
                 full((512, 18)), full((1, 18)), full((512, 36)), full((1, 36)),
                 full((18, 9)), full((18, 9))]
                + [full((36, 9))] * 4
                + [full((1024, 9))] * 4 + [full((1, 8))])
    out_specs = ([pl.BlockSpec((1, 1024, 18), lambda i: (i, 0, 0)),
                  pl.BlockSpec((1, 1024, 36), lambda i: (i, 0, 0))]
                 + [pl.BlockSpec((1, 1024, 9), lambda i: (i, 0, 0))] * 5)
    out_shape = ([jax.ShapeDtypeStruct((n, 1024, 18), jnp.float32),
                  jax.ShapeDtypeStruct((n, 1024, 36), jnp.float32)]
                 + [out9] * 5)
    return pl.pallas_call(
        _ka_body,
        grid=(n,),
        in_specs=in_specs,
        out_specs=out_specs,
        out_shape=out_shape,
    )(xt, wtaps, bc, ws, bs, wl, bl, *sels, *axp, par)


def _nms_body(x1_ref, y1_ref, x2_ref, y2_ref, v_ref, eye_ref, keep_ref):
    keep_ref[...] = jnp.zeros_like(keep_ref)
    eye = eye_ref[...]

    def col(v):
        return lax.dot_general(eye, v, (((1,), (1,)), ((), ())),
                               precision=lax.Precision.HIGHEST,
                               preferred_element_type=jnp.float32)

    def row_data(ref, b):
        return ref[0, pl.ds(b, 1), :]

    def body(state):
        b, cnt = state
        x1r = row_data(x1_ref, b)
        y1r = row_data(y1_ref, b)
        x2r = row_data(x2_ref, b)
        y2r = row_data(y2_ref, b)
        ar = (x2r - x1r) * (y2r - y1r)
        kb = row_data(v_ref, b)

        def iou_gt(x1c, y1c, x2c, y2c, ac):
            xx1 = jnp.maximum(x1c, x1r)
            yy1 = jnp.maximum(y1c, y1r)
            xx2 = jnp.minimum(x2c, x2r)
            yy2 = jnp.minimum(y2c, y2r)
            inter = jnp.maximum(xx2 - xx1, 0.0) * jnp.maximum(yy2 - yy1, 0.0)
            iou = inter / (ac + ar - inter + 1e-9)
            return (iou > _NMS_IOU).astype(jnp.float32)

        def cross(a, kb):
            x1a = row_data(x1_ref, a)
            y1a = row_data(y1_ref, a)
            x2a = row_data(x2_ref, a)
            y2a = row_data(y2_ref, a)
            aa = (x2a - x1a) * (y2a - y1a)
            sup = iou_gt(col(x1a), col(y1a), col(x2a), col(y2a), col(aa))
            ka = keep_ref[0, pl.ds(a, 1), :]
            hits = jnp.dot(ka, sup, preferred_element_type=jnp.float32)
            return kb * (hits < 0.5).astype(jnp.float32)

        kb = lax.fori_loop(0, b, cross, kb)

        supd = iou_gt(col(x1r), col(y1r), col(x2r), col(y2r), col(ar))
        ii = lax.broadcasted_iota(jnp.int32, (_BS, _BS), 0)
        jj = lax.broadcasted_iota(jnp.int32, (_BS, _BS), 1)
        supd = supd * (ii < jj).astype(jnp.float32)

        def jac_cond(st):
            k, changed, it = st
            return changed & (it < _BS)

        def jac_body(st):
            k, _, it = st
            hits = jnp.dot(k, supd, preferred_element_type=jnp.float32)
            k2 = kb * (hits < 0.5).astype(jnp.float32)
            changed = jnp.sum(jnp.abs(k2 - k)) > 0.0
            return k2, changed, it + 1

        kfin, _, _ = lax.while_loop(jac_cond, jac_body,
                                    (kb, jnp.bool_(True), 0))
        keep_ref[0, pl.ds(b, 1), :] = kfin
        return b + 1, cnt + jnp.sum(kfin).astype(jnp.int32)

    def cond(state):
        b, cnt = state
        return (b < _NB) & (cnt < _N_POST)

    lax.while_loop(cond, body, (0, 0))


def _nms(x1s, y1s, x2s, y2s, vs, eye):
    n = x1s.shape[0]
    spec = pl.BlockSpec((1, _NB, _BS), lambda i: (i, 0, 0))
    especs = pl.BlockSpec((_BS, _BS), lambda i: (0, 0))
    return pl.pallas_call(
        _nms_body,
        grid=(n,),
        in_specs=[spec] * 5 + [especs],
        out_specs=spec,
        out_shape=jax.ShapeDtypeStruct((n, _NB, _BS), jnp.float32),
    )(x1s, y1s, x2s, y2s, vs, eye)


def kernel(x, img_size, conv1_w, conv1_b, score_w, score_b, loc_w, loc_b,
           scale=1.0):
    n, C, H, W = x.shape
    xt = x.transpose(0, 2, 3, 1).reshape(n, H * W, C)
    wtaps = conv1_w.transpose(2, 3, 1, 0).reshape(9, C, C)
    bc = conv1_b.reshape(1, C)
    ws = score_w[:, :, 0, 0].T
    bs = score_b.reshape(1, 18)
    wl = loc_w[:, :, 0, 0].T
    bl = loc_b.reshape(1, 36)
    sels = [jnp.asarray(_sel(9, 18, 2, 0)), jnp.asarray(_sel(9, 18, 2, 1))] + \
           [jnp.asarray(_sel(9, 36, 4, c)) for c in range(4)]
    anc = _ANCHOR.reshape(1024, 9, 4)
    axp = [jnp.asarray(anc[:, :, c]) for c in range(4)]

    scale_f = jnp.asarray(scale, jnp.float32)
    msz = 16.0 * scale_f
    hw = img_size.astype(jnp.float32)
    par = jnp.zeros((1, 8), jnp.float32)
    par = par.at[0, 0].set(hw[0]).at[0, 1].set(hw[1]).at[0, 2].set(msz)

    (scores, locs, x1, y1, x2, y2, ms) = _conv_heads(
        xt, wtaps, bc, ws, bs, wl, bl, sels, axp, par)

    rpn_scores = scores.reshape(n, H * W * 9, 2)
    rpn_locs = locs.reshape(n, H * W * 9, 4)

    msf = ms.reshape(n, 9216)
    order = jnp.argsort(-msf, axis=1)
    planes = [p.reshape(n, 9216) for p in (x1, y1, x2, y2)]
    sp = [jnp.take_along_axis(p, order, axis=1) for p in planes]
    ms_s = jnp.take_along_axis(msf, order, axis=1)
    valid_s = (ms_s > -jnp.inf).astype(jnp.float32)

    eye = jnp.eye(_BS, dtype=jnp.float32)
    keep = _nms(*[p.reshape(n, _NB, _BS) for p in sp],
                valid_s.reshape(n, _NB, _BS), eye)
    keepb = keep.reshape(n, 9216) > 0.5

    cs = jnp.cumsum(keepb.astype(jnp.int32), axis=1)
    pos = jnp.where(keepb & (cs <= _N_POST), cs - 1, _N_POST)
    src = jnp.broadcast_to(jnp.arange(9216, dtype=jnp.int32)[None], (n, 9216))
    idx = jnp.zeros((n, _N_POST + 1), jnp.int32)
    idx = idx.at[jnp.arange(n)[:, None], pos].set(src)[:, :_N_POST]
    rois = jnp.stack(
        [jnp.take_along_axis(p, idx, axis=1) for p in sp], axis=-1)

    roi_indices = jnp.broadcast_to(
        jnp.arange(n, dtype=jnp.float32)[:, None], (n, _N_POST))
    anchor_out = jnp.asarray(_ANCHOR)[None]
    return (rpn_locs, rpn_scores, rois, roi_indices, anchor_out)

# --- scband reference (transcript-rebuilt; emitter-appended) ---
"""Pipeline reference for scband-rpn-4157528342622 (READ-ONLY COPY).

The authoritative reference and input builder live on the scoring server;
editing this copy changes nothing except your own understanding.
"""

import jax, jax.numpy as jnp
import numpy as np

FEAT_STRIDE = 16
NMS_IOU = 0.7
N_PRE_NMS = 12000
N_POST_NMS = 600
MIN_SIZE = 16.0


def generate_anchor_base(base_size=16, ratios=(0.5, 1, 2), anchor_scales=(8, 16, 32)):
    ab = np.zeros((len(ratios) * len(anchor_scales), 4), dtype=np.float32)
    for i, r in enumerate(ratios):
        for j, s in enumerate(anchor_scales):
            h = base_size * s * np.sqrt(r)
            w = base_size * s * np.sqrt(1.0 / r)
            k = i * len(anchor_scales) + j
            ab[k, 0] = -w / 2.0
            ab[k, 1] = -h / 2.0
            ab[k, 2] = w / 2.0
            ab[k, 3] = h / 2.0
    return ab


def enumerate_shifted_anchor(anchor_base, feat_stride, height, width):
    shift_x = np.arange(0, width * feat_stride, feat_stride)
    shift_y = np.arange(0, height * feat_stride, feat_stride)
    sx, sy = np.meshgrid(shift_x, shift_y)
    shift = np.stack((sx.ravel(), sy.ravel(), sx.ravel(), sy.ravel()), axis=1)
    A = anchor_base.shape[0]
    K = shift.shape[0]
    anchor = anchor_base.reshape((1, A, 4)) + shift.reshape((K, 1, 4))
    return anchor.reshape((K * A, 4)).astype(np.float32)


def loc2bbox(src_bbox, loc):
    sw = src_bbox[:, 2] - src_bbox[:, 0]
    sh = src_bbox[:, 3] - src_bbox[:, 1]
    scx = src_bbox[:, 0] + 0.5 * sw
    scy = src_bbox[:, 1] + 0.5 * sh
    dx, dy, dw, dh = loc[:, 0], loc[:, 1], loc[:, 2], loc[:, 3]
    cx = dx * sw + scx
    cy = dy * sh + scy
    w = jnp.exp(dw) * sw
    h = jnp.exp(dh) * sh
    return jnp.stack([cx - 0.5 * w, cy - 0.5 * h, cx + 0.5 * w, cy + 0.5 * h], axis=1)


def nms_keep(boxes, init_keep, thresh):
    n = boxes.shape[0]
    x1, y1, x2, y2 = boxes[:, 0], boxes[:, 1], boxes[:, 2], boxes[:, 3]
    areas = (x2 - x1) * (y2 - y1)
    ar = jnp.arange(n)

    def body(i, keep):
        xx1 = jnp.maximum(x1[i], x1)
        yy1 = jnp.maximum(y1[i], y1)
        xx2 = jnp.minimum(x2[i], x2)
        yy2 = jnp.minimum(y2[i], y2)
        inter = jnp.maximum(xx2 - xx1, 0.0) * jnp.maximum(yy2 - yy1, 0.0)
        iou = inter / (areas[i] + areas - inter + 1e-9)
        sup = (iou > thresh) & (ar > i)
        return jnp.where(keep[i], keep & (~sup), keep)

    return jax.lax.fori_loop(0, n, body, init_keep)


def proposal_layer(loc, score, anchor, img_size, scale=1.0):
    roi = loc2bbox(anchor, loc)
    w_img = img_size[1].astype(jnp.float32)
    h_img = img_size[0].astype(jnp.float32)
    x1 = jnp.clip(roi[:, 0], 0.0, w_img)
    x2 = jnp.clip(roi[:, 2], 0.0, w_img)
    y1 = jnp.clip(roi[:, 1], 0.0, h_img)
    y2 = jnp.clip(roi[:, 3], 0.0, h_img)
    roi = jnp.stack([x1, y1, x2, y2], axis=1)
    min_size = MIN_SIZE * scale
    valid = ((x2 - x1) >= min_size) & ((y2 - y1) >= min_size)
    masked = jnp.where(valid, score, -jnp.inf)
    order = jnp.argsort(-masked)[:N_PRE_NMS]
    roi_s = jnp.take(roi, order, axis=0)
    valid_s = jnp.take(valid, order, axis=0)
    keep = nms_keep(jax.lax.stop_gradient(roi_s), valid_s, NMS_IOU)
    idx = jnp.nonzero(keep, size=N_POST_NMS, fill_value=0)[0]
    return jnp.take(roi_s, idx, axis=0)


def _conv(x, w, b):
    y = jax.lax.conv_general_dilated(x, w, (1, 1), 'SAME', dimension_numbers=('NCHW', 'OIHW', 'NCHW'))
    return y + b[None, :, None, None]


def setup_inputs(seed: int = 0):
    key = jax.random.key(seed)
    ks = jax.random.split(key, 6)
    N, C, H, W = 2, 512, 32, 32
    mid, n_anchor = 512, 9
    return {
        'x': jax.random.normal(ks[0], (N, C, H, W), dtype=jnp.float32),
        'img_size': jnp.array([512, 512], dtype=jnp.int32),
        'conv1_w': 0.01 * jax.random.normal(ks[1], (mid, C, 3, 3), dtype=jnp.float32),
        'conv1_b': jnp.zeros((mid,), dtype=jnp.float32),
        'score_w': 0.01 * jax.random.normal(ks[2], (n_anchor * 2, mid, 1, 1), dtype=jnp.float32),
        'score_b': jnp.zeros((n_anchor * 2,), dtype=jnp.float32),
        'loc_w': 0.01 * jax.random.normal(ks[3], (n_anchor * 4, mid, 1, 1), dtype=jnp.float32),
        'loc_b': jnp.zeros((n_anchor * 4,), dtype=jnp.float32),
        'scale': jnp.array(1.0, dtype=jnp.float32),
    }


def reference(x, img_size, conv1_w, conv1_b, score_w, score_b, loc_w, loc_b, scale=1.0):
    n, _, h, w = x.shape
    feat = jax.nn.relu(_conv(x, conv1_w, conv1_b))
    rpn_locs = _conv(feat, loc_w, loc_b).transpose(0, 2, 3, 1).reshape(n, -1, 4)
    rpn_scores = _conv(feat, score_w, score_b).transpose(0, 2, 3, 1).reshape(n, -1, 2)
    rpn_fg = jax.nn.softmax(rpn_scores, axis=-1)[:, :, 1]
    anchor = jnp.asarray(enumerate_shifted_anchor(generate_anchor_base(), FEAT_STRIDE, h, w))
    rois = []
    roi_indices = []
    for i in range(n):
        roi = proposal_layer(rpn_locs[i], rpn_fg[i], anchor, img_size, scale)
        rois.append(roi[None])
        roi_indices.append(jnp.full((1, N_POST_NMS), float(i), dtype=jnp.float32))
    rois = jnp.concatenate(rois, axis=0)
    roi_indices = jnp.concatenate(roi_indices, axis=0)
    return (rpn_locs, rpn_scores, rois, roi_indices, anchor[None].astype(jnp.float32))

if __name__ == "__main__":
    import jax
    _d = setup_inputs()
    print(jax.jit(kernel)(*tuple(_d.values())))

</pallas_src>

<mosaic_0001>
module attributes {stable_mosaic.version = 14 : i64} {
  func.func @_ka_body(%arg0: i32, %arg1: memref<1x1024x512xf32, #tpu.memory_space<vmem>>, %arg2: memref<9x512x512xf32, #tpu.memory_space<vmem>>, %arg3: memref<1x512xf32, #tpu.memory_space<vmem>>, %arg4: memref<512x18xf32, #tpu.memory_space<vmem>>, %arg5: memref<1x18xf32, #tpu.memory_space<vmem>>, %arg6: memref<512x36xf32, #tpu.memory_space<vmem>>, %arg7: memref<1x36xf32, #tpu.memory_space<vmem>>, %arg8: memref<18x9xf32, #tpu.memory_space<vmem>>, %arg9: memref<18x9xf32, #tpu.memory_space<vmem>>, %arg10: memref<36x9xf32, #tpu.memory_space<vmem>>, %arg11: memref<36x9xf32, #tpu.memory_space<vmem>>, %arg12: memref<36x9xf32, #tpu.memory_space<vmem>>, %arg13: memref<36x9xf32, #tpu.memory_space<vmem>>, %arg14: memref<1024x9xf32, #tpu.memory_space<vmem>>, %arg15: memref<1024x9xf32, #tpu.memory_space<vmem>>, %arg16: memref<1024x9xf32, #tpu.memory_space<vmem>>, %arg17: memref<1024x9xf32, #tpu.memory_space<vmem>>, %arg18: memref<1x8xf32, #tpu.memory_space<vmem>>, %arg19: memref<1x1024x18xf32, #tpu.memory_space<vmem>>, %arg20: memref<1x1024x36xf32, #tpu.memory_space<vmem>>, %arg21: memref<1x1024x9xf32, #tpu.memory_space<vmem>>, %arg22: memref<1x1024x9xf32, #tpu.memory_space<vmem>>, %arg23: memref<1x1024x9xf32, #tpu.memory_space<vmem>>, %arg24: memref<1x1024x9xf32, #tpu.memory_space<vmem>>, %arg25: memref<1x1024x9xf32, #tpu.memory_space<vmem>>) attributes {dimension_semantics = [#tpu.dimension_semantics<arbitrary>], iteration_bounds = array<i64: 2>, scalar_prefetch = 0 : i64, scratch_operands = 0 : i64, tpu.core_type = #tpu.core_type<tc>, window_params = [{transform_indices = @transform_0, window_bounds = array<i64: 1, 1024, 512>}, {pipeline_mode = #tpu.pipeline_mode<synchronous>, transform_indices = @transform_1, window_bounds = array<i64: 9, 512, 512>}, {pipeline_mode = #tpu.pipeline_mode<synchronous>, transform_indices = @transform_2, window_bounds = array<i64: 1, 512>}, {pipeline_mode = #tpu.pipeline_mode<synchronous>, transform_indices = @transform_3, window_bounds = array<i64: 512, 18>}, {pipeline_mode = #tpu.pipeline_mode<synchronous>, transform_indices = @transform_4, window_bounds = array<i64: 1, 18>}, {pipeline_mode = #tpu.pipeline_mode<synchronous>, transform_indices = @transform_5, window_bounds = array<i64: 512, 36>}, {pipeline_mode = #tpu.pipeline_mode<synchronous>, transform_indices = @transform_6, window_bounds = array<i64: 1, 36>}, {pipeline_mode = #tpu.pipeline_mode<synchronous>, transform_indices = @transform_7, window_bounds = array<i64: 18, 9>}, {pipeline_mode = #tpu.pipeline_mode<synchronous>, transform_indices = @transform_8, window_bounds = array<i64: 18, 9>}, {pipeline_mode = #tpu.pipeline_mode<synchronous>, transform_indices = @transform_9, window_bounds = array<i64: 36, 9>}, {pipeline_mode = #tpu.pipeline_mode<synchronous>, transform_indices = @transform_10, window_bounds = array<i64: 36, 9>}, {pipeline_mode = #tpu.pipeline_mode<synchronous>, transform_indices = @transform_11, window_bounds = array<i64: 36, 9>}, {pipeline_mode = #tpu.pipeline_mode<synchronous>, transform_indices = @transform_12, window_bounds = array<i64: 36, 9>}, {pipeline_mode = #tpu.pipeline_mode<synchronous>, transform_indices = @transform_13, window_bounds = array<i64: 1024, 9>}, {pipeline_mode = #tpu.pipeline_mode<synchronous>, transform_indices = @transform_14, window_bounds = array<i64: 1024, 9>}, {pipeline_mode = #tpu.pipeline_mode<synchronous>, transform_indices = @transform_15, window_bounds = array<i64: 1024, 9>}, {pipeline_mode = #tpu.pipeline_mode<synchronous>, transform_indices = @transform_16, window_bounds = array<i64: 1024, 9>}, {pipeline_mode = #tpu.pipeline_mode<synchronous>, transform_indices = @transform_17, window_bounds = array<i64: 1, 8>}, {transform_indices = @transform_18, window_bounds = array<i64: 1, 1024, 18>}, {transform_indices = @transform_19, window_bounds = array<i64: 1, 1024, 36>}, {transform_indices = @transform_20, window_bounds = array<i64: 1, 1024, 9>}, {transform_indices = @transform_21, window_bounds = array<i64: 1, 1024, 9>}, {transform_indices = @transform_22, window_bounds = array<i64: 1, 1024, 9>}, {transform_indices = @transform_23, window_bounds = array<i64: 1, 1024, 9>}, {transform_indices = @transform_24, window_bounds = array<i64: 1, 1024, 9>}]} {
    %get3A = arith.constant 0 : index
    %get3A_0 = arith.constant 0 : index
    %get3A_1 = arith.constant 0 : index
    %get3A_2 = vector.load %arg1[%get3A, %get3A_0, %get3A_1] : memref<1x1024x512xf32, #tpu.memory_space<vmem>>, vector<1x1024x512xf32>
    %get3A_3 = vector.shape_cast %get3A_2 : vector<1x1024x512xf32> to vector<1024x512xf32>
    %iota3A = tpu.iota {dimensions = array<i32: 0>} : vector<1024x1xi32>
    %jit3A = arith.constant 32 : i32
    %div3A = vector.broadcast %jit3A : i32 to vector<1024x1xi32>
    %div3A_4 = arith.divsi %iota3A, %div3A : vector<1024x1xi32>
    %sign3A = arith.constant 0 : i32
    %sign3A_5 = vector.broadcast %sign3A : i32 to vector<1024x1xi32>
    %sign3A_6 = arith.cmpi sgt, %iota3A, %sign3A_5 : vector<1024x1xi32>
    %sign3A_7 = arith.extui %sign3A_6 : vector<1024x1xi1> to vector<1024x1xi32>
    %sign3A_8 = arith.constant 0 : i32
    %sign3A_9 = vector.broadcast %sign3A_8 : i32 to vector<1024x1xi32>
    %sign3A_10 = arith.cmpi slt, %iota3A, %sign3A_9 : vector<1024x1xi32>
    %sign3A_11 = arith.extui %sign3A_10 : vector<1024x1xi1> to vector<1024x1xi32>
    %sign3A_12 = arith.subi %sign3A_7, %sign3A_11 : vector<1024x1xi32>
    %sign3A_13 = arith.constant 0 : i32
    %sign3A_14 = arith.cmpi sgt, %jit3A, %sign3A_13 : i32
    %sign3A_15 = arith.extui %sign3A_14 : i1 to i32
    %sign3A_16 = arith.constant 0 : i32
    %sign3A_17 = arith.cmpi slt, %jit3A, %sign3A_16 : i32
    %sign3A_18 = arith.extui %sign3A_17 : i1 to i32
    %sign3A_19 = arith.subi %sign3A_15, %sign3A_18 : i32
    %ne3A = vector.broadcast %sign3A_19 : i32 to vector<1024x1xi32>
    %ne3A_20 = arith.cmpi ne, %sign3A_12, %ne3A : vector<1024x1xi32>
    %rem3A = vector.broadcast %jit3A : i32 to vector<1024x1xi32>
    %rem3A_21 = arith.remsi %iota3A, %rem3A : vector<1024x1xi32>
    %ne3A_22 = arith.constant 0 : i32
    %ne3A_23 = vector.broadcast %ne3A_22 : i32 to vector<1024x1xi32>
    %ne3A_24 = arith.cmpi ne, %rem3A_21, %ne3A_23 : vector<1024x1xi32>
    %and3A = arith.andi %ne3A_20, %ne3A_24 : vector<1024x1xi1>
    %sub3A = arith.constant 1 : i32
    %sub3A_25 = vector.broadcast %sub3A : i32 to vector<1024x1xi32>
    %sub3A_26 = arith.subi %div3A_4, %sub3A_25 : vector<1024x1xi32>
    %select_n3A = arith.select %and3A, %sub3A_26, %div3A_4 : vector<1024x1xi1>, vector<1024x1xi32>
    %jit3A_27 = arith.constant 32 : i32
    %eq3A = arith.constant 0 : i32
    %eq3A_28 = arith.cmpi eq, %jit3A_27, %eq3A : i32
    %jit3A_29 = arith.constant 1 : i32
    %select_n3A_30 = arith.select %eq3A_28, %jit3A_29, %jit3A_27 : i32
    %rem3A_31 = vector.broadcast %select_n3A_30 : i32 to vector<1024x1xi32>
    %rem3A_32 = arith.remsi %iota3A, %rem3A_31 : vector<1024x1xi32>
    %ne3A_33 = arith.constant 0 : i32
    %ne3A_34 = vector.broadcast %ne3A_33 : i32 to vector<1024x1xi32>
    %ne3A_35 = arith.cmpi ne, %rem3A_32, %ne3A_34 : vector<1024x1xi32>
    %lt3A = arith.constant 0 : i32
    %lt3A_36 = vector.broadcast %lt3A : i32 to vector<1024x1xi32>
    %lt3A_37 = arith.cmpi slt, %rem3A_32, %lt3A_36 : vector<1024x1xi32>
    %lt3A_38 = arith.constant 0 : i32
    %lt3A_39 = arith.cmpi slt, %select_n3A_30, %lt3A_38 : i32
    %ne3A_40 = vector.broadcast %lt3A_39 : i1 to vector<1024x1xi1>
    %ne3A_41 = vector.broadcast %ne3A_40 : vector<1024x1xi1> to vector<1024x1xi1>
    %ne3A_42 = arith.xori %lt3A_37, %ne3A_41 : vector<1024x1xi1>
    %and3A_43 = arith.andi %ne3A_42, %ne3A_35 : vector<1024x1xi1>
    %add3A = vector.broadcast %select_n3A_30 : i32 to vector<1024x1xi32>
    %add3A_44 = arith.addi %rem3A_32, %add3A : vector<1024x1xi32>
    %select_n3A_45 = arith.select %and3A_43, %add3A_44, %rem3A_32 : vector<1024x1xi1>, vector<1024x1xi32>
    %slice3A = vector.extract_strided_slice %get3A_3 {offsets = [991, 0], sizes = [33, 512], strides = [1, 1]} : vector<1024x512xf32> to vector<33x512xf32>
    %slice3A_46 = vector.extract_strided_slice %get3A_3 {offsets = [0, 0], sizes = [991, 512], strides = [1, 1]} : vector<1024x512xf32> to vector<991x512xf32>
    %concatenate3A = tpu.concatenate %slice3A, %slice3A_46 in 0 : vector<33x512xf32>, vector<991x512xf32> -> vector<1024x512xf32>
    %add3A_47 = arith.constant -1 : i32
    %add3A_48 = vector.broadcast %add3A_47 : i32 to vector<1024x1xi32>
    %add3A_49 = arith.addi %select_n3A, %add3A_48 : vector<1024x1xi32>
    %ge3A = arith.constant 0 : i32
    %ge3A_50 = vector.broadcast %ge3A : i32 to vector<1024x1xi32>
    %ge3A_51 = arith.cmpi sge, %add3A_49, %ge3A_50 : vector<1024x1xi32>
    %add3A_52 = arith.constant -1 : i32
    %add3A_53 = vector.broadcast %add3A_52 : i32 to vector<1024x1xi32>
    %add3A_54 = arith.addi %select_n3A, %add3A_53 : vector<1024x1xi32>
    %lt3A_55 = arith.constant 32 : i32
    %lt3A_56 = vector.broadcast %lt3A_55 : i32 to vector<1024x1xi32>
    %lt3A_57 = arith.cmpi slt, %add3A_54, %lt3A_56 : vector<1024x1xi32>
    %and3A_58 = arith.andi %ge3A_51, %lt3A_57 : vector<1024x1xi1>
    %add3A_59 = arith.constant -1 : i32
    %add3A_60 = vector.broadcast %add3A_59 : i32 to vector<1024x1xi32>
    %add3A_61 = arith.addi %select_n3A_45, %add3A_60 : vector<1024x1xi32>
    %ge3A_62 = arith.constant 0 : i32
    %ge3A_63 = vector.broadcast %ge3A_62 : i32 to vector<1024x1xi32>
    %ge3A_64 = arith.cmpi sge, %add3A_61, %ge3A_63 : vector<1024x1xi32>
    %and3A_65 = arith.andi %and3A_58, %ge3A_64 : vector<1024x1xi1>
    %add3A_66 = arith.constant -1 : i32
    %add3A_67 = vector.broadcast %add3A_66 : i32 to vector<1024x1xi32>
    %add3A_68 = arith.addi %select_n3A_45, %add3A_67 : vector<1024x1xi32>
    %lt3A_69 = arith.constant 32 : i32
    %lt3A_70 = vector.broadcast %lt3A_69 : i32 to vector<1024x1xi32>
    %lt3A_71 = arith.cmpi slt, %add3A_68, %lt3A_70 : vector<1024x1xi32>
    %and3A_72 = arith.andi %and3A_65, %lt3A_71 : vector<1024x1xi1>
    %convert_element_type3A = arith.extui %and3A_72 : vector<1024x1xi1> to vector<1024x1xi32>
    %convert_element_type3A_73 = arith.sitofp %convert_element_type3A : vector<1024x1xi32> to vector<1024x1xf32>
    %mul3A = vector.broadcast %convert_element_type3A_73 : vector<1024x1xf32> to vector<1024x512xf32>
    %mul3A_74 = arith.mulf %concatenate3A, %mul3A : vector<1024x512xf32>
    %slice3A_75 = vector.extract_strided_slice %mul3A_74 {offsets = [0, 0], sizes = [1024, 256], strides = [1, 1]} : vector<1024x512xf32> to vector<1024x256xf32>
    %get3A_76 = arith.constant 0 : index
    %get3A_77 = arith.constant 0 : index
    %get3A_78 = arith.constant 0 : index
    %get3A_79 = vector.load %arg2[%get3A_76, %get3A_77, %get3A_78] : memref<9x512x512xf32, #tpu.memory_space<vmem>>, vector<1x256x512xf32>
    %get3A_80 = vector.shape_cast %get3A_79 : vector<1x256x512xf32> to vector<256x512xf32>
    %dot_general3A = arith.constant dense<0.000000e+00> : vector<1024x512xf32>
    %dot_general3A_81 = tpu.matmul %slice3A_75, %get3A_80, %dot_general3A {dimension_numbers = #tpu.dot_dimension_numbers<[1], [0], [0], [1], [0, 0, 1, 1], [], []>, transpose_lhs_hint = false} : vector<1024x256xf32>, vector<256x512xf32>, vector<1024x512xf32> -> vector<1024x512xf32>
    %slice3A_82 = vector.extract_strided_slice %mul3A_74 {offsets = [0, 256], sizes = [1024, 256], strides = [1, 1]} : vector<1024x512xf32> to vector<1024x256xf32>
    %get3A_83 = arith.constant 0 : index
    %get3A_84 = arith.constant 256 : index
    %get3A_85 = arith.constant 0 : index
    %get3A_86 = vector.load %arg2[%get3A_83, %get3A_84, %get3A_85] : memref<9x512x512xf32, #tpu.memory_space<vmem>>, vector<1x256x512xf32>
    %get3A_87 = vector.shape_cast %get3A_86 : vector<1x256x512xf32> to vector<256x512xf32>
    %dot_general3A_88 = arith.constant dense<0.000000e+00> : vector<1024x512xf32>
    %dot_general3A_89 = tpu.matmul %slice3A_82, %get3A_87, %dot_general3A_88 {dimension_numbers = #tpu.dot_dimension_numbers<[1], [0], [0], [1], [0, 0, 1, 1], [], []>, transpose_lhs_hint = false} : vector<1024x256xf32>, vector<256x512xf32>, vector<1024x512xf32> -> vector<1024x512xf32>
    %slice3A_90 = vector.extract_strided_slice %get3A_3 {offsets = [992, 0], sizes = [32, 512], strides = [1, 1]} : vector<1024x512xf32> to vector<32x512xf32>
    %slice3A_91 = vector.extract_strided_slice %get3A_3 {offsets = [0, 0], sizes = [992, 512], strides = [1, 1]} : vector<1024x512xf32> to vector<992x512xf32>
    %concatenate3A_92 = tpu.concatenate %slice3A_90, %slice3A_91 in 0 : vector<32x512xf32>, vector<992x512xf32> -> vector<1024x512xf32>
    %add3A_93 = arith.constant -1 : i32
    %add3A_94 = vector.broadcast %add3A_93 : i32 to vector<1024x1xi32>
    %add3A_95 = arith.addi %select_n3A, %add3A_94 : vector<1024x1xi32>
    %ge3A_96 = arith.constant 0 : i32
    %ge3A_97 = vector.broadcast %ge3A_96 : i32 to vector<1024x1xi32>
    %ge3A_98 = arith.cmpi sge, %add3A_95, %ge3A_97 : vector<1024x1xi32>
    %add3A_99 = arith.constant -1 : i32
    %add3A_100 = vector.broadcast %add3A_99 : i32 to vector<1024x1xi32>
    %add3A_101 = arith.addi %select_n3A, %add3A_100 : vector<1024x1xi32>
    %lt3A_102 = arith.constant 32 : i32
    %lt3A_103 = vector.broadcast %lt3A_102 : i32 to vector<1024x1xi32>
    %lt3A_104 = arith.cmpi slt, %add3A_101, %lt3A_103 : vector<1024x1xi32>
    %and3A_105 = arith.andi %ge3A_98, %lt3A_104 : vector<1024x1xi1>
    %add3A_106 = arith.constant 0 : i32
    %add3A_107 = vector.broadcast %add3A_106 : i32 to vector<1024x1xi32>
    %add3A_108 = arith.addi %select_n3A_45, %add3A_107 : vector<1024x1xi32>
    %ge3A_109 = arith.constant 0 : i32
    %ge3A_110 = vector.broadcast %ge3A_109 : i32 to vector<1024x1xi32>
    %ge3A_111 = arith.cmpi sge, %add3A_108, %ge3A_110 : vector<1024x1xi32>
    %and3A_112 = arith.andi %and3A_105, %ge3A_111 : vector<1024x1xi1>
    %add3A_113 = arith.constant 0 : i32
    %add3A_114 = vector.broadcast %add3A_113 : i32 to vector<1024x1xi32>
    %add3A_115 = arith.addi %select_n3A_45, %add3A_114 : vector<1024x1xi32>
    %lt3A_116 = arith.constant 32 : i32
    %lt3A_117 = vector.broadcast %lt3A_116 : i32 to vector<1024x1xi32>
    %lt3A_118 = arith.cmpi slt, %add3A_115, %lt3A_117 : vector<1024x1xi32>
    %and3A_119 = arith.andi %and3A_112, %lt3A_118 : vector<1024x1xi1>
    %convert_element_type3A_120 = arith.extui %and3A_119 : vector<1024x1xi1> to vector<1024x1xi32>
    %convert_element_type3A_121 = arith.sitofp %convert_element_type3A_120 : vector<1024x1xi32> to vector<1024x1xf32>
    %mul3A_122 = vector.broadcast %convert_element_type3A_121 : vector<1024x1xf32> to vector<1024x512xf32>
    %mul3A_123 = arith.mulf %concatenate3A_92, %mul3A_122 : vector<1024x512xf32>
    %slice3A_124 = vector.extract_strided_slice %mul3A_123 {offsets = [0, 0], sizes = [1024, 256], strides = [1, 1]} : vector<1024x512xf32> to vector<1024x256xf32>
    %get3A_125 = arith.constant 1 : index
    %get3A_126 = arith.constant 0 : index
    %get3A_127 = arith.constant 0 : index
    %get3A_128 = vector.load %arg2[%get3A_125, %get3A_126, %get3A_127] : memref<9x512x512xf32, #tpu.memory_space<vmem>>, vector<1x256x512xf32>
    %get3A_129 = vector.shape_cast %get3A_128 : vector<1x256x512xf32> to vector<256x512xf32>
    %dot_general3A_130 = arith.constant dense<0.000000e+00> : vector<1024x512xf32>
    %dot_general3A_131 = tpu.matmul %slice3A_124, %get3A_129, %dot_general3A_130 {dimension_numbers = #tpu.dot_dimension_numbers<[1], [0], [0], [1], [0, 0, 1, 1], [], []>, transpose_lhs_hint = false} : vector<1024x256xf32>, vector<256x512xf32>, vector<1024x512xf32> -> vector<1024x512xf32>
    %slice3A_132 = vector.extract_strided_slice %mul3A_123 {offsets = [0, 256], sizes = [1024, 256], strides = [1, 1]} : vector<1024x512xf32> to vector<1024x256xf32>
    %get3A_133 = arith.constant 1 : index
    %get3A_134 = arith.constant 256 : index
    %get3A_135 = arith.constant 0 : index
    %get3A_136 = vector.load %arg2[%get3A_133, %get3A_134, %get3A_135] : memref<9x512x512xf32, #tpu.memory_space<vmem>>, vector<1x256x512xf32>
    %get3A_137 = vector.shape_cast %get3A_136 : vector<1x256x512xf32> to vector<256x512xf32>
    %dot_general3A_138 = arith.constant dense<0.000000e+00> : vector<1024x512xf32>
    %dot_general3A_139 = tpu.matmul %slice3A_132, %get3A_137, %dot_general3A_138 {dimension_numbers = #tpu.dot_dimension_numbers<[1], [0], [0], [1], [0, 0, 1, 1], [], []>, transpose_lhs_hint = false} : vector<1024x256xf32>, vector<256x512xf32>, vector<1024x512xf32> -> vector<1024x512xf32>
    %slice3A_140 = vector.extract_strided_slice %get3A_3 {offsets = [993, 0], sizes = [31, 512], strides = [1, 1]} : vector<1024x512xf32> to vector<31x512xf32>
    %slice3A_141 = vector.extract_strided_slice %get3A_3 {offsets = [0, 0], sizes = [993, 512], strides = [1, 1]} : vector<1024x512xf32> to vector<993x512xf32>
    %concatenate3A_142 = tpu.concatenate %slice3A_140, %slice3A_141 in 0 : vector<31x512xf32>, vector<993x512xf32> -> vector<1024x512xf32>
    %add3A_143 = arith.constant -1 : i32
    %add3A_144 = vector.broadcast %add3A_143 : i32 to vector<1024x1xi32>
    %add3A_145 = arith.addi %select_n3A, %add3A_144 : vector<1024x1xi32>
    %ge3A_146 = arith.constant 0 : i32
    %ge3A_147 = vector.broadcast %ge3A_146 : i32 to vector<1024x1xi32>
    %ge3A_148 = arith.cmpi sge, %add3A_145, %ge3A_147 : vector<1024x1xi32>
    %add3A_149 = arith.constant -1 : i32
    %add3A_150 = vector.broadcast %add3A_149 : i32 to vector<1024x1xi32>
    %add3A_151 = arith.addi %select_n3A, %add3A_150 : vector<1024x1xi32>
    %lt3A_152 = arith.constant 32 : i32
    %lt3A_153 = vector.broadcast %lt3A_152 : i32 to vector<1024x1xi32>
    %lt3A_154 = arith.cmpi slt, %add3A_151, %lt3A_153 : vector<1024x1xi32>
    %and3A_155 = arith.andi %ge3A_148, %lt3A_154 : vector<1024x1xi1>
    %add3A_156 = arith.constant 1 : i32
    %add3A_157 = vector.broadcast %add3A_156 : i32 to vector<1024x1xi32>
    %add3A_158 = arith.addi %select_n3A_45, %add3A_157 : vector<1024x1xi32>
    %ge3A_159 = arith.constant 0 : i32
    %ge3A_160 = vector.broadcast %ge3A_159 : i32 to vector<1024x1xi32>
    %ge3A_161 = arith.cmpi sge, %add3A_158, %ge3A_160 : vector<1024x1xi32>
    %and3A_162 = arith.andi %and3A_155, %ge3A_161 : vector<1024x1xi1>
    %add3A_163 = arith.constant 1 : i32
    %add3A_164 = vector.broadcast %add3A_163 : i32 to vector<1024x1xi32>
    %add3A_165 = arith.addi %select_n3A_45, %add3A_164 : vector<1024x1xi32>
    %lt3A_166 = arith.constant 32 : i32
    %lt3A_167 = vector.broadcast %lt3A_166 : i32 to vector<1024x1xi32>
    %lt3A_168 = arith.cmpi slt, %add3A_165, %lt3A_167 : vector<1024x1xi32>
    %and3A_169 = arith.andi %and3A_162, %lt3A_168 : vector<1024x1xi1>
    %convert_element_type3A_170 = arith.extui %and3A_169 : vector<1024x1xi1> to vector<1024x1xi32>
    %convert_element_type3A_171 = arith.sitofp %convert_element_type3A_170 : vector<1024x1xi32> to vector<1024x1xf32>
    %mul3A_172 = vector.broadcast %convert_element_type3A_171 : vector<1024x1xf32> to vector<1024x512xf32>
    %mul3A_173 = arith.mulf %concatenate3A_142, %mul3A_172 : vector<1024x512xf32>
    %slice3A_174 = vector.extract_strided_slice %mul3A_173 {offsets = [0, 0], sizes = [1024, 256], strides = [1, 1]} : vector<1024x512xf32> to vector<1024x256xf32>
    %get3A_175 = arith.constant 2 : index
    %get3A_176 = arith.constant 0 : index
    %get3A_177 = arith.constant 0 : index
    %get3A_178 = vector.load %arg2[%get3A_175, %get3A_176, %get3A_177] : memref<9x512x512xf32, #tpu.memory_space<vmem>>, vector<1x256x512xf32>
    %get3A_179 = vector.shape_cast %get3A_178 : vector<1x256x512xf32> to vector<256x512xf32>
    %dot_general3A_180 = arith.constant dense<0.000000e+00> : vector<1024x512xf32>
    %dot_general3A_181 = tpu.matmul %slice3A_174, %get3A_179, %dot_general3A_180 {dimension_numbers = #tpu.dot_dimension_numbers<[1], [0], [0], [1], [0, 0, 1, 1], [], []>, transpose_lhs_hint = false} : vector<1024x256xf32>, vector<256x512xf32>, vector<1024x512xf32> -> vector<1024x512xf32>
    %slice3A_182 = vector.extract_strided_slice %mul3A_173 {offsets = [0, 256], sizes = [1024, 256], strides = [1, 1]} : vector<1024x512xf32> to vector<1024x256xf32>
    %get3A_183 = arith.constant 2 : index
    %get3A_184 = arith.constant 256 : index
    %get3A_185 = arith.constant 0 : index
    %get3A_186 = vector.load %arg2[%get3A_183, %get3A_184, %get3A_185] : memref<9x512x512xf32, #tpu.memory_space<vmem>>, vector<1x256x512xf32>
    %get3A_187 = vector.shape_cast %get3A_186 : vector<1x256x512xf32> to vector<256x512xf32>
    %dot_general3A_188 = arith.constant dense<0.000000e+00> : vector<1024x512xf32>
    %dot_general3A_189 = tpu.matmul %slice3A_182, %get3A_187, %dot_general3A_188 {dimension_numbers = #tpu.dot_dimension_numbers<[1], [0], [0], [1], [0, 0, 1, 1], [], []>, transpose_lhs_hint = false} : vector<1024x256xf32>, vector<256x512xf32>, vector<1024x512xf32> -> vector<1024x512xf32>
    %slice3A_190 = vector.extract_strided_slice %get3A_3 {offsets = [1023, 0], sizes = [1, 512], strides = [1, 1]} : vector<1024x512xf32> to vector<1x512xf32>
    %slice3A_191 = vector.extract_strided_slice %get3A_3 {offsets = [0, 0], sizes = [1023, 512], strides = [1, 1]} : vector<1024x512xf32> to vector<1023x512xf32>
    %concatenate3A_192 = tpu.concatenate %slice3A_190, %slice3A_191 in 0 : vector<1x512xf32>, vector<1023x512xf32> -> vector<1024x512xf32>
    %add3A_193 = arith.constant 0 : i32
    %add3A_194 = vector.broadcast %add3A_193 : i32 to vector<1024x1xi32>
    %add3A_195 = arith.addi %select_n3A, %add3A_194 : vector<1024x1xi32>
    %ge3A_196 = arith.constant 0 : i32
    %ge3A_197 = vector.broadcast %ge3A_196 : i32 to vector<1024x1xi32>
    %ge3A_198 = arith.cmpi sge, %add3A_195, %ge3A_197 : vector<1024x1xi32>
    %add3A_199 = arith.constant 0 : i32
    %add3A_200 = vector.broadcast %add3A_199 : i32 to vector<1024x1xi32>
    %add3A_201 = arith.addi %select_n3A, %add3A_200 : vector<1024x1xi32>
    %lt3A_202 = arith.constant 32 : i32
    %lt3A_203 = vector.broadcast %lt3A_202 : i32 to vector<1024x1xi32>
    %lt3A_204 = arith.cmpi slt, %add3A_201, %lt3A_203 : vector<1024x1xi32>
    %and3A_205 = arith.andi %ge3A_198, %lt3A_204 : vector<1024x1xi1>
    %add3A_206 = arith.constant -1 : i32
    %add3A_207 = vector.broadcast %add3A_206 : i32 to vector<1024x1xi32>
    %add3A_208 = arith.addi %select_n3A_45, %add3A_207 : vector<1024x1xi32>
    %ge3A_209 = arith.constant 0 : i32
    %ge3A_210 = vector.broadcast %ge3A_209 : i32 to vector<1024x1xi32>
    %ge3A_211 = arith.cmpi sge, %add3A_208, %ge3A_210 : vector<1024x1xi32>
    %and3A_212 = arith.andi %and3A_205, %ge3A_211 : vector<1024x1xi1>
    %add3A_213 = arith.constant -1 : i32
    %add3A_214 = vector.broadcast %add3A_213 : i32 to vector<1024x1xi32>
    %add3A_215 = arith.addi %select_n3A_45, %add3A_214 : vector<1024x1xi32>
    %lt3A_216 = arith.constant 32 : i32
    %lt3A_217 = vector.broadcast %lt3A_216 : i32 to vector<1024x1xi32>
    %lt3A_218 = arith.cmpi slt, %add3A_215, %lt3A_217 : vector<1024x1xi32>
    %and3A_219 = arith.andi %and3A_212, %lt3A_218 : vector<1024x1xi1>
    %convert_element_type3A_220 = arith.extui %and3A_219 : vector<1024x1xi1> to vector<1024x1xi32>
    %convert_element_type3A_221 = arith.sitofp %convert_element_type3A_220 : vector<1024x1xi32> to vector<1024x1xf32>
    %mul3A_222 = vector.broadcast %convert_element_type3A_221 : vector<1024x1xf32> to vector<1024x512xf32>
    %mul3A_223 = arith.mulf %concatenate3A_192, %mul3A_222 : vector<1024x512xf32>
    %slice3A_224 = vector.extract_strided_slice %mul3A_223 {offsets = [0, 0], sizes = [1024, 256], strides = [1, 1]} : vector<1024x512xf32> to vector<1024x256xf32>
    %get3A_225 = arith.constant 3 : index
    %get3A_226 = arith.constant 0 : index
    %get3A_227 = arith.constant 0 : index
    %get3A_228 = vector.load %arg2[%get3A_225, %get3A_226, %get3A_227] : memref<9x512x512xf32, #tpu.memory_space<vmem>>, vector<1x256x512xf32>
    %get3A_229 = vector.shape_cast %get3A_228 : vector<1x256x512xf32> to vector<256x512xf32>
    %dot_general3A_230 = arith.constant dense<0.000000e+00> : vector<1024x512xf32>
    %dot_general3A_231 = tpu.matmul %slice3A_224, %get3A_229, %dot_general3A_230 {dimension_numbers = #tpu.dot_dimension_numbers<[1], [0], [0], [1], [0, 0, 1, 1], [], []>, transpose_lhs_hint = false} : vector<1024x256xf32>, vector<256x512xf32>, vector<1024x512xf32> -> vector<1024x512xf32>
    %slice3A_232 = vector.extract_strided_slice %mul3A_223 {offsets = [0, 256], sizes = [1024, 256], strides = [1, 1]} : vector<1024x512xf32> to vector<1024x256xf32>
    %get3A_233 = arith.constant 3 : index
    %get3A_234 = arith.constant 256 : index
    %get3A_235 = arith.constant 0 : index
    %get3A_236 = vector.load %arg2[%get3A_233, %get3A_234, %get3A_235] : memref<9x512x512xf32, #tpu.memory_space<vmem>>, vector<1x256x512xf32>
    %get3A_237 = vector.shape_cast %get3A_236 : vector<1x256x512xf32> to vector<256x512xf32>
    %dot_general3A_238 = arith.constant dense<0.000000e+00> : vector<1024x512xf32>
    %dot_general3A_239 = tpu.matmul %slice3A_232, %get3A_237, %dot_general3A_238 {dimension_numbers = #tpu.dot_dimension_numbers<[1], [0], [0], [1], [0, 0, 1, 1], [], []>, transpose_lhs_hint = false} : vector<1024x256xf32>, vector<256x512xf32>, vector<1024x512xf32> -> vector<1024x512xf32>
    %add3A_240 = arith.constant 0 : i32
    %add3A_241 = vector.broadcast %add3A_240 : i32 to vector<1024x1xi32>
    %add3A_242 = arith.addi %select_n3A, %add3A_241 : vector<1024x1xi32>
    %ge3A_243 = arith.constant 0 : i32
    %ge3A_244 = vector.broadcast %ge3A_243 : i32 to vector<1024x1xi32>
    %ge3A_245 = arith.cmpi sge, %add3A_242, %ge3A_244 : vector<1024x1xi32>
    %add3A_246 = arith.constant 0 : i32
    %add3A_247 = vector.broadcast %add3A_246 : i32 to vector<1024x1xi32>
    %add3A_248 = arith.addi %select_n3A, %add3A_247 : vector<1024x1xi32>
    %lt3A_249 = arith.constant 32 : i32
    %lt3A_250 = vector.broadcast %lt3A_249 : i32 to vector<1024x1xi32>
    %lt3A_251 = arith.cmpi slt, %add3A_248, %lt3A_250 : vector<1024x1xi32>
    %and3A_252 = arith.andi %ge3A_245, %lt3A_251 : vector<1024x1xi1>
    %add3A_253 = arith.constant 0 : i32
    %add3A_254 = vector.broadcast %add3A_253 : i32 to vector<1024x1xi32>
    %add3A_255 = arith.addi %select_n3A_45, %add3A_254 : vector<1024x1xi32>
    %ge3A_256 = arith.constant 0 : i32
    %ge3A_257 = vector.broadcast %ge3A_256 : i32 to vector<1024x1xi32>
    %ge3A_258 = arith.cmpi sge, %add3A_255, %ge3A_257 : vector<1024x1xi32>
    %and3A_259 = arith.andi %and3A_252, %ge3A_258 : vector<1024x1xi1>
    %add3A_260 = arith.constant 0 : i32
    %add3A_261 = vector.broadcast %add3A_260 : i32 to vector<1024x1xi32>
    %add3A_262 = arith.addi %select_n3A_45, %add3A_261 : vector<1024x1xi32>
    %lt3A_263 = arith.constant 32 : i32
    %lt3A_264 = vector.broadcast %lt3A_263 : i32 to vector<1024x1xi32>
    %lt3A_265 = arith.cmpi slt, %add3A_262, %lt3A_264 : vector<1024x1xi32>
    %and3A_266 = arith.andi %and3A_259, %lt3A_265 : vector<1024x1xi1>
    %convert_element_type3A_267 = arith.extui %and3A_266 : vector<1024x1xi1> to vector<1024x1xi32>
    %convert_element_type3A_268 = arith.sitofp %convert_element_type3A_267 : vector<1024x1xi32> to vector<1024x1xf32>
    %mul3A_269 = vector.broadcast %convert_element_type3A_268 : vector<1024x1xf32> to vector<1024x512xf32>
    %mul3A_270 = arith.mulf %get3A_3, %mul3A_269 : vector<1024x512xf32>
    %slice3A_271 = vector.extract_strided_slice %mul3A_270 {offsets = [0, 0], sizes = [1024, 256], strides = [1, 1]} : vector<1024x512xf32> to vector<1024x256xf32>
    %get3A_272 = arith.constant 4 : index
    %get3A_273 = arith.constant 0 : index
    %get3A_274 = arith.constant 0 : index
    %get3A_275 = vector.load %arg2[%get3A_272, %get3A_273, %get3A_274] : memref<9x512x512xf32, #tpu.memory_space<vmem>>, vector<1x256x512xf32>
    %get3A_276 = vector.shape_cast %get3A_275 : vector<1x256x512xf32> to vector<256x512xf32>
    %dot_general3A_277 = arith.constant dense<0.000000e+00> : vector<1024x512xf32>
    %dot_general3A_278 = tpu.matmul %slice3A_271, %get3A_276, %dot_general3A_277 {dimension_numbers = #tpu.dot_dimension_numbers<[1], [0], [0], [1], [0, 0, 1, 1], [], []>, transpose_lhs_hint = false} : vector<1024x256xf32>, vector<256x512xf32>, vector<1024x512xf32> -> vector<1024x512xf32>
    %slice3A_279 = vector.extract_strided_slice %mul3A_270 {offsets = [0, 256], sizes = [1024, 256], strides = [1, 1]} : vector<1024x512xf32> to vector<1024x256xf32>
    %get3A_280 = arith.constant 4 : index
    %get3A_281 = arith.constant 256 : index
    %get3A_282 = arith.constant 0 : index
    %get3A_283 = vector.load %arg2[%get3A_280, %get3A_281, %get3A_282] : memref<9x512x512xf32, #tpu.memory_space<vmem>>, vector<1x256x512xf32>
    %get3A_284 = vector.shape_cast %get3A_283 : vector<1x256x512xf32> to vector<256x512xf32>
    %dot_general3A_285 = arith.constant dense<0.000000e+00> : vector<1024x512xf32>
    %dot_general3A_286 = tpu.matmul %slice3A_279, %get3A_284, %dot_general3A_285 {dimension_numbers = #tpu.dot_dimension_numbers<[1], [0], [0], [1], [0, 0, 1, 1], [], []>, transpose_lhs_hint = false} : vector<1024x256xf32>, vector<256x512xf32>, vector<1024x512xf32> -> vector<1024x512xf32>
    %slice3A_287 = vector.extract_strided_slice %get3A_3 {offsets = [1, 0], sizes = [1023, 512], strides = [1, 1]} : vector<1024x512xf32> to vector<1023x512xf32>
    %slice3A_288 = vector.extract_strided_slice %get3A_3 {offsets = [0, 0], sizes = [1, 512], strides = [1, 1]} : vector<1024x512xf32> to vector<1x512xf32>
    %concatenate3A_289 = tpu.concatenate %slice3A_287, %slice3A_288 in 0 : vector<1023x512xf32>, vector<1x512xf32> -> vector<1024x512xf32>
    %add3A_290 = arith.constant 0 : i32
    %add3A_291 = vector.broadcast %add3A_290 : i32 to vector<1024x1xi32>
    %add3A_292 = arith.addi %select_n3A, %add3A_291 : vector<1024x1xi32>
    %ge3A_293 = arith.constant 0 : i32
    %ge3A_294 = vector.broadcast %ge3A_293 : i32 to vector<1024x1xi32>
    %ge3A_295 = arith.cmpi sge, %add3A_292, %ge3A_294 : vector<1024x1xi32>
    %add3A_296 = arith.constant 0 : i32
    %add3A_297 = vector.broadcast %add3A_296 : i32 to vector<1024x1xi32>
    %add3A_298 = arith.addi %select_n3A, %add3A_297 : vector<1024x1xi32>
    %lt3A_299 = arith.constant 32 : i32
    %lt3A_300 = vector.broadcast %lt3A_299 : i32 to vector<1024x1xi32>
    %lt3A_301 = arith.cmpi slt, %add3A_298, %lt3A_300 : vector<1024x1xi32>
    %and3A_302 = arith.andi %ge3A_295, %lt3A_301 : vector<1024x1xi1>
    %add3A_303 = arith.constant 1 : i32
    %add3A_304 = vector.broadcast %add3A_303 : i32 to vector<1024x1xi32>
    %add3A_305 = arith.addi %select_n3A_45, %add3A_304 : vector<1024x1xi32>
    %ge3A_306 = arith.constant 0 : i32
    %ge3A_307 = vector.broadcast %ge3A_306 : i32 to vector<1024x1xi32>
    %ge3A_308 = arith.cmpi sge, %add3A_305, %ge3A_307 : vector<1024x1xi32>
    %and3A_309 = arith.andi %and3A_302, %ge3A_308 : vector<1024x1xi1>
    %add3A_310 = arith.constant 1 : i32
    %add3A_311 = vector.broadcast %add3A_310 : i32 to vector<1024x1xi32>
    %add3A_312 = arith.addi %select_n3A_45, %add3A_311 : vector<1024x1xi32>
    %lt3A_313 = arith.constant 32 : i32
    %lt3A_314 = vector.broadcast %lt3A_313 : i32 to vector<1024x1xi32>
    %lt3A_315 = arith.cmpi slt, %add3A_312, %lt3A_314 : vector<1024x1xi32>
    %and3A_316 = arith.andi %and3A_309, %lt3A_315 : vector<1024x1xi1>
    %convert_element_type3A_317 = arith.extui %and3A_316 : vector<1024x1xi1> to vector<1024x1xi32>
    %convert_element_type3A_318 = arith.sitofp %convert_element_type3A_317 : vector<1024x1xi32> to vector<1024x1xf32>
    %mul3A_319 = vector.broadcast %convert_element_type3A_318 : vector<1024x1xf32> to vector<1024x512xf32>
    %mul3A_320 = arith.mulf %concatenate3A_289, %mul3A_319 : vector<1024x512xf32>
    %slice3A_321 = vector.extract_strided_slice %mul3A_320 {offsets = [0, 0], sizes = [1024, 256], strides = [1, 1]} : vector<1024x512xf32> to vector<1024x256xf32>
    %get3A_322 = arith.constant 5 : index
    %get3A_323 = arith.constant 0 : index
    %get3A_324 = arith.constant 0 : index
    %get3A_325 = vector.load %arg2[%get3A_322, %get3A_323, %get3A_324] : memref<9x512x512xf32, #tpu.memory_space<vmem>>, vector<1x256x512xf32>
    %get3A_326 = vector.shape_cast %get3A_325 : vector<1x256x512xf32> to vector<256x512xf32>
    %dot_general3A_327 = arith.constant dense<0.000000e+00> : vector<1024x512xf32>
    %dot_general3A_328 = tpu.matmul %slice3A_321, %get3A_326, %dot_general3A_327 {dimension_numbers = #tpu.dot_dimension_numbers<[1], [0], [0], [1], [0, 0, 1, 1], [], []>, transpose_lhs_hint = false} : vector<1024x256xf32>, vector<256x512xf32>, vector<1024x512xf32> -> vector<1024x512xf32>
    %slice3A_329 = vector.extract_strided_slice %mul3A_320 {offsets = [0, 256], sizes = [1024, 256], strides = [1, 1]} : vector<1024x512xf32> to vector<1024x256xf32>
    %get3A_330 = arith.constant 5 : index
    %get3A_331 = arith.constant 256 : index
    %get3A_332 = arith.constant 0 : index
    %get3A_333 = vector.load %arg2[%get3A_330, %get3A_331, %get3A_332] : memref<9x512x512xf32, #tpu.memory_space<vmem>>, vector<1x256x512xf32>
    %get3A_334 = vector.shape_cast %get3A_333 : vector<1x256x512xf32> to vector<256x512xf32>
    %dot_general3A_335 = arith.constant dense<0.000000e+00> : vector<1024x512xf32>
    %dot_general3A_336 = tpu.matmul %slice3A_329, %get3A_334, %dot_general3A_335 {dimension_numbers = #tpu.dot_dimension_numbers<[1], [0], [0], [1], [0, 0, 1, 1], [], []>, transpose_lhs_hint = false} : vector<1024x256xf32>, vector<256x512xf32>, vector<1024x512xf32> -> vector<1024x512xf32>
    %slice3A_337 = vector.extract_strided_slice %get3A_3 {offsets = [31, 0], sizes = [993, 512], strides = [1, 1]} : vector<1024x512xf32> to vector<993x512xf32>
    %slice3A_338 = vector.extract_strided_slice %get3A_3 {offsets = [0, 0], sizes = [31, 512], strides = [1, 1]} : vector<1024x512xf32> to vector<31x512xf32>
    %concatenate3A_339 = tpu.concatenate %slice3A_337, %slice3A_338 in 0 : vector<993x512xf32>, vector<31x512xf32> -> vector<1024x512xf32>
    %add3A_340 = arith.constant 1 : i32
    %add3A_341 = vector.broadcast %add3A_340 : i32 to vector<1024x1xi32>
    %add3A_342 = arith.addi %select_n3A, %add3A_341 : vector<1024x1xi32>
    %ge3A_343 = arith.constant 0 : i32
    %ge3A_344 = vector.broadcast %ge3A_343 : i32 to vector<1024x1xi32>
    %ge3A_345 = arith.cmpi sge, %add3A_342, %ge3A_344 : vector<1024x1xi32>
    %add3A_346 = arith.constant 1 : i32
    %add3A_347 = vector.broadcast %add3A_346 : i32 to vector<1024x1xi32>
    %add3A_348 = arith.addi %select_n3A, %add3A_347 : vector<1024x1xi32>
    %lt3A_349 = arith.constant 32 : i32
    %lt3A_350 = vector.broadcast %lt3A_349 : i32 to vector<1024x1xi32>
    %lt3A_351 = arith.cmpi slt, %add3A_348, %lt3A_350 : vector<1024x1xi32>
    %and3A_352 = arith.andi %ge3A_345, %lt3A_351 : vector<1024x1xi1>
    %add3A_353 = arith.constant -1 : i32
    %add3A_354 = vector.broadcast %add3A_353 : i32 to vector<1024x1xi32>
    %add3A_355 = arith.addi %select_n3A_45, %add3A_354 : vector<1024x1xi32>
    %ge3A_356 = arith.constant 0 : i32
    %ge3A_357 = vector.broadcast %ge3A_356 : i32 to vector<1024x1xi32>
    %ge3A_358 = arith.cmpi sge, %add3A_355, %ge3A_357 : vector<1024x1xi32>
    %and3A_359 = arith.andi %and3A_352, %ge3A_358 : vector<1024x1xi1>
    %add3A_360 = arith.constant -1 : i32
    %add3A_361 = vector.broadcast %add3A_360 : i32 to vector<1024x1xi32>
    %add3A_362 = arith.addi %select_n3A_45, %add3A_361 : vector<1024x1xi32>
    %lt3A_363 = arith.constant 32 : i32
    %lt3A_364 = vector.broadcast %lt3A_363 : i32 to vector<1024x1xi32>
    %lt3A_365 = arith.cmpi slt, %add3A_362, %lt3A_364 : vector<1024x1xi32>
    %and3A_366 = arith.andi %and3A_359, %lt3A_365 : vector<1024x1xi1>
    %convert_element_type3A_367 = arith.extui %and3A_366 : vector<1024x1xi1> to vector<1024x1xi32>
    %convert_element_type3A_368 = arith.sitofp %convert_element_type3A_367 : vector<1024x1xi32> to vector<1024x1xf32>
    %mul3A_369 = vector.broadcast %convert_element_type3A_368 : vector<1024x1xf32> to vector<1024x512xf32>
    %mul3A_370 = arith.mulf %concatenate3A_339, %mul3A_369 : vector<1024x512xf32>
    %slice3A_371 = vector.extract_strided_slice %mul3A_370 {offsets = [0, 0], sizes = [1024, 256], strides = [1, 1]} : vector<1024x512xf32> to vector<1024x256xf32>
    %get3A_372 = arith.constant 6 : index
    %get3A_373 = arith.constant 0 : index
    %get3A_374 = arith.constant 0 : index
    %get3A_375 = vector.load %arg2[%get3A_372, %get3A_373, %get3A_374] : memref<9x512x512xf32, #tpu.memory_space<vmem>>, vector<1x256x512xf32>
    %get3A_376 = vector.shape_cast %get3A_375 : vector<1x256x512xf32> to vector<256x512xf32>
    %dot_general3A_377 = arith.constant dense<0.000000e+00> : vector<1024x512xf32>
    %dot_general3A_378 = tpu.matmul %slice3A_371, %get3A_376, %dot_general3A_377 {dimension_numbers = #tpu.dot_dimension_numbers<[1], [0], [0], [1], [0, 0, 1, 1], [], []>, transpose_lhs_hint = false} : vector<1024x256xf32>, vector<256x512xf32>, vector<1024x512xf32> -> vector<1024x512xf32>
    %slice3A_379 = vector.extract_strided_slice %mul3A_370 {offsets = [0, 256], sizes = [1024, 256], strides = [1, 1]} : vector<1024x512xf32> to vector<1024x256xf32>
    %get3A_380 = arith.constant 6 : index
    %get3A_381 = arith.constant 256 : index
    %get3A_382 = arith.constant 0 : index
    %get3A_383 = vector.load %arg2[%get3A_380, %get3A_381, %get3A_382] : memref<9x512x512xf32, #tpu.memory_space<vmem>>, vector<1x256x512xf32>
    %get3A_384 = vector.shape_cast %get3A_383 : vector<1x256x512xf32> to vector<256x512xf32>
    %dot_general3A_385 = arith.constant dense<0.000000e+00> : vector<1024x512xf32>
    %dot_general3A_386 = tpu.matmul %slice3A_379, %get3A_384, %dot_general3A_385 {dimension_numbers = #tpu.dot_dimension_numbers<[1], [0], [0], [1], [0, 0, 1, 1], [], []>, transpose_lhs_hint = false} : vector<1024x256xf32>, vector<256x512xf32>, vector<1024x512xf32> -> vector<1024x512xf32>
    %slice3A_387 = vector.extract_strided_slice %get3A_3 {offsets = [32, 0], sizes = [992, 512], strides = [1, 1]} : vector<1024x512xf32> to vector<992x512xf32>
    %slice3A_388 = vector.extract_strided_slice %get3A_3 {offsets = [0, 0], sizes = [32, 512], strides = [1, 1]} : vector<1024x512xf32> to vector<32x512xf32>
    %concatenate3A_389 = tpu.concatenate %slice3A_387, %slice3A_388 in 0 : vector<992x512xf32>, vector<32x512xf32> -> vector<1024x512xf32>
    %add3A_390 = arith.constant 1 : i32
    %add3A_391 = vector.broadcast %add3A_390 : i32 to vector<1024x1xi32>
    %add3A_392 = arith.addi %select_n3A, %add3A_391 : vector<1024x1xi32>
    %ge3A_393 = arith.constant 0 : i32
    %ge3A_394 = vector.broadcast %ge3A_393 : i32 to vector<1024x1xi32>
    %ge3A_395 = arith.cmpi sge, %add3A_392, %ge3A_394 : vector<1024x1xi32>
    %add3A_396 = arith.constant 1 : i32
    %add3A_397 = vector.broadcast %add3A_396 : i32 to vector<1024x1xi32>
    %add3A_398 = arith.addi %select_n3A, %add3A_397 : vector<1024x1xi32>
    %lt3A_399 = arith.constant 32 : i32
    %lt3A_400 = vector.broadcast %lt3A_399 : i32 to vector<1024x1xi32>
    %lt3A_401 = arith.cmpi slt, %add3A_398, %lt3A_400 : vector<1024x1xi32>
    %and3A_402 = arith.andi %ge3A_395, %lt3A_401 : vector<1024x1xi1>
    %add3A_403 = arith.constant 0 : i32
    %add3A_404 = vector.broadcast %add3A_403 : i32 to vector<1024x1xi32>
    %add3A_405 = arith.addi %select_n3A_45, %add3A_404 : vector<1024x1xi32>
    %ge3A_406 = arith.constant 0 : i32
    %ge3A_407 = vector.broadcast %ge3A_406 : i32 to vector<1024x1xi32>
    %ge3A_408 = arith.cmpi sge, %add3A_405, %ge3A_407 : vector<1024x1xi32>
    %and3A_409 = arith.andi %and3A_402, %ge3A_408 : vector<1024x1xi1>
    %add3A_410 = arith.constant 0 : i32
    %add3A_411 = vector.broadcast %add3A_410 : i32 to vector<1024x1xi32>
    %add3A_412 = arith.addi %select_n3A_45, %add3A_411 : vector<1024x1xi32>
    %lt3A_413 = arith.constant 32 : i32
    %lt3A_414 = vector.broadcast %lt3A_413 : i32 to vector<1024x1xi32>
    %lt3A_415 = arith.cmpi slt, %add3A_412, %lt3A_414 : vector<1024x1xi32>
    %and3A_416 = arith.andi %and3A_409, %lt3A_415 : vector<1024x1xi1>
    %convert_element_type3A_417 = arith.extui %and3A_416 : vector<1024x1xi1> to vector<1024x1xi32>
    %convert_element_type3A_418 = arith.sitofp %convert_element_type3A_417 : vector<1024x1xi32> to vector<1024x1xf32>
    %mul3A_419 = vector.broadcast %convert_element_type3A_418 : vector<1024x1xf32> to vector<1024x512xf32>
    %mul3A_420 = arith.mulf %concatenate3A_389, %mul3A_419 : vector<1024x512xf32>
    %slice3A_421 = vector.extract_strided_slice %mul3A_420 {offsets = [0, 0], sizes = [1024, 256], strides = [1, 1]} : vector<1024x512xf32> to vector<1024x256xf32>
    %get3A_422 = arith.constant 7 : index
    %get3A_423 = arith.constant 0 : index
    %get3A_424 = arith.constant 0 : index
    %get3A_425 = vector.load %arg2[%get3A_422, %get3A_423, %get3A_424] : memref<9x512x512xf32, #tpu.memory_space<vmem>>, vector<1x256x512xf32>
    %get3A_426 = vector.shape_cast %get3A_425 : vector<1x256x512xf32> to vector<256x512xf32>
    %dot_general3A_427 = arith.constant dense<0.000000e+00> : vector<1024x512xf32>
    %dot_general3A_428 = tpu.matmul %slice3A_421, %get3A_426, %dot_general3A_427 {dimension_numbers = #tpu.dot_dimension_numbers<[1], [0], [0], [1], [0, 0, 1, 1], [], []>, transpose_lhs_hint = false} : vector<1024x256xf32>, vector<256x512xf32>, vector<1024x512xf32> -> vector<1024x512xf32>
    %slice3A_429 = vector.extract_strided_slice %mul3A_420 {offsets = [0, 256], sizes = [1024, 256], strides = [1, 1]} : vector<1024x512xf32> to vector<1024x256xf32>
    %get3A_430 = arith.constant 7 : index
    %get3A_431 = arith.constant 256 : index
    %get3A_432 = arith.constant 0 : index
    %get3A_433 = vector.load %arg2[%get3A_430, %get3A_431, %get3A_432] : memref<9x512x512xf32, #tpu.memory_space<vmem>>, vector<1x256x512xf32>
    %get3A_434 = vector.shape_cast %get3A_433 : vector<1x256x512xf32> to vector<256x512xf32>
    %dot_general3A_435 = arith.constant dense<0.000000e+00> : vector<1024x512xf32>
    %dot_general3A_436 = tpu.matmul %slice3A_429, %get3A_434, %dot_general3A_435 {dimension_numbers = #tpu.dot_dimension_numbers<[1], [0], [0], [1], [0, 0, 1, 1], [], []>, transpose_lhs_hint = false} : vector<1024x256xf32>, vector<256x512xf32>, vector<1024x512xf32> -> vector<1024x512xf32>
    %slice3A_437 = vector.extract_strided_slice %get3A_3 {offsets = [33, 0], sizes = [991, 512], strides = [1, 1]} : vector<1024x512xf32> to vector<991x512xf32>
    %slice3A_438 = vector.extract_strided_slice %get3A_3 {offsets = [0, 0], sizes = [33, 512], strides = [1, 1]} : vector<1024x512xf32> to vector<33x512xf32>
    %concatenate3A_439 = tpu.concatenate %slice3A_437, %slice3A_438 in 0 : vector<991x512xf32>, vector<33x512xf32> -> vector<1024x512xf32>
    %add3A_440 = arith.constant 1 : i32
    %add3A_441 = vector.broadcast %add3A_440 : i32 to vector<1024x1xi32>
    %add3A_442 = arith.addi %select_n3A, %add3A_441 : vector<1024x1xi32>
    %ge3A_443 = arith.constant 0 : i32
    %ge3A_444 = vector.broadcast %ge3A_443 : i32 to vector<1024x1xi32>
    %ge3A_445 = arith.cmpi sge, %add3A_442, %ge3A_444 : vector<1024x1xi32>
    %add3A_446 = arith.constant 1 : i32
    %add3A_447 = vector.broadcast %add3A_446 : i32 to vector<1024x1xi32>
    %add3A_448 = arith.addi %select_n3A, %add3A_447 : vector<1024x1xi32>
    %lt3A_449 = arith.constant 32 : i32
    %lt3A_450 = vector.broadcast %lt3A_449 : i32 to vector<1024x1xi32>
    %lt3A_451 = arith.cmpi slt, %add3A_448, %lt3A_450 : vector<1024x1xi32>
    %and3A_452 = arith.andi %ge3A_445, %lt3A_451 : vector<1024x1xi1>
    %add3A_453 = arith.constant 1 : i32
    %add3A_454 = vector.broadcast %add3A_453 : i32 to vector<1024x1xi32>
    %add3A_455 = arith.addi %select_n3A_45, %add3A_454 : vector<1024x1xi32>
    %ge3A_456 = arith.constant 0 : i32
    %ge3A_457 = vector.broadcast %ge3A_456 : i32 to vector<1024x1xi32>
    %ge3A_458 = arith.cmpi sge, %add3A_455, %ge3A_457 : vector<1024x1xi32>
    %and3A_459 = arith.andi %and3A_452, %ge3A_458 : vector<1024x1xi1>
    %add3A_460 = arith.constant 1 : i32
    %add3A_461 = vector.broadcast %add3A_460 : i32 to vector<1024x1xi32>
    %add3A_462 = arith.addi %select_n3A_45, %add3A_461 : vector<1024x1xi32>
    %lt3A_463 = arith.constant 32 : i32
    %lt3A_464 = vector.broadcast %lt3A_463 : i32 to vector<1024x1xi32>
    %lt3A_465 = arith.cmpi slt, %add3A_462, %lt3A_464 : vector<1024x1xi32>
    %and3A_466 = arith.andi %and3A_459, %lt3A_465 : vector<1024x1xi1>
    %convert_element_type3A_467 = arith.extui %and3A_466 : vector<1024x1xi1> to vector<1024x1xi32>
    %convert_element_type3A_468 = arith.sitofp %convert_element_type3A_467 : vector<1024x1xi32> to vector<1024x1xf32>
    %mul3A_469 = vector.broadcast %convert_element_type3A_468 : vector<1024x1xf32> to vector<1024x512xf32>
    %mul3A_470 = arith.mulf %concatenate3A_439, %mul3A_469 : vector<1024x512xf32>
    %slice3A_471 = vector.extract_strided_slice %mul3A_470 {offsets = [0, 0], sizes = [1024, 256], strides = [1, 1]} : vector<1024x512xf32> to vector<1024x256xf32>
    %get3A_472 = arith.constant 8 : index
    %get3A_473 = arith.constant 0 : index
    %get3A_474 = arith.constant 0 : index
    %get3A_475 = vector.load %arg2[%get3A_472, %get3A_473, %get3A_474] : memref<9x512x512xf32, #tpu.memory_space<vmem>>, vector<1x256x512xf32>
    %get3A_476 = vector.shape_cast %get3A_475 : vector<1x256x512xf32> to vector<256x512xf32>
    %dot_general3A_477 = arith.constant dense<0.000000e+00> : vector<1024x512xf32>
    %dot_general3A_478 = tpu.matmul %slice3A_471, %get3A_476, %dot_general3A_477 {dimension_numbers = #tpu.dot_dimension_numbers<[1], [0], [0], [1], [0, 0, 1, 1], [], []>, transpose_lhs_hint = false} : vector<1024x256xf32>, vector<256x512xf32>, vector<1024x512xf32> -> vector<1024x512xf32>
    %slice3A_479 = vector.extract_strided_slice %mul3A_470 {offsets = [0, 256], sizes = [1024, 256], strides = [1, 1]} : vector<1024x512xf32> to vector<1024x256xf32>
    %get3A_480 = arith.constant 8 : index
    %get3A_481 = arith.constant 256 : index
    %get3A_482 = arith.constant 0 : index
    %get3A_483 = vector.load %arg2[%get3A_480, %get3A_481, %get3A_482] : memref<9x512x512xf32, #tpu.memory_space<vmem>>, vector<1x256x512xf32>
    %get3A_484 = vector.shape_cast %get3A_483 : vector<1x256x512xf32> to vector<256x512xf32>
    %dot_general3A_485 = arith.constant dense<0.000000e+00> : vector<1024x512xf32>
    %dot_general3A_486 = tpu.matmul %slice3A_479, %get3A_484, %dot_general3A_485 {dimension_numbers = #tpu.dot_dimension_numbers<[1], [0], [0], [1], [0, 0, 1, 1], [], []>, transpose_lhs_hint = false} : vector<1024x256xf32>, vector<256x512xf32>, vector<1024x512xf32> -> vector<1024x512xf32>
    %add3A_487 = arith.addf %dot_general3A_81, %dot_general3A_89 : vector<1024x512xf32>
    %add3A_488 = arith.addf %add3A_487, %dot_general3A_131 : vector<1024x512xf32>
    %add3A_489 = arith.addf %dot_general3A_139, %dot_general3A_181 : vector<1024x512xf32>
    %add3A_490 = arith.addf %dot_general3A_189, %dot_general3A_231 : vector<1024x512xf32>
    %add3A_491 = arith.addf %dot_general3A_239, %dot_general3A_278 : vector<1024x512xf32>
    %add3A_492 = arith.addf %dot_general3A_328, %dot_general3A_336 : vector<1024x512xf32>
    %add3A_493 = arith.addf %add3A_492, %dot_general3A_378 : vector<1024x512xf32>
    %add3A_494 = arith.addf %add3A_493, %dot_general3A_386 : vector<1024x512xf32>
    %add3A_495 = arith.addf %add3A_494, %dot_general3A_428 : vector<1024x512xf32>
    %add3A_496 = arith.addf %add3A_495, %dot_general3A_436 : vector<1024x512xf32>
    %add3A_497 = arith.addf %dot_general3A_478, %dot_general3A_486 : vector<1024x512xf32>
    %add3A_498 = arith.addf %add3A_488, %add3A_489 : vector<1024x512xf32>
    %add3A_499 = arith.addf %add3A_498, %add3A_490 : vector<1024x512xf32>
    %add3A_500 = arith.addf %add3A_499, %add3A_491 : vector<1024x512xf32>
    %add3A_501 = arith.addf %add3A_500, %dot_general3A_286 : vector<1024x512xf32>
    %add3A_502 = arith.addf %add3A_501, %add3A_496 : vector<1024x512xf32>
    %add3A_503 = arith.addf %add3A_502, %add3A_497 : vector<1024x512xf32>
    %get3A_504 = arith.constant 0 : index
    %get3A_505 = arith.constant 0 : index
    %get3A_506 = vector.load %arg3[%get3A_504, %get3A_505] : memref<1x512xf32, #tpu.memory_space<vmem>>, vector<1x512xf32>
    %get3A_507 = vector.shape_cast %get3A_506 : vector<1x512xf32> to vector<512xf32>
    %broadcast_in_dim3A = vector.shape_cast %get3A_507 : vector<512xf32> to vector<1x512xf32>
    %add3A_508 = vector.broadcast %broadcast_in_dim3A : vector<1x512xf32> to vector<1024x512xf32>
    %add3A_509 = arith.addf %add3A_503, %add3A_508 : vector<1024x512xf32>
    %max3A = arith.constant 0.000000e+00 : f32
    %max3A_510 = vector.broadcast %max3A : f32 to vector<1024x512xf32>
    %max3A_511 = arith.maximumf %add3A_509, %max3A_510 : vector<1024x512xf32>
    %get3A_512 = arith.constant 0 : index
    %get3A_513 = arith.constant 0 : index
    %get3A_514 = vector.load %arg4[%get3A_512, %get3A_513] : memref<512x18xf32, #tpu.memory_space<vmem>>, vector<512x18xf32>
    %dot_general3A_515 = arith.constant dense<0.000000e+00> : vector<1024x18xf32>
    %dot_general3A_516 = tpu.matmul %max3A_511, %get3A_514, %dot_general3A_515 {dimension_numbers = #tpu.dot_dimension_numbers<[1], [0], [0], [1], [0, 0, 1, 1], [], []>, transpose_lhs_hint = false} : vector<1024x512xf32>, vector<512x18xf32>, vector<1024x18xf32> -> vector<1024x18xf32>
    %get3A_517 = arith.constant 0 : index
    %get3A_518 = arith.constant 0 : index
    %get3A_519 = vector.load %arg5[%get3A_517, %get3A_518] : memref<1x18xf32, #tpu.memory_space<vmem>>, vector<1x18xf32>
    %get3A_520 = vector.shape_cast %get3A_519 : vector<1x18xf32> to vector<18xf32>
    %broadcast_in_dim3A_521 = vector.shape_cast %get3A_520 : vector<18xf32> to vector<1x18xf32>
    %add3A_522 = vector.broadcast %broadcast_in_dim3A_521 : vector<1x18xf32> to vector<1024x18xf32>
    %add3A_523 = arith.addf %dot_general3A_516, %add3A_522 : vector<1024x18xf32>
    %get3A_524 = arith.constant 0 : index
    %get3A_525 = arith.constant 0 : index
    %get3A_526 = vector.load %arg6[%get3A_524, %get3A_525] : memref<512x36xf32, #tpu.memory_space<vmem>>, vector<512x36xf32>
    %dot_general3A_527 = arith.constant dense<0.000000e+00> : vector<1024x36xf32>
    %dot_general3A_528 = tpu.matmul %max3A_511, %get3A_526, %dot_general3A_527 {dimension_numbers = #tpu.dot_dimension_numbers<[1], [0], [0], [1], [0, 0, 1, 1], [], []>, transpose_lhs_hint = false} : vector<1024x512xf32>, vector<512x36xf32>, vector<1024x36xf32> -> vector<1024x36xf32>
    %get3A_529 = arith.constant 0 : index
    %get3A_530 = arith.constant 0 : index
    %get3A_531 = vector.load %arg7[%get3A_529, %get3A_530] : memref<1x36xf32, #tpu.memory_space<vmem>>, vector<1x36xf32>
    %get3A_532 = vector.shape_cast %get3A_531 : vector<1x36xf32> to vector<36xf32>
    %broadcast_in_dim3A_533 = vector.shape_cast %get3A_532 : vector<36xf32> to vector<1x36xf32>
    %add3A_534 = vector.broadcast %broadcast_in_dim3A_533 : vector<1x36xf32> to vector<1024x36xf32>
    %add3A_535 = arith.addf %dot_general3A_528, %add3A_534 : vector<1024x36xf32>
    %swap3A = arith.constant 0 : index
    %swap3A_536 = arith.constant 0 : index
    %swap3A_537 = arith.constant 0 : index
    %swap3A_538 = vector.load %arg19[%swap3A, %swap3A_536, %swap3A_537] : memref<1x1024x18xf32, #tpu.memory_space<vmem>>, vector<1x1024x18xf32>
    %swap3A_539 = vector.shape_cast %swap3A_538 : vector<1x1024x18xf32> to vector<1024x18xf32>
    %swap3A_540 = vector.shape_cast %add3A_523 : vector<1024x18xf32> to vector<1x1024x18xf32>
    tpu.vector_store %arg19[%swap3A, %swap3A_536, %swap3A_537], %swap3A_540 {strides = array<i32>} : memref<1x1024x18xf32, #tpu.memory_space<vmem>>, vector<1x1024x18xf32>,
    %swap3A_541 = arith.constant 0 : index
    %swap3A_542 = arith.constant 0 : index
    %swap3A_543 = arith.constant 0 : index
    %swap3A_544 = vector.load %arg20[%swap3A_541, %swap3A_542, %swap3A_543] : memref<1x1024x36xf32, #tpu.memory_space<vmem>>, vector<1x1024x36xf32>
    %swap3A_545 = vector.shape_cast %swap3A_544 : vector<1x1024x36xf32> to vector<1024x36xf32>
    %swap3A_546 = vector.shape_cast %add3A_535 : vector<1024x36xf32> to vector<1x1024x36xf32>
    tpu.vector_store %arg20[%swap3A_541, %swap3A_542, %swap3A_543], %swap3A_546 {strides = array<i32>} : memref<1x1024x36xf32, #tpu.memory_space<vmem>>, vector<1x1024x36xf32>,
    %get3A_547 = arith.constant 0 : index
    %get3A_548 = arith.constant 0 : index
    %get3A_549 = vector.load %arg8[%get3A_547, %get3A_548] : memref<18x9xf32, #tpu.memory_space<vmem>>, vector<18x9xf32>
    %dot_general3A_550 = arith.constant dense<0.000000e+00> : vector<1024x9xf32>
    %dot_general3A_551 = tpu.matmul %add3A_523, %get3A_549, %dot_general3A_550 {dimension_numbers = #tpu.dot_dimension_numbers<[1], [0], [0], [1], [0, 0, 1, 1], [], []>, precision = #tpu.contract_precision<fp32>, transpose_lhs_hint = false} : vector<1024x18xf32>, vector<18x9xf32>, vector<1024x9xf32> -> vector<1024x9xf32>
    %get3A_552 = arith.constant 0 : index
    %get3A_553 = arith.constant 0 : index
    %get3A_554 = vector.load %arg9[%get3A_552, %get3A_553] : memref<18x9xf32, #tpu.memory_space<vmem>>, vector<18x9xf32>
    %dot_general3A_555 = arith.constant dense<0.000000e+00> : vector<1024x9xf32>
    %dot_general3A_556 = tpu.matmul %add3A_523, %get3A_554, %dot_general3A_555 {dimension_numbers = #tpu.dot_dimension_numbers<[1], [0], [0], [1], [0, 0, 1, 1], [], []>, precision = #tpu.contract_precision<fp32>, transpose_lhs_hint = false} : vector<1024x18xf32>, vector<18x9xf32>, vector<1024x9xf32> -> vector<1024x9xf32>
    %get3A_557 = arith.constant 0 : index
    %get3A_558 = arith.constant 0 : index
    %get3A_559 = vector.load %arg10[%get3A_557, %get3A_558] : memref<36x9xf32, #tpu.memory_space<vmem>>, vector<36x9xf32>
    %dot_general3A_560 = arith.constant dense<0.000000e+00> : vector<1024x9xf32>
    %dot_general3A_561 = tpu.matmul %add3A_535, %get3A_559, %dot_general3A_560 {dimension_numbers = #tpu.dot_dimension_numbers<[1], [0], [0], [1], [0, 0, 1, 1], [], []>, precision = #tpu.contract_precision<fp32>, transpose_lhs_hint = false} : vector<1024x36xf32>, vector<36x9xf32>, vector<1024x9xf32> -> vector<1024x9xf32>
    %get3A_562 = arith.constant 0 : index
    %get3A_563 = arith.constant 0 : index
    %get3A_564 = vector.load %arg11[%get3A_562, %get3A_563] : memref<36x9xf32, #tpu.memory_space<vmem>>, vector<36x9xf32>
    %dot_general3A_565 = arith.constant dense<0.000000e+00> : vector<1024x9xf32>
    %dot_general3A_566 = tpu.matmul %add3A_535, %get3A_564, %dot_general3A_565 {dimension_numbers = #tpu.dot_dimension_numbers<[1], [0], [0], [1], [0, 0, 1, 1], [], []>, precision = #tpu.contract_precision<fp32>, transpose_lhs_hint = false} : vector<1024x36xf32>, vector<36x9xf32>, vector<1024x9xf32> -> vector<1024x9xf32>
    %get3A_567 = arith.constant 0 : index
    %get3A_568 = arith.constant 0 : index
    %get3A_569 = vector.load %arg12[%get3A_567, %get3A_568] : memref<36x9xf32, #tpu.memory_space<vmem>>, vector<36x9xf32>
    %dot_general3A_570 = arith.constant dense<0.000000e+00> : vector<1024x9xf32>
    %dot_general3A_571 = tpu.matmul %add3A_535, %get3A_569, %dot_general3A_570 {dimension_numbers = #tpu.dot_dimension_numbers<[1], [0], [0], [1], [0, 0, 1, 1], [], []>, precision = #tpu.contract_precision<fp32>, transpose_lhs_hint = false} : vector<1024x36xf32>, vector<36x9xf32>, vector<1024x9xf32> -> vector<1024x9xf32>
    %get3A_572 = arith.constant 0 : index
    %get3A_573 = arith.constant 0 : index
    %get3A_574 = vector.load %arg13[%get3A_572, %get3A_573] : memref<36x9xf32, #tpu.memory_space<vmem>>, vector<36x9xf32>
    %dot_general3A_575 = arith.constant dense<0.000000e+00> : vector<1024x9xf32>
    %dot_general3A_576 = tpu.matmul %add3A_535, %get3A_574, %dot_general3A_575 {dimension_numbers = #tpu.dot_dimension_numbers<[1], [0], [0], [1], [0, 0, 1, 1], [], []>, precision = #tpu.contract_precision<fp32>, transpose_lhs_hint = false} : vector<1024x36xf32>, vector<36x9xf32>, vector<1024x9xf32> -> vector<1024x9xf32>
    %get3A_577 = arith.constant 0 : index
    %get3A_578 = arith.constant 0 : index
    %get3A_579 = vector.load %arg14[%get3A_577, %get3A_578] : memref<1024x9xf32, #tpu.memory_space<vmem>>, vector<1024x9xf32>
    %get3A_580 = arith.constant 0 : index
    %get3A_581 = arith.constant 0 : index
    %get3A_582 = vector.load %arg15[%get3A_580, %get3A_581] : memref<1024x9xf32, #tpu.memory_space<vmem>>, vector<1024x9xf32>
    %get3A_583 = arith.constant 0 : index
    %get3A_584 = arith.constant 0 : index
    %get3A_585 = vector.load %arg16[%get3A_583, %get3A_584] : memref<1024x9xf32, #tpu.memory_space<vmem>>, vector<1024x9xf32>
    %get3A_586 = arith.constant 0 : index
    %get3A_587 = arith.constant 0 : index
    %get3A_588 = vector.load %arg17[%get3A_586, %get3A_587] : memref<1024x9xf32, #tpu.memory_space<vmem>>, vector<1024x9xf32>
    %sub3A_589 = arith.subf %get3A_585, %get3A_579 : vector<1024x9xf32>
    %sub3A_590 = arith.subf %get3A_588, %get3A_582 : vector<1024x9xf32>
    %mul3A_591 = arith.constant 5.000000e-01 : f32
    %mul3A_592 = vector.broadcast %mul3A_591 : f32 to vector<1024x9xf32>
    %mul3A_593 = arith.mulf %mul3A_592, %sub3A_589 : vector<1024x9xf32>
    %add3A_594 = arith.addf %get3A_579, %mul3A_593 : vector<1024x9xf32>
    %mul3A_595 = arith.constant 5.000000e-01 : f32
    %mul3A_596 = vector.broadcast %mul3A_595 : f32 to vector<1024x9xf32>
    %mul3A_597 = arith.mulf %mul3A_596, %sub3A_590 : vector<1024x9xf32>
    %add3A_598 = arith.addf %get3A_582, %mul3A_597 : vector<1024x9xf32>
    %mul3A_599 = arith.mulf %dot_general3A_561, %sub3A_589 : vector<1024x9xf32>
    %add3A_600 = arith.addf %mul3A_599, %add3A_594 : vector<1024x9xf32>
    %mul3A_601 = arith.mulf %dot_general3A_566, %sub3A_590 : vector<1024x9xf32>
    %add3A_602 = arith.addf %mul3A_601, %add3A_598 : vector<1024x9xf32>
    %exp3A = math.exp %dot_general3A_571 : vector<1024x9xf32>
    %mul3A_603 = arith.mulf %exp3A, %sub3A_589 : vector<1024x9xf32>
    %exp3A_604 = math.exp %dot_general3A_576 : vector<1024x9xf32>
    %mul3A_605 = arith.mulf %exp3A_604, %sub3A_590 : vector<1024x9xf32>
    %mul3A_606 = arith.constant 5.000000e-01 : f32
    %mul3A_607 = vector.broadcast %mul3A_606 : f32 to vector<1024x9xf32>
    %mul3A_608 = arith.mulf %mul3A_607, %mul3A_603 : vector<1024x9xf32>
    %sub3A_609 = arith.subf %add3A_600, %mul3A_608 : vector<1024x9xf32>
    %mul3A_610 = arith.constant 5.000000e-01 : f32
    %mul3A_611 = vector.broadcast %mul3A_610 : f32 to vector<1024x9xf32>
    %mul3A_612 = arith.mulf %mul3A_611, %mul3A_605 : vector<1024x9xf32>
    %sub3A_613 = arith.subf %add3A_602, %mul3A_612 : vector<1024x9xf32>
    %mul3A_614 = arith.constant 5.000000e-01 : f32
    %mul3A_615 = vector.broadcast %mul3A_614 : f32 to vector<1024x9xf32>
    %mul3A_616 = arith.mulf %mul3A_615, %mul3A_603 : vector<1024x9xf32>
    %add3A_617 = arith.addf %add3A_600, %mul3A_616 : vector<1024x9xf32>
    %mul3A_618 = arith.constant 5.000000e-01 : f32
    %mul3A_619 = vector.broadcast %mul3A_618 : f32 to vector<1024x9xf32>
    %mul3A_620 = arith.mulf %mul3A_619, %mul3A_605 : vector<1024x9xf32>
    %add3A_621 = arith.addf %add3A_602, %mul3A_620 : vector<1024x9xf32>
    %get3A_622 = arith.constant 0 : index
    %get3A_623 = arith.constant 0 : index
    %get3A_624 = vector.load %arg18[%get3A_622, %get3A_623] : memref<1x8xf32, #tpu.memory_space<vmem>>, vector<1x8xf32>
    %slice3A_625 = vector.extract_strided_slice %get3A_624 {offsets = [0, 0], sizes = [1, 1], strides = [1, 1]} : vector<1x8xf32> to vector<1x1xf32>
    %slice3A_626 = vector.extract_strided_slice %get3A_624 {offsets = [0, 1], sizes = [1, 1], strides = [1, 1]} : vector<1x8xf32> to vector<1x1xf32>
    %slice3A_627 = vector.extract_strided_slice %get3A_624 {offsets = [0, 2], sizes = [1, 1], strides = [1, 1]} : vector<1x8xf32> to vector<1x1xf32>
    %jit3A_628 = arith.constant 0.000000e+00 : f32
    %max3A_629 = vector.broadcast %jit3A_628 : f32 to vector<1024x9xf32>
    %max3A_630 = arith.maximumf %max3A_629, %sub3A_609 : vector<1024x9xf32>
    %min3A = vector.broadcast %slice3A_626 : vector<1x1xf32> to vector<1024x9xf32>
    %min3A_631 = arith.minimumf %min3A, %max3A_630 : vector<1024x9xf32>
    %jit3A_632 = arith.constant 0.000000e+00 : f32
    %max3A_633 = vector.broadcast %jit3A_632 : f32 to vector<1024x9xf32>
    %max3A_634 = arith.maximumf %max3A_633, %add3A_617 : vector<1024x9xf32>
    %min3A_635 = vector.broadcast %slice3A_626 : vector<1x1xf32> to vector<1024x9xf32>
    %min3A_636 = arith.minimumf %min3A_635, %max3A_634 : vector<1024x9xf32>
    %jit3A_637 = arith.constant 0.000000e+00 : f32
    %max3A_638 = vector.broadcast %jit3A_637 : f32 to vector<1024x9xf32>
    %max3A_639 = arith.maximumf %max3A_638, %sub3A_613 : vector<1024x9xf32>
    %min3A_640 = vector.broadcast %slice3A_625 : vector<1x1xf32> to vector<1024x9xf32>
    %min3A_641 = arith.minimumf %min3A_640, %max3A_639 : vector<1024x9xf32>
    %jit3A_642 = arith.constant 0.000000e+00 : f32
    %max3A_643 = vector.broadcast %jit3A_642 : f32 to vector<1024x9xf32>
    %max3A_644 = arith.maximumf %max3A_643, %add3A_621 : vector<1024x9xf32>
    %min3A_645 = vector.broadcast %slice3A_625 : vector<1x1xf32> to vector<1024x9xf32>
    %min3A_646 = arith.minimumf %min3A_645, %max3A_644 : vector<1024x9xf32>
    %sub3A_647 = arith.subf %min3A_636, %min3A_631 : vector<1024x9xf32>
    %ge3A_648 = vector.broadcast %slice3A_627 : vector<1x1xf32> to vector<1024x9xf32>
    %ge3A_649 = arith.cmpf oge, %sub3A_647, %ge3A_648 : vector<1024x9xf32>
    %sub3A_650 = arith.subf %min3A_646, %min3A_641 : vector<1024x9xf32>
    %ge3A_651 = vector.broadcast %slice3A_627 : vector<1x1xf32> to vector<1024x9xf32>
    %ge3A_652 = arith.cmpf oge, %sub3A_650, %ge3A_651 : vector<1024x9xf32>
    %and3A_653 = arith.andi %ge3A_649, %ge3A_652 : vector<1024x9xi1>
    %max3A_654 = arith.maximumf %dot_general3A_551, %dot_general3A_556 : vector<1024x9xf32>
    %sub3A_655 = arith.subf %dot_general3A_551, %max3A_654 : vector<1024x9xf32>
    %exp3A_656 = math.exp %sub3A_655 : vector<1024x9xf32>
    %sub3A_657 = arith.subf %dot_general3A_556, %max3A_654 : vector<1024x9xf32>
    %exp3A_658 = math.exp %sub3A_657 : vector<1024x9xf32>
    %add3A_659 = arith.addf %exp3A_656, %exp3A_658 : vector<1024x9xf32>
    %div3A_660 = arith.divf %exp3A_658, %add3A_659 : vector<1024x9xf32>
    %jit3A_661 = arith.constant 0xFF800000 : f32
    %broadcast_in_dim3A_662 = vector.broadcast %jit3A_661 : f32 to vector<1024x9xf32>
    %select_n3A_663 = arith.select %and3A_653, %div3A_660, %broadcast_in_dim3A_662 : vector<1024x9xi1>, vector<1024x9xf32>
    %swap3A_664 = arith.constant 0 : index
    %swap3A_665 = arith.constant 0 : index
    %swap3A_666 = arith.constant 0 : index
    %swap3A_667 = vector.load %arg21[%swap3A_664, %swap3A_665, %swap3A_666] : memref<1x1024x9xf32, #tpu.memory_space<vmem>>, vector<1x1024x9xf32>
    %swap3A_668 = vector.shape_cast %swap3A_667 : vector<1x1024x9xf32> to vector<1024x9xf32>
    %swap3A_669 = vector.shape_cast %min3A_631 : vector<1024x9xf32> to vector<1x1024x9xf32>
    tpu.vector_store %arg21[%swap3A_664, %swap3A_665, %swap3A_666], %swap3A_669 {strides = array<i32>} : memref<1x1024x9xf32, #tpu.memory_space<vmem>>, vector<1x1024x9xf32>,
    %swap3A_670 = arith.constant 0 : index
    %swap3A_671 = arith.constant 0 : index
    %swap3A_672 = arith.constant 0 : index
    %swap3A_673 = vector.load %arg22[%swap3A_670, %swap3A_671, %swap3A_672] : memref<1x1024x9xf32, #tpu.memory_space<vmem>>, vector<1x1024x9xf32>
    %swap3A_674 = vector.shape_cast %swap3A_673 : vector<1x1024x9xf32> to vector<1024x9xf32>
    %swap3A_675 = vector.shape_cast %min3A_641 : vector<1024x9xf32> to vector<1x1024x9xf32>
    tpu.vector_store %arg22[%swap3A_670, %swap3A_671, %swap3A_672], %swap3A_675 {strides = array<i32>} : memref<1x1024x9xf32, #tpu.memory_space<vmem>>, vector<1x1024x9xf32>,
    %swap3A_676 = arith.constant 0 : index
    %swap3A_677 = arith.constant 0 : index
    %swap3A_678 = arith.constant 0 : index
    %swap3A_679 = vector.load %arg23[%swap3A_676, %swap3A_677, %swap3A_678] : memref<1x1024x9xf32, #tpu.memory_space<vmem>>, vector<1x1024x9xf32>
    %swap3A_680 = vector.shape_cast %swap3A_679 : vector<1x1024x9xf32> to vector<1024x9xf32>
    %swap3A_681 = vector.shape_cast %min3A_636 : vector<1024x9xf32> to vector<1x1024x9xf32>
    tpu.vector_store %arg23[%swap3A_676, %swap3A_677, %swap3A_678], %swap3A_681 {strides = array<i32>} : memref<1x1024x9xf32, #tpu.memory_space<vmem>>, vector<1x1024x9xf32>,
    %swap3A_682 = arith.constant 0 : index
    %swap3A_683 = arith.constant 0 : index
    %swap3A_684 = arith.constant 0 : index
    %swap3A_685 = vector.load %arg24[%swap3A_682, %swap3A_683, %swap3A_684] : memref<1x1024x9xf32, #tpu.memory_space<vmem>>, vector<1x1024x9xf32>
    %swap3A_686 = vector.shape_cast %swap3A_685 : vector<1x1024x9xf32> to vector<1024x9xf32>
    %swap3A_687 = vector.shape_cast %min3A_646 : vector<1024x9xf32> to vector<1x1024x9xf32>
    tpu.vector_store %arg24[%swap3A_682, %swap3A_683, %swap3A_684], %swap3A_687 {strides = array<i32>} : memref<1x1024x9xf32, #tpu.memory_space<vmem>>, vector<1x1024x9xf32>,
    %swap3A_688 = arith.constant 0 : index
    %swap3A_689 = arith.constant 0 : index
    %swap3A_690 = arith.constant 0 : index
    %swap3A_691 = vector.load %arg25[%swap3A_688, %swap3A_689, %swap3A_690] : memref<1x1024x9xf32, #tpu.memory_space<vmem>>, vector<1x1024x9xf32>
    %swap3A_692 = vector.shape_cast %swap3A_691 : vector<1x1024x9xf32> to vector<1024x9xf32>
    %swap3A_693 = vector.shape_cast %select_n3A_663 : vector<1024x9xf32> to vector<1x1024x9xf32>
    tpu.vector_store %arg25[%swap3A_688, %swap3A_689, %swap3A_690], %swap3A_693 {strides = array<i32>} : memref<1x1024x9xf32, #tpu.memory_space<vmem>>, vector<1x1024x9xf32>,
    return
  }
  func.func @transform_0(%arg0: i32) -> (i32, i32, i32) {
    %c0_i32 = arith.constant 0 : i32
    %c0_i32_0 = arith.constant 0 : i32
    %c0_i32_1 = arith.constant 0 : i32
    return %arg0, %c0_i32, %c0_i32_0 : i32, i32, i32
  }
  func.func @transform_1(%arg0: i32) -> (i32, i32, i32) {
    %c0_i32 = arith.constant 0 : i32
    %c0_i32_0 = arith.constant 0 : i32
    %c0_i32_1 = arith.constant 0 : i32
    %c0_i32_2 = arith.constant 0 : i32
    return %c0_i32, %c0_i32_0, %c0_i32_1 : i32, i32, i32
  }
  func.func @transform_2(%arg0: i32) -> (i32, i32) {
    %c0_i32 = arith.constant 0 : i32
    %c0_i32_0 = arith.constant 0 : i32
    %c0_i32_1 = arith.constant 0 : i32
    return %c0_i32, %c0_i32_0 : i32, i32
  }
  func.func @transform_3(%arg0: i32) -> (i32, i32) {
    %c0_i32 = arith.constant 0 : i32
    %c0_i32_0 = arith.constant 0 : i32
    %c0_i32_1 = arith.constant 0 : i32
    return %c0_i32, %c0_i32_0 : i32, i32
  }
  func.func @transform_4(%arg0: i32) -> (i32, i32) {
    %c0_i32 = arith.constant 0 : i32
    %c0_i32_0 = arith.constant 0 : i32
    %c0_i32_1 = arith.constant 0 : i32
    return %c0_i32, %c0_i32_0 : i32, i32
  }
  func.func @transform_5(%arg0: i32) -> (i32, i32) {
    %c0_i32 = arith.constant 0 : i32
    %c0_i32_0 = arith.constant 0 : i32
    %c0_i32_1 = arith.constant 0 : i32
    return %c0_i32, %c0_i32_0 : i32, i32
  }
  func.func @transform_6(%arg0: i32) -> (i32, i32) {
    %c0_i32 = arith.constant 0 : i32
    %c0_i32_0 = arith.constant 0 : i32
    %c0_i32_1 = arith.constant 0 : i32
    return %c0_i32, %c0_i32_0 : i32, i32
  }
  func.func @transform_7(%arg0: i32) -> (i32, i32) {
    %c0_i32 = arith.constant 0 : i32
    %c0_i32_0 = arith.constant 0 : i32
    %c0_i32_1 = arith.constant 0 : i32
    return %c0_i32, %c0_i32_0 : i32, i32
  }
  func.func @transform_8(%arg0: i32) -> (i32, i32) {
    %c0_i32 = arith.constant 0 : i32
    %c0_i32_0 = arith.constant 0 : i32
    %c0_i32_1 = arith.constant 0 : i32
    return %c0_i32, %c0_i32_0 : i32, i32
  }
  func.func @transform_9(%arg0: i32) -> (i32, i32) {
    %c0_i32 = arith.constant 0 : i32
    %c0_i32_0 = arith.constant 0 : i32
    %c0_i32_1 = arith.constant 0 : i32
    return %c0_i32, %c0_i32_0 : i32, i32
  }
  func.func @transform_10(%arg0: i32) -> (i32, i32) {
    %c0_i32 = arith.constant 0 : i32
    %c0_i32_0 = arith.constant 0 : i32
    %c0_i32_1 = arith.constant 0 : i32
    return %c0_i32, %c0_i32_0 : i32, i32
  }
  func.func @transform_11(%arg0: i32) -> (i32, i32) {
    %c0_i32 = arith.constant 0 : i32
    %c0_i32_0 = arith.constant 0 : i32
    %c0_i32_1 = arith.constant 0 : i32
    return %c0_i32, %c0_i32_0 : i32, i32
  }
  func.func @transform_12(%arg0: i32) -> (i32, i32) {
    %c0_i32 = arith.constant 0 : i32
    %c0_i32_0 = arith.constant 0 : i32
    %c0_i32_1 = arith.constant 0 : i32
    return %c0_i32, %c0_i32_0 : i32, i32
  }
  func.func @transform_13(%arg0: i32) -> (i32, i32) {
    %c0_i32 = arith.constant 0 : i32
    %c0_i32_0 = arith.constant 0 : i32
    %c0_i32_1 = arith.constant 0 : i32
    return %c0_i32, %c0_i32_0 : i32, i32
  }
  func.func @transform_14(%arg0: i32) -> (i32, i32) {
    %c0_i32 = arith.constant 0 : i32
    %c0_i32_0 = arith.constant 0 : i32
    %c0_i32_1 = arith.constant 0 : i32
    return %c0_i32, %c0_i32_0 : i32, i32
  }
  func.func @transform_15(%arg0: i32) -> (i32, i32) {
    %c0_i32 = arith.constant 0 : i32
    %c0_i32_0 = arith.constant 0 : i32
    %c0_i32_1 = arith.constant 0 : i32
    return %c0_i32, %c0_i32_0 : i32, i32
  }
  func.func @transform_16(%arg0: i32) -> (i32, i32) {
    %c0_i32 = arith.constant 0 : i32
    %c0_i32_0 = arith.constant 0 : i32
    %c0_i32_1 = arith.constant 0 : i32
    return %c0_i32, %c0_i32_0 : i32, i32
  }
  func.func @transform_17(%arg0: i32) -> (i32, i32) {
    %c0_i32 = arith.constant 0 : i32
    %c0_i32_0 = arith.constant 0 : i32
    %c0_i32_1 = arith.constant 0 : i32
    return %c0_i32, %c0_i32_0 : i32, i32
  }
  func.func @transform_18(%arg0: i32) -> (i32, i32, i32) {
    %c0_i32 = arith.constant 0 : i32
    %c0_i32_0 = arith.constant 0 : i32
    %c0_i32_1 = arith.constant 0 : i32
    return %arg0, %c0_i32, %c0_i32_0 : i32, i32, i32
  }
  func.func @transform_19(%arg0: i32) -> (i32, i32, i32) {
    %c0_i32 = arith.constant 0 : i32
    %c0_i32_0 = arith.constant 0 : i32
    %c0_i32_1 = arith.constant 0 : i32
    return %arg0, %c0_i32, %c0_i32_0 : i32, i32, i32
  }
  func.func @transform_20(%arg0: i32) -> (i32, i32, i32) {
    %c0_i32 = arith.constant 0 : i32
    %c0_i32_0 = arith.constant 0 : i32
    %c0_i32_1 = arith.constant 0 : i32
    return %arg0, %c0_i32, %c0_i32_0 : i32, i32, i32
  }
  func.func @transform_21(%arg0: i32) -> (i32, i32, i32) {
    %c0_i32 = arith.constant 0 : i32
    %c0_i32_0 = arith.constant 0 : i32
    %c0_i32_1 = arith.constant 0 : i32
    return %arg0, %c0_i32, %c0_i32_0 : i32, i32, i32
  }
  func.func @transform_22(%arg0: i32) -> (i32, i32, i32) {
    %c0_i32 = arith.constant 0 : i32
    %c0_i32_0 = arith.constant 0 : i32
    %c0_i32_1 = arith.constant 0 : i32
    return %arg0, %c0_i32, %c0_i32_0 : i32, i32, i32
  }
  func.func @transform_23(%arg0: i32) -> (i32, i32, i32) {
    %c0_i32 = arith.constant 0 : i32
    %c0_i32_0 = arith.constant 0 : i32
    %c0_i32_1 = arith.constant 0 : i32
    return %arg0, %c0_i32, %c0_i32_0 : i32, i32, i32
  }
  func.func @transform_24(%arg0: i32) -> (i32, i32, i32) {
    %c0_i32 = arith.constant 0 : i32
    %c0_i32_0 = arith.constant 0 : i32
    %c0_i32_1 = arith.constant 0 : i32
    return %arg0, %c0_i32, %c0_i32_0 : i32, i32, i32
  }
}

module attributes {stable_mosaic.version = 14 : i64} {
  func.func @_nms_body(%arg0: i32, %arg1: memref<1x72x128xf32, #tpu.memory_space<vmem>>, %arg2: memref<1x72x128xf32, #tpu.memory_space<vmem>>, %arg3: memref<1x72x128xf32, #tpu.memory_space<vmem>>, %arg4: memref<1x72x128xf32, #tpu.memory_space<vmem>>, %arg5: memref<1x72x128xf32, #tpu.memory_space<vmem>>, %arg6: memref<128x128xf32, #tpu.memory_space<vmem>>, %arg7: memref<1x72x128xf32, #tpu.memory_space<vmem>>) attributes {dimension_semantics = [#tpu.dimension_semantics<arbitrary>], iteration_bounds = array<i64: 2>, scalar_prefetch = 0 : i64, scratch_operands = 0 : i64, tpu.core_type = #tpu.core_type<tc>, window_params = [{transform_indices = @transform_0, window_bounds = array<i64: 1, 72, 128>}, {transform_indices = @transform_1, window_bounds = array<i64: 1, 72, 128>}, {transform_indices = @transform_2, window_bounds = array<i64: 1, 72, 128>}, {transform_indices = @transform_3, window_bounds = array<i64: 1, 72, 128>}, {transform_indices = @transform_4, window_bounds = array<i64: 1, 72, 128>}, {pipeline_mode = #tpu.pipeline_mode<synchronous>, transform_indices = @transform_5, window_bounds = array<i64: 128, 128>}, {transform_indices = @transform_6, window_bounds = array<i64: 1, 72, 128>}]} {
    %broadcast_in_dim3A = arith.constant 0.000000e+00 : f32
    %broadcast_in_dim3A_0 = vector.broadcast %broadcast_in_dim3A : f32 to vector<1x72x128xf32>
    %swap3A = arith.constant 0 : index
    %swap3A_1 = arith.constant 0 : index
    %swap3A_2 = arith.constant 0 : index
    %swap3A_3 = vector.load %arg7[%swap3A, %swap3A_1, %swap3A_2] : memref<1x72x128xf32, #tpu.memory_space<vmem>>, vector<1x72x128xf32>
    tpu.vector_store %arg7[%swap3A, %swap3A_1, %swap3A_2], %broadcast_in_dim3A_0 {strides = array<i32>} : memref<1x72x128xf32, #tpu.memory_space<vmem>>, vector<1x72x128xf32>,
    %get3A = arith.constant 0 : index
    %get3A_4 = arith.constant 0 : index
    %get3A_5 = vector.load %arg6[%get3A, %get3A_4] : memref<128x128xf32, #tpu.memory_space<vmem>>, vector<128x128xf32>
    %while3A = arith.constant 0 : i32
    %while3A_6 = arith.constant 0 : i32
    %while3A_7:2 = scf.while (%while3A_8 = %while3A, %while3A_9 = %while3A_6) : (i32, i32) -> (i32, i32) {
      %lt3A = arith.constant 72 : i32
      %lt3A_10 = arith.cmpi slt, %while3A_8, %lt3A : i32
      %lt3A_11 = arith.constant 600 : i32
      %lt3A_12 = arith.cmpi slt, %while3A_9, %lt3A_11 : i32
      %and3A = arith.andi %lt3A_10, %lt3A_12 : i1
      scf.condition(%and3A) %while3A_8, %while3A_9 : i32, i32
    } do {
    ^bb0(%while3A_8: i32, %while3A_9: i32):
      %get3A_10 = arith.constant 0 : index
      %get3A_11 = arith.index_cast %while3A_8 : i32 to index
      %get3A_12 = arith.constant 0 : index
      %get3A_13 = vector.load %arg1[%get3A_10, %get3A_11, %get3A_12] : memref<1x72x128xf32, #tpu.memory_space<vmem>>, vector<1x1x128xf32>
      %get3A_14 = vector.shape_cast %get3A_13 : vector<1x1x128xf32> to vector<1x128xf32>
      %get3A_15 = arith.constant 0 : index
      %get3A_16 = arith.index_cast %while3A_8 : i32 to index
      %get3A_17 = arith.constant 0 : index
      %get3A_18 = vector.load %arg2[%get3A_15, %get3A_16, %get3A_17] : memref<1x72x128xf32, #tpu.memory_space<vmem>>, vector<1x1x128xf32>
      %get3A_19 = vector.shape_cast %get3A_18 : vector<1x1x128xf32> to vector<1x128xf32>
      %get3A_20 = arith.constant 0 : index
      %get3A_21 = arith.index_cast %while3A_8 : i32 to index
      %get3A_22 = arith.constant 0 : index
      %get3A_23 = vector.load %arg3[%get3A_20, %get3A_21, %get3A_22] : memref<1x72x128xf32, #tpu.memory_space<vmem>>, vector<1x1x128xf32>
      %get3A_24 = vector.shape_cast %get3A_23 : vector<1x1x128xf32> to vector<1x128xf32>
      %get3A_25 = arith.constant 0 : index
      %get3A_26 = arith.index_cast %while3A_8 : i32 to index
      %get3A_27 = arith.constant 0 : index
      %get3A_28 = vector.load %arg4[%get3A_25, %get3A_26, %get3A_27] : memref<1x72x128xf32, #tpu.memory_space<vmem>>, vector<1x1x128xf32>
      %get3A_29 = vector.shape_cast %get3A_28 : vector<1x1x128xf32> to vector<1x128xf32>
      %sub3A = arith.subf %get3A_24, %get3A_14 : vector<1x128xf32>
      %sub3A_30 = arith.subf %get3A_29, %get3A_19 : vector<1x128xf32>
      %mul3A = arith.mulf %sub3A, %sub3A_30 : vector<1x128xf32>
      %get3A_31 = arith.constant 0 : index
      %get3A_32 = arith.index_cast %while3A_8 : i32 to index
      %get3A_33 = arith.constant 0 : index
      %get3A_34 = vector.load %arg5[%get3A_31, %get3A_32, %get3A_33] : memref<1x72x128xf32, #tpu.memory_space<vmem>>, vector<1x1x128xf32>
      %get3A_35 = vector.shape_cast %get3A_34 : vector<1x1x128xf32> to vector<1x128xf32>
      %while3A_36 = arith.constant 0 : i32
      %while3A_37 = arith.subi %while3A_8, %while3A_36 : i32
      %while3A_38 = arith.addi %while3A_36, %while3A_37 : i32
      %while3A_39 = arith.constant 1 : i32
      %while3A_40 = arith.divsi %while3A_37, %while3A_39 : i32
      %while3A_41 = arith.muli %while3A_40, %while3A_39 : i32
      %while3A_42 = arith.addi %while3A_36, %while3A_41 : i32
      %while3A_43 = arith.constant 1 : i32
      %while3A_44 = scf.for %while3A_105 = %while3A_36 to %while3A_42 step %while3A_43 iter_args(%while3A_106 = %get3A_35) -> (vector<1x128xf32>)  : i32 {
        %get3A_107 = arith.constant 0 : index
        %get3A_108 = arith.index_cast %while3A_105 : i32 to index
        %get3A_109 = arith.constant 0 : index
        %get3A_110 = vector.load %arg1[%get3A_107, %get3A_108, %get3A_109] : memref<1x72x128xf32, #tpu.memory_space<vmem>>, vector<1x1x128xf32>
        %get3A_111 = vector.shape_cast %get3A_110 : vector<1x1x128xf32> to vector<1x128xf32>
        %get3A_112 = arith.constant 0 : index
        %get3A_113 = arith.index_cast %while3A_105 : i32 to index
        %get3A_114 = arith.constant 0 : index
        %get3A_115 = vector.load %arg2[%get3A_112, %get3A_113, %get3A_114] : memref<1x72x128xf32, #tpu.memory_space<vmem>>, vector<1x1x128xf32>
        %get3A_116 = vector.shape_cast %get3A_115 : vector<1x1x128xf32> to vector<1x128xf32>
        %get3A_117 = arith.constant 0 : index
        %get3A_118 = arith.index_cast %while3A_105 : i32 to index
        %get3A_119 = arith.constant 0 : index
        %get3A_120 = vector.load %arg3[%get3A_117, %get3A_118, %get3A_119] : memref<1x72x128xf32, #tpu.memory_space<vmem>>, vector<1x1x128xf32>
        %get3A_121 = vector.shape_cast %get3A_120 : vector<1x1x128xf32> to vector<1x128xf32>
        %get3A_122 = arith.constant 0 : index
        %get3A_123 = arith.index_cast %while3A_105 : i32 to index
        %get3A_124 = arith.constant 0 : index
        %get3A_125 = vector.load %arg4[%get3A_122, %get3A_123, %get3A_124] : memref<1x72x128xf32, #tpu.memory_space<vmem>>, vector<1x1x128xf32>
        %get3A_126 = vector.shape_cast %get3A_125 : vector<1x1x128xf32> to vector<1x128xf32>
        %sub3A_127 = arith.subf %get3A_121, %get3A_111 : vector<1x128xf32>
        %sub3A_128 = arith.subf %get3A_126, %get3A_116 : vector<1x128xf32>
        %mul3A_129 = arith.mulf %sub3A_127, %sub3A_128 : vector<1x128xf32>
        %dot_general3A_130 = arith.constant dense<0.000000e+00> : vector<128x1xf32>
        %dot_general3A_131 = tpu.matmul %get3A_5, %get3A_111, %dot_general3A_130 {dimension_numbers = #tpu.dot_dimension_numbers<[1], [1], [0], [0], [0, 0, 1, 0], [], []>, precision = #tpu.contract_precision<fp32>, transpose_lhs_hint = false} : vector<128x128xf32>, vector<1x128xf32>, vector<128x1xf32> -> vector<128x1xf32>
        %dot_general3A_132 = arith.constant dense<0.000000e+00> : vector<128x1xf32>
        %dot_general3A_133 = tpu.matmul %get3A_5, %get3A_116, %dot_general3A_132 {dimension_numbers = #tpu.dot_dimension_numbers<[1], [1], [0], [0], [0, 0, 1, 0], [], []>, precision = #tpu.contract_precision<fp32>, transpose_lhs_hint = false} : vector<128x128xf32>, vector<1x128xf32>, vector<128x1xf32> -> vector<128x1xf32>
        %dot_general3A_134 = arith.constant dense<0.000000e+00> : vector<128x1xf32>
        %dot_general3A_135 = tpu.matmul %get3A_5, %get3A_121, %dot_general3A_134 {dimension_numbers = #tpu.dot_dimension_numbers<[1], [1], [0], [0], [0, 0, 1, 0], [], []>, precision = #tpu.contract_precision<fp32>, transpose_lhs_hint = false} : vector<128x128xf32>, vector<1x128xf32>, vector<128x1xf32> -> vector<128x1xf32>
        %dot_general3A_136 = arith.constant dense<0.000000e+00> : vector<128x1xf32>
        %dot_general3A_137 = tpu.matmul %get3A_5, %get3A_126, %dot_general3A_136 {dimension_numbers = #tpu.dot_dimension_numbers<[1], [1], [0], [0], [0, 0, 1, 0], [], []>, precision = #tpu.contract_precision<fp32>, transpose_lhs_hint = false} : vector<128x128xf32>, vector<1x128xf32>, vector<128x1xf32> -> vector<128x1xf32>
        %dot_general3A_138 = arith.constant dense<0.000000e+00> : vector<128x1xf32>
        %dot_general3A_139 = tpu.matmul %get3A_5, %mul3A_129, %dot_general3A_138 {dimension_numbers = #tpu.dot_dimension_numbers<[1], [1], [0], [0], [0, 0, 1, 0], [], []>, precision = #tpu.contract_precision<fp32>, transpose_lhs_hint = false} : vector<128x128xf32>, vector<1x128xf32>, vector<128x1xf32> -> vector<128x1xf32>
        %max3A_140 = vector.broadcast %dot_general3A_131 : vector<128x1xf32> to vector<128x128xf32>
        %max3A_141 = vector.broadcast %get3A_14 : vector<1x128xf32> to vector<128x128xf32>
        %max3A_142 = arith.maximumf %max3A_140, %max3A_141 : vector<128x128xf32>
        %max3A_143 = vector.broadcast %dot_general3A_133 : vector<128x1xf32> to vector<128x128xf32>
        %max3A_144 = vector.broadcast %get3A_19 : vector<1x128xf32> to vector<128x128xf32>
        %max3A_145 = arith.maximumf %max3A_143, %max3A_144 : vector<128x128xf32>
        %min3A_146 = vector.broadcast %dot_general3A_135 : vector<128x1xf32> to vector<128x128xf32>
        %min3A_147 = vector.broadcast %get3A_24 : vector<1x128xf32> to vector<128x128xf32>
        %min3A_148 = arith.minimumf %min3A_146, %min3A_147 : vector<128x128xf32>
        %min3A_149 = vector.broadcast %dot_general3A_137 : vector<128x1xf32> to vector<128x128xf32>
        %min3A_150 = vector.broadcast %get3A_29 : vector<1x128xf32> to vector<128x128xf32>
        %min3A_151 = arith.minimumf %min3A_149, %min3A_150 : vector<128x128xf32>
        %sub3A_152 = arith.subf %min3A_148, %max3A_142 : vector<128x128xf32>
        %max3A_153 = arith.constant 0.000000e+00 : f32
        %max3A_154 = vector.broadcast %max3A_153 : f32 to vector<128x128xf32>
        %max3A_155 = arith.maximumf %sub3A_152, %max3A_154 : vector<128x128xf32>
        %sub3A_156 = arith.subf %min3A_151, %max3A_145 : vector<128x128xf32>
        %max3A_157 = arith.constant 0.000000e+00 : f32
        %max3A_158 = vector.broadcast %max3A_157 : f32 to vector<128x128xf32>
        %max3A_159 = arith.maximumf %sub3A_156, %max3A_158 : vector<128x128xf32>
        %mul3A_160 = arith.mulf %max3A_155, %max3A_159 : vector<128x128xf32>
        %add3A_161 = vector.broadcast %dot_general3A_139 : vector<128x1xf32> to vector<128x128xf32>
        %add3A_162 = vector.broadcast %mul3A : vector<1x128xf32> to vector<128x128xf32>
        %add3A_163 = arith.addf %add3A_161, %add3A_162 : vector<128x128xf32>
        %sub3A_164 = arith.subf %add3A_163, %mul3A_160 : vector<128x128xf32>
        %add3A_165 = arith.constant 9.99999971E-10 : f32
        %add3A_166 = vector.broadcast %add3A_165 : f32 to vector<128x128xf32>
        %add3A_167 = arith.addf %sub3A_164, %add3A_166 : vector<128x128xf32>
        %div3A_168 = arith.divf %mul3A_160, %add3A_167 : vector<128x128xf32>
        %gt3A_169 = arith.constant 0.699999988 : f32
        %gt3A_170 = vector.broadcast %gt3A_169 : f32 to vector<128x128xf32>
        %gt3A_171 = arith.cmpf ogt, %div3A_168, %gt3A_170 : vector<128x128xf32>
        %convert_element_type3A_172 = arith.extui %gt3A_171 : vector<128x128xi1> to vector<128x128xi32>
        %convert_element_type3A_173 = arith.sitofp %convert_element_type3A_172 : vector<128x128xi32> to vector<128x128xf32>
        %get3A_174 = arith.constant 0 : index
        %get3A_175 = arith.index_cast %while3A_105 : i32 to index
        %get3A_176 = arith.constant 0 : index
        %get3A_177 = vector.load %arg7[%get3A_174, %get3A_175, %get3A_176] : memref<1x72x128xf32, #tpu.memory_space<vmem>>, vector<1x1x128xf32>
        %get3A_178 = vector.shape_cast %get3A_177 : vector<1x1x128xf32> to vector<1x128xf32>
        %dot_general3A_179 = arith.constant dense<0.000000e+00> : vector<1x128xf32>
        %dot_general3A_180 = tpu.matmul %get3A_178, %convert_element_type3A_173, %dot_general3A_179 {dimension_numbers = #tpu.dot_dimension_numbers<[1], [0], [0], [1], [0, 0, 1, 1], [], []>, transpose_lhs_hint = false} : vector<1x128xf32>, vector<128x128xf32>, vector<1x128xf32> -> vector<1x128xf32>
        %lt3A_181 = arith.constant 5.000000e-01 : f32
        %lt3A_182 = vector.broadcast %lt3A_181 : f32 to vector<1x128xf32>
        %lt3A_183 = arith.cmpf olt, %dot_general3A_180, %lt3A_182 : vector<1x128xf32>
        %convert_element_type3A_184 = arith.extui %lt3A_183 : vector<1x128xi1> to vector<1x128xi32>
        %convert_element_type3A_185 = arith.sitofp %convert_element_type3A_184 : vector<1x128xi32> to vector<1x128xf32>
        %mul3A_186 = arith.mulf %while3A_106, %convert_element_type3A_185 : vector<1x128xf32>
        scf.yield %mul3A_186 : vector<1x128xf32>
      }
      %while3A_45 = arith.constant 1 : i32
      %while3A_46 = scf.for %while3A_105 = %while3A_42 to %while3A_38 step %while3A_45 iter_args(%while3A_106 = %while3A_44) -> (vector<1x128xf32>)  : i32 {
        %get3A_107 = arith.constant 0 : index
        %get3A_108 = arith.index_cast %while3A_105 : i32 to index
        %get3A_109 = arith.constant 0 : index
        %get3A_110 = vector.load %arg1[%get3A_107, %get3A_108, %get3A_109] : memref<1x72x128xf32, #tpu.memory_space<vmem>>, vector<1x1x128xf32>
        %get3A_111 = vector.shape_cast %get3A_110 : vector<1x1x128xf32> to vector<1x128xf32>
        %get3A_112 = arith.constant 0 : index
        %get3A_113 = arith.index_cast %while3A_105 : i32 to index
        %get3A_114 = arith.constant 0 : index
        %get3A_115 = vector.load %arg2[%get3A_112, %get3A_113, %get3A_114] : memref<1x72x128xf32, #tpu.memory_space<vmem>>, vector<1x1x128xf32>
        %get3A_116 = vector.shape_cast %get3A_115 : vector<1x1x128xf32> to vector<1x128xf32>
        %get3A_117 = arith.constant 0 : index
        %get3A_118 = arith.index_cast %while3A_105 : i32 to index
        %get3A_119 = arith.constant 0 : index
        %get3A_120 = vector.load %arg3[%get3A_117, %get3A_118, %get3A_119] : memref<1x72x128xf32, #tpu.memory_space<vmem>>, vector<1x1x128xf32>
        %get3A_121 = vector.shape_cast %get3A_120 : vector<1x1x128xf32> to vector<1x128xf32>
        %get3A_122 = arith.constant 0 : index
        %get3A_123 = arith.index_cast %while3A_105 : i32 to index
        %get3A_124 = arith.constant 0 : index
        %get3A_125 = vector.load %arg4[%get3A_122, %get3A_123, %get3A_124] : memref<1x72x128xf32, #tpu.memory_space<vmem>>, vector<1x1x128xf32>
        %get3A_126 = vector.shape_cast %get3A_125 : vector<1x1x128xf32> to vector<1x128xf32>
        %sub3A_127 = arith.subf %get3A_121, %get3A_111 : vector<1x128xf32>
        %sub3A_128 = arith.subf %get3A_126, %get3A_116 : vector<1x128xf32>
        %mul3A_129 = arith.mulf %sub3A_127, %sub3A_128 : vector<1x128xf32>
        %dot_general3A_130 = arith.constant dense<0.000000e+00> : vector<128x1xf32>
        %dot_general3A_131 = tpu.matmul %get3A_5, %get3A_111, %dot_general3A_130 {dimension_numbers = #tpu.dot_dimension_numbers<[1], [1], [0], [0], [0, 0, 1, 0], [], []>, precision = #tpu.contract_precision<fp32>, transpose_lhs_hint = false} : vector<128x128xf32>, vector<1x128xf32>, vector<128x1xf32> -> vector<128x1xf32>
        %dot_general3A_132 = arith.constant dense<0.000000e+00> : vector<128x1xf32>
        %dot_general3A_133 = tpu.matmul %get3A_5, %get3A_116, %dot_general3A_132 {dimension_numbers = #tpu.dot_dimension_numbers<[1], [1], [0], [0], [0, 0, 1, 0], [], []>, precision = #tpu.contract_precision<fp32>, transpose_lhs_hint = false} : vector<128x128xf32>, vector<1x128xf32>, vector<128x1xf32> -> vector<128x1xf32>
        %dot_general3A_134 = arith.constant dense<0.000000e+00> : vector<128x1xf32>
        %dot_general3A_135 = tpu.matmul %get3A_5, %get3A_121, %dot_general3A_134 {dimension_numbers = #tpu.dot_dimension_numbers<[1], [1], [0], [0], [0, 0, 1, 0], [], []>, precision = #tpu.contract_precision<fp32>, transpose_lhs_hint = false} : vector<128x128xf32>, vector<1x128xf32>, vector<128x1xf32> -> vector<128x1xf32>
        %dot_general3A_136 = arith.constant dense<0.000000e+00> : vector<128x1xf32>
        %dot_general3A_137 = tpu.matmul %get3A_5, %get3A_126, %dot_general3A_136 {dimension_numbers = #tpu.dot_dimension_numbers<[1], [1], [0], [0], [0, 0, 1, 0], [], []>, precision = #tpu.contract_precision<fp32>, transpose_lhs_hint = false} : vector<128x128xf32>, vector<1x128xf32>, vector<128x1xf32> -> vector<128x1xf32>
        %dot_general3A_138 = arith.constant dense<0.000000e+00> : vector<128x1xf32>
        %dot_general3A_139 = tpu.matmul %get3A_5, %mul3A_129, %dot_general3A_138 {dimension_numbers = #tpu.dot_dimension_numbers<[1], [1], [0], [0], [0, 0, 1, 0], [], []>, precision = #tpu.contract_precision<fp32>, transpose_lhs_hint = false} : vector<128x128xf32>, vector<1x128xf32>, vector<128x1xf32> -> vector<128x1xf32>
        %max3A_140 = vector.broadcast %dot_general3A_131 : vector<128x1xf32> to vector<128x128xf32>
        %max3A_141 = vector.broadcast %get3A_14 : vector<1x128xf32> to vector<128x128xf32>
        %max3A_142 = arith.maximumf %max3A_140, %max3A_141 : vector<128x128xf32>
        %max3A_143 = vector.broadcast %dot_general3A_133 : vector<128x1xf32> to vector<128x128xf32>
        %max3A_144 = vector.broadcast %get3A_19 : vector<1x128xf32> to vector<128x128xf32>
        %max3A_145 = arith.maximumf %max3A_143, %max3A_144 : vector<128x128xf32>
        %min3A_146 = vector.broadcast %dot_general3A_135 : vector<128x1xf32> to vector<128x128xf32>
        %min3A_147 = vector.broadcast %get3A_24 : vector<1x128xf32> to vector<128x128xf32>
        %min3A_148 = arith.minimumf %min3A_146, %min3A_147 : vector<128x128xf32>
        %min3A_149 = vector.broadcast %dot_general3A_137 : vector<128x1xf32> to vector<128x128xf32>
        %min3A_150 = vector.broadcast %get3A_29 : vector<1x128xf32> to vector<128x128xf32>
        %min3A_151 = arith.minimumf %min3A_149, %min3A_150 : vector<128x128xf32>
        %sub3A_152 = arith.subf %min3A_148, %max3A_142 : vector<128x128xf32>
        %max3A_153 = arith.constant 0.000000e+00 : f32
        %max3A_154 = vector.broadcast %max3A_153 : f32 to vector<128x128xf32>
        %max3A_155 = arith.maximumf %sub3A_152, %max3A_154 : vector<128x128xf32>
        %sub3A_156 = arith.subf %min3A_151, %max3A_145 : vector<128x128xf32>
        %max3A_157 = arith.constant 0.000000e+00 : f32
        %max3A_158 = vector.broadcast %max3A_157 : f32 to vector<128x128xf32>
        %max3A_159 = arith.maximumf %sub3A_156, %max3A_158 : vector<128x128xf32>
        %mul3A_160 = arith.mulf %max3A_155, %max3A_159 : vector<128x128xf32>
        %add3A_161 = vector.broadcast %dot_general3A_139 : vector<128x1xf32> to vector<128x128xf32>
        %add3A_162 = vector.broadcast %mul3A : vector<1x128xf32> to vector<128x128xf32>
        %add3A_163 = arith.addf %add3A_161, %add3A_162 : vector<128x128xf32>
        %sub3A_164 = arith.subf %add3A_163, %mul3A_160 : vector<128x128xf32>
        %add3A_165 = arith.constant 9.99999971E-10 : f32
        %add3A_166 = vector.broadcast %add3A_165 : f32 to vector<128x128xf32>
        %add3A_167 = arith.addf %sub3A_164, %add3A_166 : vector<128x128xf32>
        %div3A_168 = arith.divf %mul3A_160, %add3A_167 : vector<128x128xf32>
        %gt3A_169 = arith.constant 0.699999988 : f32
        %gt3A_170 = vector.broadcast %gt3A_169 : f32 to vector<128x128xf32>
        %gt3A_171 = arith.cmpf ogt, %div3A_168, %gt3A_170 : vector<128x128xf32>
        %convert_element_type3A_172 = arith.extui %gt3A_171 : vector<128x128xi1> to vector<128x128xi32>
        %convert_element_type3A_173 = arith.sitofp %convert_element_type3A_172 : vector<128x128xi32> to vector<128x128xf32>
        %get3A_174 = arith.constant 0 : index
        %get3A_175 = arith.index_cast %while3A_105 : i32 to index
        %get3A_176 = arith.constant 0 : index
        %get3A_177 = vector.load %arg7[%get3A_174, %get3A_175, %get3A_176] : memref<1x72x128xf32, #tpu.memory_space<vmem>>, vector<1x1x128xf32>
        %get3A_178 = vector.shape_cast %get3A_177 : vector<1x1x128xf32> to vector<1x128xf32>
        %dot_general3A_179 = arith.constant dense<0.000000e+00> : vector<1x128xf32>
        %dot_general3A_180 = tpu.matmul %get3A_178, %convert_element_type3A_173, %dot_general3A_179 {dimension_numbers = #tpu.dot_dimension_numbers<[1], [0], [0], [1], [0, 0, 1, 1], [], []>, transpose_lhs_hint = false} : vector<1x128xf32>, vector<128x128xf32>, vector<1x128xf32> -> vector<1x128xf32>
        %lt3A_181 = arith.constant 5.000000e-01 : f32
        %lt3A_182 = vector.broadcast %lt3A_181 : f32 to vector<1x128xf32>
        %lt3A_183 = arith.cmpf olt, %dot_general3A_180, %lt3A_182 : vector<1x128xf32>
        %convert_element_type3A_184 = arith.extui %lt3A_183 : vector<1x128xi1> to vector<1x128xi32>
        %convert_element_type3A_185 = arith.sitofp %convert_element_type3A_184 : vector<1x128xi32> to vector<1x128xf32>
        %mul3A_186 = arith.mulf %while3A_106, %convert_element_type3A_185 : vector<1x128xf32>
        scf.yield %mul3A_186 : vector<1x128xf32>
      }
      %dot_general3A = arith.constant dense<0.000000e+00> : vector<128x1xf32>
      %dot_general3A_47 = tpu.matmul %get3A_5, %get3A_14, %dot_general3A {dimension_numbers = #tpu.dot_dimension_numbers<[1], [1], [0], [0], [0, 0, 1, 0], [], []>, precision = #tpu.contract_precision<fp32>, transpose_lhs_hint = false} : vector<128x128xf32>, vector<1x128xf32>, vector<128x1xf32> -> vector<128x1xf32>
      %dot_general3A_48 = arith.constant dense<0.000000e+00> : vector<128x1xf32>
      %dot_general3A_49 = tpu.matmul %get3A_5, %get3A_19, %dot_general3A_48 {dimension_numbers = #tpu.dot_dimension_numbers<[1], [1], [0], [0], [0, 0, 1, 0], [], []>, precision = #tpu.contract_precision<fp32>, transpose_lhs_hint = false} : vector<128x128xf32>, vector<1x128xf32>, vector<128x1xf32> -> vector<128x1xf32>
      %dot_general3A_50 = arith.constant dense<0.000000e+00> : vector<128x1xf32>
      %dot_general3A_51 = tpu.matmul %get3A_5, %get3A_24, %dot_general3A_50 {dimension_numbers = #tpu.dot_dimension_numbers<[1], [1], [0], [0], [0, 0, 1, 0], [], []>, precision = #tpu.contract_precision<fp32>, transpose_lhs_hint = false} : vector<128x128xf32>, vector<1x128xf32>, vector<128x1xf32> -> vector<128x1xf32>
      %dot_general3A_52 = arith.constant dense<0.000000e+00> : vector<128x1xf32>
      %dot_general3A_53 = tpu.matmul %get3A_5, %get3A_29, %dot_general3A_52 {dimension_numbers = #tpu.dot_dimension_numbers<[1], [1], [0], [0], [0, 0, 1, 0], [], []>, precision = #tpu.contract_precision<fp32>, transpose_lhs_hint = false} : vector<128x128xf32>, vector<1x128xf32>, vector<128x1xf32> -> vector<128x1xf32>
      %dot_general3A_54 = arith.constant dense<0.000000e+00> : vector<128x1xf32>
      %dot_general3A_55 = tpu.matmul %get3A_5, %mul3A, %dot_general3A_54 {dimension_numbers = #tpu.dot_dimension_numbers<[1], [1], [0], [0], [0, 0, 1, 0], [], []>, precision = #tpu.contract_precision<fp32>, transpose_lhs_hint = false} : vector<128x128xf32>, vector<1x128xf32>, vector<128x1xf32> -> vector<128x1xf32>
      %max3A = vector.broadcast %dot_general3A_47 : vector<128x1xf32> to vector<128x128xf32>
      %max3A_56 = vector.broadcast %get3A_14 : vector<1x128xf32> to vector<128x128xf32>
      %max3A_57 = arith.maximumf %max3A, %max3A_56 : vector<128x128xf32>
      %max3A_58 = vector.broadcast %dot_general3A_49 : vector<128x1xf32> to vector<128x128xf32>
      %max3A_59 = vector.broadcast %get3A_19 : vector<1x128xf32> to vector<128x128xf32>
      %max3A_60 = arith.maximumf %max3A_58, %max3A_59 : vector<128x128xf32>
      %min3A = vector.broadcast %dot_general3A_51 : vector<128x1xf32> to vector<128x128xf32>
      %min3A_61 = vector.broadcast %get3A_24 : vector<1x128xf32> to vector<128x128xf32>
      %min3A_62 = arith.minimumf %min3A, %min3A_61 : vector<128x128xf32>
      %min3A_63 = vector.broadcast %dot_general3A_53 : vector<128x1xf32> to vector<128x128xf32>
      %min3A_64 = vector.broadcast %get3A_29 : vector<1x128xf32> to vector<128x128xf32>
      %min3A_65 = arith.minimumf %min3A_63, %min3A_64 : vector<128x128xf32>
      %sub3A_66 = arith.subf %min3A_62, %max3A_57 : vector<128x128xf32>
      %max3A_67 = arith.constant 0.000000e+00 : f32
      %max3A_68 = vector.broadcast %max3A_67 : f32 to vector<128x128xf32>
      %max3A_69 = arith.maximumf %sub3A_66, %max3A_68 : vector<128x128xf32>
      %sub3A_70 = arith.subf %min3A_65, %max3A_60 : vector<128x128xf32>
      %max3A_71 = arith.constant 0.000000e+00 : f32
      %max3A_72 = vector.broadcast %max3A_71 : f32 to vector<128x128xf32>
      %max3A_73 = arith.maximumf %sub3A_70, %max3A_72 : vector<128x128xf32>
      %mul3A_74 = arith.mulf %max3A_69, %max3A_73 : vector<128x128xf32>
      %add3A = vector.broadcast %dot_general3A_55 : vector<128x1xf32> to vector<128x128xf32>
      %add3A_75 = vector.broadcast %mul3A : vector<1x128xf32> to vector<128x128xf32>
      %add3A_76 = arith.addf %add3A, %add3A_75 : vector<128x128xf32>
      %sub3A_77 = arith.subf %add3A_76, %mul3A_74 : vector<128x128xf32>
      %add3A_78 = arith.constant 9.99999971E-10 : f32
      %add3A_79 = vector.broadcast %add3A_78 : f32 to vector<128x128xf32>
      %add3A_80 = arith.addf %sub3A_77, %add3A_79 : vector<128x128xf32>
      %div3A = arith.divf %mul3A_74, %add3A_80 : vector<128x128xf32>
      %gt3A = arith.constant 0.699999988 : f32
      %gt3A_81 = vector.broadcast %gt3A : f32 to vector<128x128xf32>
      %gt3A_82 = arith.cmpf ogt, %div3A, %gt3A_81 : vector<128x128xf32>
      %convert_element_type3A = arith.extui %gt3A_82 : vector<128x128xi1> to vector<128x128xi32>
      %convert_element_type3A_83 = arith.sitofp %convert_element_type3A : vector<128x128xi32> to vector<128x128xf32>
      %iota3A = tpu.iota {dimensions = array<i32: 0>} : vector<128x128xi32>
      %iota3A_84 = tpu.iota {dimensions = array<i32: 1>} : vector<128x128xi32>
      %lt3A = arith.cmpi slt, %iota3A, %iota3A_84 : vector<128x128xi32>
      %convert_element_type3A_85 = arith.extui %lt3A : vector<128x128xi1> to vector<128x128xi32>
      %convert_element_type3A_86 = arith.sitofp %convert_element_type3A_85 : vector<128x128xi32> to vector<128x128xf32>
      %mul3A_87 = arith.mulf %convert_element_type3A_83, %convert_element_type3A_86 : vector<128x128xf32>
      %while3A_88 = arith.constant true
      %while3A_89 = arith.constant 0 : i32
      %while3A_90:3 = scf.while (%while3A_105 = %while3A_46, %while3A_106 = %while3A_88, %while3A_107 = %while3A_89) : (vector<1x128xf32>, i1, i32) -> (vector<1x128xf32>, i1, i32) {
        %lt3A_108 = arith.constant 128 : i32
        %lt3A_109 = arith.cmpi slt, %while3A_107, %lt3A_108 : i32
        %and3A = arith.andi %while3A_106, %lt3A_109 : i1
        scf.condition(%and3A) %while3A_105, %while3A_106, %while3A_107 : vector<1x128xf32>, i1, i32
      } do {
      ^bb0(%while3A_105: vector<1x128xf32>, %while3A_106: i1, %while3A_107: i32):
        %dot_general3A_108 = arith.constant dense<0.000000e+00> : vector<1x128xf32>
        %dot_general3A_109 = tpu.matmul %while3A_105, %mul3A_87, %dot_general3A_108 {dimension_numbers = #tpu.dot_dimension_numbers<[1], [0], [0], [1], [0, 0, 1, 1], [], []>, transpose_lhs_hint = false} : vector<1x128xf32>, vector<128x128xf32>, vector<1x128xf32> -> vector<1x128xf32>
        %lt3A_110 = arith.constant 5.000000e-01 : f32
        %lt3A_111 = vector.broadcast %lt3A_110 : f32 to vector<1x128xf32>
        %lt3A_112 = arith.cmpf olt, %dot_general3A_109, %lt3A_111 : vector<1x128xf32>
        %convert_element_type3A_113 = arith.extui %lt3A_112 : vector<1x128xi1> to vector<1x128xi32>
        %convert_element_type3A_114 = arith.sitofp %convert_element_type3A_113 : vector<1x128xi32> to vector<1x128xf32>
        %mul3A_115 = arith.mulf %while3A_46, %convert_element_type3A_114 : vector<1x128xf32>
        %sub3A_116 = arith.subf %mul3A_115, %while3A_105 : vector<1x128xf32>
        %abs3A = math.absf %sub3A_116 : vector<1x128xf32>
        %reduce_sum3A_117 = vector.shape_cast %abs3A : vector<1x128xf32> to vector<1x1x128xf32>
        %reduce_sum3A_118 = arith.constant dense<0.000000e+00> : vector<1xf32>
        %reduce_sum3A_119 = vector.multi_reduction <add>, %reduce_sum3A_117, %reduce_sum3A_118 [1, 2] : vector<1x1x128xf32> to vector<1xf32>
        %reduce_sum3A_120 = vector.shape_cast %reduce_sum3A_119 : vector<1xf32> to vector<1x1x1xf32>
        %reduce_sum3A_121 = vector.extract %reduce_sum3A_120[0, 0, 0] : f32 from vector<1x1x1xf32>
        %gt3A_122 = arith.constant 0.000000e+00 : f32
        %gt3A_123 = arith.cmpf ogt, %reduce_sum3A_121, %gt3A_122 : f32
        %add3A_124 = arith.constant 1 : i32
        %add3A_125 = arith.addi %while3A_107, %add3A_124 : i32
        scf.yield %mul3A_115, %gt3A_123, %add3A_125 : vector<1x128xf32>, i1, i32
      }
      %swap3A_91 = arith.constant 0 : index
      %swap3A_92 = arith.index_cast %while3A_8 : i32 to index
      %swap3A_93 = arith.constant 0 : index
      %swap3A_94 = vector.load %arg7[%swap3A_91, %swap3A_92, %swap3A_93] : memref<1x72x128xf32, #tpu.memory_space<vmem>>, vector<1x1x128xf32>
      %swap3A_95 = vector.shape_cast %swap3A_94 : vector<1x1x128xf32> to vector<1x128xf32>
      %swap3A_96 = vector.shape_cast %while3A_90#0 : vector<1x128xf32> to vector<1x1x128xf32>
      tpu.vector_store %arg7[%swap3A_91, %swap3A_92, %swap3A_93], %swap3A_96 {strides = array<i32>} : memref<1x72x128xf32, #tpu.memory_space<vmem>>, vector<1x1x128xf32>,
      %add3A_97 = arith.constant 1 : i32
      %add3A_98 = arith.addi %while3A_8, %add3A_97 : i32
      %reduce_sum3A = vector.shape_cast %while3A_90#0 : vector<1x128xf32> to vector<1x1x128xf32>
      %reduce_sum3A_99 = arith.constant dense<0.000000e+00> : vector<1xf32>
      %reduce_sum3A_100 = vector.multi_reduction <add>, %reduce_sum3A, %reduce_sum3A_99 [1, 2] : vector<1x1x128xf32> to vector<1xf32>
      %reduce_sum3A_101 = vector.shape_cast %reduce_sum3A_100 : vector<1xf32> to vector<1x1x1xf32>
      %reduce_sum3A_102 = vector.extract %reduce_sum3A_101[0, 0, 0] : f32 from vector<1x1x1xf32>
      %convert_element_type3A_103 = arith.fptosi %reduce_sum3A_102 : f32 to i32
      %add3A_104 = arith.addi %while3A_9, %convert_element_type3A_103 : i32
      scf.yield %add3A_98, %add3A_104 : i32, i32
    }
    return
  }
  func.func @transform_0(%arg0: i32) -> (i32, i32, i32) {
    %c0_i32 = arith.constant 0 : i32
    %c0_i32_0 = arith.constant 0 : i32
    %c0_i32_1 = arith.constant 0 : i32
    return %arg0, %c0_i32, %c0_i32_0 : i32, i32, i32
  }
  func.func @transform_1(%arg0: i32) -> (i32, i32, i32) {
    %c0_i32 = arith.constant 0 : i32
    %c0_i32_0 = arith.constant 0 : i32
    %c0_i32_1 = arith.constant 0 : i32
    return %arg0, %c0_i32, %c0_i32_0 : i32, i32, i32
  }
  func.func @transform_2(%arg0: i32) -> (i32, i32, i32) {
    %c0_i32 = arith.constant 0 : i32
    %c0_i32_0 = arith.constant 0 : i32
    %c0_i32_1 = arith.constant 0 : i32
    return %arg0, %c0_i32, %c0_i32_0 : i32, i32, i32
  }
  func.func @transform_3(%arg0: i32) -> (i32, i32, i32) {
    %c0_i32 = arith.constant 0 : i32
    %c0_i32_0 = arith.constant 0 : i32
    %c0_i32_1 = arith.constant 0 : i32
    return %arg0, %c0_i32, %c0_i32_0 : i32, i32, i32
  }
  func.func @transform_4(%arg0: i32) -> (i32, i32, i32) {
    %c0_i32 = arith.constant 0 : i32
    %c0_i32_0 = arith.constant 0 : i32
    %c0_i32_1 = arith.constant 0 : i32
    return %arg0, %c0_i32, %c0_i32_0 : i32, i32, i32
  }
  func.func @transform_5(%arg0: i32) -> (i32, i32) {
    %c0_i32 = arith.constant 0 : i32
    %c0_i32_0 = arith.constant 0 : i32
    %c0_i32_1 = arith.constant 0 : i32
    return %c0_i32, %c0_i32_0 : i32, i32
  }
  func.func @transform_6(%arg0: i32) -> (i32, i32, i32) {
    %c0_i32 = arith.constant 0 : i32
    %c0_i32_0 = arith.constant 0 : i32
    %c0_i32_1 = arith.constant 0 : i32
    return %arg0, %c0_i32, %c0_i32_0 : i32, i32, i32
  }
}

</mosaic_0001>

<sc_bundles>
// kernel: gather_offload_async_start.1
scs
__scs_entry_jumppad:
0x0: {  	(pc) =	sbr.rel $0x88, $3  }
0x1: {  	(tag) =	ssettag $0x0;
	lr =	simm.s32 $0x1  }
0x2: {  	[smem:$0x3F98] =	sst lr;
	_ =	strace $0xD0000000  }
0x3: {  	_ = 	snop  }
0x4: {  	_ = 	snop  }
0x5: {  	_ = 	snop  }
0x6: {  	_ = 	snop  }
0x7: {  	_ = 	snop  }
__scs_overlays_trampoline_lowered:
0x8: {  	[smem:$0x3FA7] =	sst s0  }
0x9: {  	[smem:$0x3FA8] =	sst s1  }
0xa: {  	[smem:$0x3FA9] =	sst s2  }
0xb: {  	[smem:$0x3FAA] =	sst s3  }
0xc: {  	[smem:$0x3FAB] =	sst s4  }
0xd: {  	[smem:$0x3FAC] =	sst s5  }
0xe: {  	[smem:$0x3FAD] =	sst s6  }
0xf: {  	[smem:$0x3FAE] =	sst s7  }
0x10: {  	[smem:$0x3FAF] =	sst s8  }
0x11: {  	[smem:$0x3FB0] =	sst s9;
	s0 =	simm.s32 @!p0 $0x0  }
0x12: {  	s1 =	sld [smem:$0x3F96];
	s0 =	simm.s32 @p0 $0x1  }
0x13: {  	[smem:$0x3FB1] =	sst s0;
	s0 =	simm.s32 @!p1 $0x0  }
0x14: {  	s2 =	sld [smem:$0x3F95];
	s0 =	simm.s32 @p1 $0x1  }
0x15: {  	[smem:$0x3FB2] =	sst s0;
	s0 =	simm.s32 @!p2 $0x0  }
0x16: {  	s3 =	sld [smem:$0x3FDB];
	s0 =	simm.s32 @p2 $0x1  }
0x17: {  	s4 =	simm.s32 $0x1BF5;
	[smem:$0x3FB4] =	sst s0  }
0x18: {  	s0 =	sld [smem:$0x3F97];
	_ =	swait.ge [sflag:s4], $0x0  }
0x19: {  	s7 =	sld [smem:$0x3F98]  }
0x1a: {  	s8 =	sadd.s32 $0xFFFFE003, lr  }
0x1b: {  	s9 =	sadd.s32 $0xFFFFFEF7, lr;
	s5 =	simm.s32 $0xFFFFFFFF;
	p2 =	slt.u32 s8, $0xFFFFF086  }
0x1c: {  	p1 =	slt.u32 s9, $0xF7A;
	s5 =	simm.s32 @!p2 $0x0  }
0x1d: {  	s5 =	simm.s32 @p1 $0x1;
	p0 =	seq.s32 s7, s2  }
0x1e: {  	s7 =	smul.u32 @!p0 $0xF7A, s2;
	p2 =	seq.s32 @!p0 s5, $0x0  }
0x1f: {  	s9 =	smul.u32 $0xF7A, s1;
	s8 =	simm.s32 @!p0 $0x1BF5;
	p2 =	por !p2, p0  }
0x20: {  	[sflag:s8] =	ssyncset.s32 @!p0 $0xFFFFF086;
	s6 =	sadd.s32 @!p0 s3, s7;
	s7 =	simm.s32 @!p0 $0x108  }
0x21: {  	s3 =	sadd.s32 s3, s9;
	s6 =	sadd.s32 @!p0 $0x88, s6;
	s7 =	simm.s32 @p2 $0x1082  }
0x22: {  	[simem:s7], [sflag:s8] =	dma.local @!p0 [hbm:s6], $0xF7A  }
0x23: {  	s9 =	sor.u32 $0xD0000000, s2;
	s6 =	simm.s32 $0x108;
	_ =	swait.ge @!p0 [sflag:s8], $0x0  }
0x24: {  	s3 =	sadd.s32 $0x88, s3;
	s6 =	simm.s32 @!p1 $0x1082;
	[sflag:s4] =	ssyncset.s32 $0xFFFFF086  }
0x25: {  	[simem:s6], [sflag:s4] =	dma.local [hbm:s3], $0xF7A  }
0x26: {  	[smem:$0x3F98] =	sst s1;
	(tag) =	ssettag s2;
	_ =	strace s9  }
0x27: {  	s1 =	sld [smem:$0x3FA8]  }
0x28: {  	s2 =	sld [smem:$0x3FA9]  }
0x29: {  	s4 =	sld [smem:$0x3FAB]  }
0x2a: {  	p0 =	seq.s32 s5, $0x0;
	s5 =	sld [smem:$0x3FAC]  }
0x2b: {  	s6 =	sld [smem:$0x3FAD]  }
0x2c: {  	s7 =	sld [smem:$0x3FAE]  }
0x2d: {  	s3 =	simm.s32 $0x108;
	s8 =	sld [smem:$0x3FAF]  }
0x2e: {  	s3 =	simm.s32 @!p0 $0x1082;
	s9 =	sld [smem:$0x3FB0]  }
0x2f: {  	lr =	sadd.s32 s0, s3;
	s0 =	sld [smem:$0x3FA7]  }
0x30: {  	s3 =	sld [smem:$0x3FAA]  }
0x31: {  	[smem:$0x3FB3] =	sst s10  }
0x32: {  	s10 =	sld [smem:$0x3FB1];
	_ =	sdelay $0x3  }
0x33: {  	p0 =	seq.s32 s10, $0x1;
	s10 =	sld [smem:$0x3FB3];
	_ =	sdelay $0x3  }
0x34: {  	[smem:$0x3FB3] =	sst s10  }
0x35: {  	s10 =	sld [smem:$0x3FB2];
	_ =	sdelay $0x3  }
0x36: {  	p1 =	seq.s32 s10, $0x1;
	s10 =	sld [smem:$0x3FB3];
	_ =	sdelay $0x3  }
0x37: {  	[smem:$0x3FB3] =	sst s10  }
0x38: {  	s10 =	sld [smem:$0x3FB4]  }
0x39: {  	_ = 	snop;
	(pc) =	sbr.ind lr, $3  }
0x3a: {  	_ = 	snop  }
0x3b: {  	_ = 	snop  }
0x3c: {  	p2 =	seq.s32 s10, $0x1;
	s10 =	sld [smem:$0x3FB3]  }
0x3d: {  	_ =	shalt  }
0x3e: {  	_ =	shalt  }
0x3f: {  	_ =	shalt  }
0x40: {  	_ =	shalt  }
0x41: {  	_ =	shalt  }
0x42: {  	_ =	shalt  }
0x43: {  	_ =	shalt  }
0x44: {  	_ =	shalt  }
0x45: {  	_ =	shalt  }
0x46: {  	_ =	shalt  }
0x47: {  	_ =	shalt  }
0x48: {  	_ =	shalt  }
0x49: {  	_ =	shalt  }
0x4a: {  	_ =	shalt  }
0x4b: {  	_ =	shalt  }
0x4c: {  	_ =	shalt  }
0x4d: {  	_ =	shalt  }
0x4e: {  	_ =	shalt  }
0x4f: {  	_ =	shalt  }
0x50: {  	_ =	shalt  }
0x51: {  	_ =	shalt  }
0x52: {  	_ =	shalt  }
0x53: {  	_ =	shalt  }
0x54: {  	_ =	shalt  }
0x55: {  	_ =	shalt  }
0x56: {  	_ =	shalt  }
0x57: {  	_ =	shalt  }
0x58: {  	_ =	shalt  }
0x59: {  	_ =	shalt  }
0x5a: {  	_ =	shalt  }
0x5b: {  	_ =	shalt  }
0x5c: {  	_ =	shalt  }
0x5d: {  	_ =	shalt  }
0x5e: {  	_ =	shalt  }
0x5f: {  	_ =	shalt  }
0x60: {  	_ =	shalt  }
0x61: {  	_ =	shalt  }
0x62: {  	_ =	shalt  }
0x63: {  	_ =	shalt  }
0x64: {  	_ =	shalt  }
0x65: {  	_ =	shalt  }
0x66: {  	_ =	shalt  }
0x67: {  	_ =	shalt  }
0x68: {  	_ =	shalt  }
0x69: {  	_ =	shalt  }
0x6a: {  	_ =	shalt  }
0x6b: {  	_ =	shalt  }
0x6c: {  	_ =	shalt  }
0x6d: {  	_ =	shalt  }
0x6e: {  	_ =	shalt  }
0x6f: {  	_ =	shalt  }
0x70: {  	_ =	shalt  }
0x71: {  	_ =	shalt  }
0x72: {  	_ =	shalt  }
0x73: {  	_ =	shalt  }
0x74: {  	_ =	shalt  }
0x75: {  	_ =	shalt  }
0x76: {  	_ =	shalt  }
0x77: {  	_ =	shalt  }
0x78: {  	_ =	shalt  }
0x79: {  	_ =	shalt  }
0x7a: {  	_ =	shalt  }
0x7b: {  	_ =	shalt  }
0x7c: {  	_ =	shalt  }
0x7d: {  	_ =	shalt  }
0x7e: {  	_ =	shalt  }
0x7f: {  	_ =	shalt  }
0x80: {  	_ =	shalt  }
0x81: {  	_ =	shalt  }
0x82: {  	_ =	shalt  }
0x83: {  	_ =	shalt  }
0x84: {  	_ =	shalt  }
0x85: {  	_ =	shalt  }
0x86: {  	_ =	shalt  }
0x87: {  	_ =	shalt  }
.Lfunc_end0:
.L_simem_size_0:
called_computation.1_lowered:
.L_overlay_start_0:
0x88: {  	s2 =	sld [smem:$0x3FD9]  }
0x89: {  	s3 =	sld [smem:$0x3FFE];
	_ =	sdelay $0x1  }
0x8a: {  	s1 =	srdreg.scid  }
0x8b: {  	s0 =	sand.u32 $0x1, s1  }
0x8c: {  	s17 =	sshll.u32 s0, $0xA;
	s2 =	sadd.s32 s3, s2  }
0x8d: {  	s2 =	sadd.s32 s2, s17  }
0x8e: {  	[smem:$0x3FBF] =	sst s2  }
0x8f: {  	_ = 	snop  }
0x90: {  	(tm) =	ssettm $0x1  }
0x91: {  	s18 =	sld [smem:$0x3FFB];
	_ =	sdelay $0x3  }
0x92: {  	_ =	strace s18  }
0x93: {  	s2 =	sld [smem:$0x3FFC];
	_ =	sdelay $0x3  }
0x94: {  	_ =	strace s2  }
0x95: {  	s2 =	sld [smem:$0x3FFD];
	_ =	sdelay $0x3  }
0x96: {  	_ =	strace s2  }
0x97: {  	_ =	strace $0x8FFFFFFF  }
0x98: {  	s19 =	sld [smem:$0x3FDB];
	_ =	sdelay $0x1  }
0x99: {  	s20 =	simm.s32 $_scs_section_size  }
0x9a: {  	s4 =	simm.s32 $_size__tile_overlayer_lowered;
	s5 =	simm.s32 $_tile_overlayer_lowered  }
0x9b: {  	s6 =	simm.s32 $0x1BFF;
	s21 =	sshll.u32 s5, $0x1;
	s3 =	sadd.s32 s20, s19  }
0x9c: {  	s22 =	simm.s32 $0x0;
	s4 =	sshll.u32 s4, $0x1;
	s5 =	sadd.s32 s21, s3  }
0x9d: {  	[timem:s22], [sflag:s6] =	dma.local [hbm:s5], s4  }
0x9e: {  	_ =	swait.ge [sflag:s6], s4  }
0x9f: {  	s4 =	ssub.s32 $0x0, s4;
	[sflag:s6] =	ssyncset.done $0x0  }
0xa0: {  	[sflag:s6] =	ssyncadd.s32 s4;
	_ =	sdelay $0x1  }
0xa1: {  	s23 =	simm.s32 $0x1B8B  }
0xa2: {  	_ =	swait.ge [sflag:s23], $0x1  }
0xa3: {  	[sflag:s23] =	ssyncset.done $0x0  }
0xa4: {  	[sflag:s23] =	ssyncadd.s32 $0xFFFFFFFF  }
0xa5: {  	s4 =	sld [smem:$0x0]  }
0xa6: {  	s5 =	sand.u32 $0xFFFFFFFE, s1  }
0xa7: {  	p0 =	sne.s32 s1, s5  }
0xa8: {  	s5 =	sshll.u32 @p0 s5, $0xE  }
0xa9: {  	s5 =	sadd.s32 @p0 $0x11B8D, s5;
	s6 =	sshll.u32 @p0 s4, $0x11  }
0xaa: {  	s5 =	sor.u32 @p0 s6, s5  }
0xab: {  	[sflag:s5] =	ssyncadd.remote.s32 @p0 $0x1;
	_ =	sdelay $0x1  }
0xac: {  	s5 =	simm.s32 @p0 $0x1B8D  }
0xad: {  	_ =	swait.eq @p0 [sflag:s5], $0x1  }
0xae: {  	[sflag:s5] =	ssyncadd.s32 @p0 $0xFFFFFFFF  }
0xaf: {  	s6 =	sshll.u32 @!p0 s1, $0xE  }
0xb0: {  	s6 =	sor.u32 @!p0 $0x4000, s6;
	s5 =	simm.s32 @!p0 $0x1B8D  }
0xb1: {  	s4 =	sshll.u32 @!p0 s4, $0x11;
	s6 =	sadd.s32 @!p0 $0x11B8D, s6;
	_ =	swait.eq @!p0 [sflag:s5], $0x1  }
0xb2: {  	s4 =	sor.u32 @!p0 s4, s6;
	[sflag:s5] =	ssyncadd.s32 @!p0 $0xFFFFFFFF  }
0xb3: {  	s25 =	simm.s32 $0x1B8E;
	s24 =	sld [smem:$0x3FFE];
	[sflag:s4] =	ssyncadd.remote.s32 @!p0 $0x1  }
0xb4: {  	s26 =	simm.s32 $execute0_lowered;
	[smem:$0x3FD2] =	sst s25  }
0xb5: {  	s5 =	sshll.u32 s26, $0x1;
	_ =	strace $0x8000004C;
	[dreg:$0x1] =	wrdreg $0xFFFFFFFF  }
0xb6: {  	s28 =	simm.s32 $_size_execute0_lowered;
	s3 =	sadd.s32 s3, s5;
	[dreg:$0x0] =	wrdreg $0x0  }
0xb7: {  	s5 =	sshll.u32 s28, $0x1;
	[dreg:$0x2] =	wrdreg s3  }
0xb8: {  	[dreg:$0x3] =	wrdreg s5  }
0xb9: {  	[dreg:$0x4] =	wrdreg $0xC0  }
0xba: {  	_ =	task [dreg:s22], $0x5FFFF  }
0xbb: {  	[dreg:$0x1] =	wrdreg $0xFFFFFFFF  }
0xbc: {  	[dreg:$0x0] =	wrdreg $0x60  }
0xbd: {  	[dreg:$0x2] =	wrdreg s24  }
0xbe: {  	[dreg:$0x3] =	wrdreg $0x9  }
0xbf: {  	_ =	task.clear_ibuf [dreg:s22], $0x4FFFF;
	_ =	strace $0x9000004C  }
0xc0: {  	s29 =	simm.s32 $0x9;
	_ =	strace $0x8000004E  }
0xc1: {  	_ =	swait.ge [sflag:s29], $0x1  }
0xc2: {  	[sflag:s29] =	ssyncadd.s32 $0xFFFFFFFF  }
0xc3: {  	_ =	strace $0x9000004E  }
0xc4: {  	_ =	sfence  }
0xc5: {  	s30 =	sld [smem:$0x0];
	_ =	sdelay $0x2  }
0xc6: {  	s31 =	sshll.u32 s1, $0xD;
	s1 =	sshrl.u32 s1, $0x2  }
0xc7: {  	s4 =	sand.u32 $0x4000, s31;
	s1 =	sadd.s32 s1, s30  }
0xc8: {  	s0 =	sor.u32 s4, s0;
	s1 =	sshll.u32 s1, $0x11  }
0xc9: {  	s0 =	sor.u32 s1, s0  }
0xca: {  	s0 =	sadd.s32 $0x8F2B, s0  }
0xcb: {  	[sflag:s0] =	ssyncadd.remote.s32 $0x1  }
0xcc: {  	_ =	sfence.sel $0xFFFF  }
0xcd: {  	[dreg:$0x0] =	wrdreg $0xFFFFFFFF;
	(pc) =	sbr.abs _section_cstart, $3  }
0xce: {  	[dreg:$0x1] =	wrdreg $0xFFFFFFFF  }
0xcf: {  	_ =	task.clear_ibuf [dreg:s22], $0x2FFFF;
	_ =	strace $0x9FFFFFFF  }
0xd0: {  	(tm) =	ssettm $0x7FFFFFFF  }
0xd1: {  	_ =	shalt  }
tec
execute0_lowered:
.L_overlay_start_1:
0x0: {  	(tag) =	ssettag $0x1  }
0x1: {  	s0 =	srdreg.scid;
	s5 =	rddreg [dreg:$0x0]  }
0x2: {  	s1 =	stileid.u32;
	s6 =	simm.s32 $0x1;
	s9 =	simm.s32 $0x1  }
0x3: {  	s10 =	simm.s32 $0x3;
	s13 =	simm.s32 $0x0;
	s2 =	sshll.u32 s0, $0x9  }
0x4: {  	s12 =	simm.s32 $0x0;
	s3 =	sshll.u32 s1, $0xA;
	s2 =	sand.u32 $0x200, s2  }
0x5: {  	s0 =	rddreg [dreg:$0x1];
	_ =	strace $0x8000004D;
	s2 =	sor.u32 s3, s2  }
0x6: {  	s4 =	sadd.s32 $0x1600, s5;
	[sflag:s6] =	ssyncpa.u1 $0x0;
	s8 =	ssub.s32 $0x4800, s2  }
.Ltmp0:
0x7: {  	s3 =	sadd.s32 $0x2A00, s5;
	s7 =	sand.u32 $0x3E00, s8;
	(pc) =	sbr.rel .LBB2_1-.Ltmp0, $4  }
0x8: {  	s5 =	sadd.s32 $0x5C00, s5;
	s11 =	smov.u32 s2;
	p0 =	sne.s32 s7, $0x0  }
0x9: {  	s8 =	sshrl.u32 s8, $0xE;
	s7 =	simm.s32 $0x2;
	s9 =	simm.s32 @!p0 $0x0  }
0xa: {  	[sflag:s7] =	ssyncpa.u1 $0x0;
	p0 =	por $0x0, $0x0;
	s8 =	sadd.s32 s9, s8  }
0xb: {  	vm0 =	vmmov $0xffff;
	[sflag:s10] =	ssyncpa.u1 $0x0;
	s10 =	simm.s32 $0x0;
	s9 =	sadd.s32 $0x1, s8  }
.LBB2_4:
0xc: {  	vm1 =	veq.s32 v4, $0x80000000;
	v56 =	vand.u32 $0x1, v4;
	v6 =	vand.u32 $0x3FFF, v6  }
0xd: {  	v2 =	vor.u32 v2, v5;
	v59 =	vshrl.u32 v1, $0x1;
	v60 =	vand.u32 $0x1, v1  }
0xe: {  	v4 =	vsel vm1, $0xFFFFFFFF, v56;
	v6 =	vsel vm1, $0xFFFFFFFF, v6;
	v2 =	vor.u32 v3, v2  }
0xf: {  	vm1 =	veq.s32 v1, $0x80000000;
	v5 =	vand.u32 $0x3FFF, v59;
	v7 =	vshrl.u32 v4, $0x1  }
0x10: {  	v57 =	vshll.u32 v6, $0x1;
	v4 =	vshll.u32 v4, $0x7;
	v1 =	vsel vm1, $0xFFFFFFFF, v60  }
0x11: {  	v5 =	vsel vm1, $0xFFFFFFFF, v5;
	v6 =	vand.u32 $0x7F, v6;
	v7 =	vmul.u32 $0x4800, v7  }
0x12: {  	v58 =	vand.u32 $0xFFFFFF00, v57;
	v4 =	vand.u32 $0x80, v4;
	v61 =	vshrl.u32 v1, $0x1  }
0x13: {  	v62 =	vshll.u32 v5, $0x1;
	v3 =	vadd.s32 v7, v58;
	v7 =	vmul.u32 $0x4800, v61  }
0x14: {  	v1 =	vshll.u32 v1, $0x7;
	v3 =	vor.u32 v4, v3;
	v4 =	vand.u32 $0xFFFFFF00, v62  }
0x15: {  	v1 =	vand.u32 $0x80, v1;
	v3 =	vor.u32 v6, v3;
	v4 =	vadd.s32 v7, v4  }
0x16: {  	[tilespmem:s16], [sflag:$0x1] =	stream.indirect_vreg.gather [hbm4b:s3+s10], $0x1, v0, vm0, $0x4038;
	v63 =	vand.u32 $0x7F, v5;
	v1 =	vor.u32 v1, v4;
	[tilespmem:$0x800] =	vst v63  }
0x17: {  	s15 =	sadd.s32 $0x10, s15;
	(ifvalue) =	ssetifvalue $0x7FFFFFFF;
	v0 =	vor.u32 v63, v1  }
0x18: {  	[tilespmem:s15], [sflag:$0x1] =	stream.indirect_vreg.gather [hbm4b:s3+s10], $0x1, v2, vm0, $0x4038;
	[tilespmem:$0x800] =	vst v63  }
0x19: {  	s15 =	sadd.s32 $0x10, s15;
	(ifvalue) =	ssetifvalue $0x7FFFFFFF  }
0x1a: {  	[tilespmem:s15], [sflag:$0x1] =	stream.indirect_vreg.gather [hbm4b:s3+s10], $0x1, v3, vm0, $0x4038;
	[tilespmem:$0x800] =	vst v63  }
0x1b: {  	s15 =	sadd.s32 $0x10, s15;
	(ifvalue) =	ssetifvalue $0x7FFFFFFF  }
0x1c: {  	[tilespmem:s15], [sflag:$0x1] =	stream.indirect_vreg.gather [hbm4b:s3+s10], $0x1, v0, vm0, $0x4038;
	[tilespmem:$0x800] =	vst v63  }
0x1d: {  	_ =	swait.ge [sflag:s6], $0x200  }
0x1e: {  	s30 =	sshrl.u32 s13, $0x3;
	[sflag:s6] =	ssyncset.done $0x0  }
0x1f: {  	s31 =	sand.u32 $0x7, s13;
	s15 =	sadd.s32 s5, s30;
	[sflag:s6] =	ssyncadd.s32 $0xFFFFFE00  }
0x20: {  	[hbm4b:s15+s31] =	stream.linear.scatter [tilespmem:s14], [sflag:$0x3], $0x200, $0x38;
	[tilespmem:$0x800] =	vst v63  }
.LBB2_5:
0x21: {  	s15 =	sadd.s32 $0x4000, s11  }
0x22: {  	p2 =	sgt.s32 s15, $0x47FF  }
0x23: {  	s15 =	smov.u32 @p2 s2;
	p2 =	sne.s32 s12, s9  }
.Ltmp1:
0x24: {  	p1 =	slt.u32 s12, $0x2;
	(pc) =	sbr.rel @!p2 .LBB2_6-.Ltmp1, $4  }
0x25: {  	s14 =	simm.s32 @!p1 $0x3  }
0x26: {  	s16 =	sadd.s32 $0x1, s12;
	_ =	swait.ge @!p1 [sflag:s14], $0x200  }
0x27: {  	s13 =	smov.u32 s11;
	p0 =	por !p0, !p0;
	[sflag:s14] =	ssyncset.done @!p1 $0x0  }
0x28: {  	s12 =	smov.u32 s16;
	s11 =	smov.u32 s15;
	[sflag:s14] =	ssyncadd.s32 @!p1 $0xFFFFFE00  }
.LBB2_1:
0x29: {  	p1 =	sge.u32 s12, s8  }
0x2a: {  	s14 =	sxor.u32 @!p1 $0xFFFFFFFF, s12  }
0x2b: {  	s31 =	sadd.s32 $0xFFFFFFFF, s12;
	s15 =	sshrl.u32 @!p1 s11, $0x3;
	s14 =	sshll.u32 @!p1 s14, $0x9  }
0x2c: {  	s16 =	sand.u32 @!p1 $0x7, s11;
	s15 =	sadd.s32 @!p1 s4, s15;
	s14 =	sand.u32 @!p1 $0x200, s14  }
0x2d: {  	[tilespmem:s14], [sflag:$0x2] =	stream.linear.gather @!p1 [hbm4b:s15+s16], $0x200, $0x38;
	[tilespmem:$0x800] =	vst v63  }
0x2e: {  	p1 =	sge.u32 s31, s8  }
.Ltmp2:
0x2f: {  	_ = 	snop;
	(pc) =	sbr.rel @p1 .LBB2_5-.Ltmp2, $1  }
0x30: {  	_ =	sdelay $0x3  }
0x31: {  	s14 =	simm.s32 $0x1  }
0x32: {  	_ =	swait.ge [sflag:s7], $0x200;
	s14 =	simm.s32 @!p0 $0x0  }
0x33: {  	[sflag:s7] =	ssyncset.done $0x0;
	s14 =	sshll.u32 s14, $0x9  }
0x34: {  	[sflag:s7] =	ssyncadd.s32 $0xFFFFFE00;
	(ifvalue) =	ssetifvalue $0x7FFFFFFF;
	v0 =	vld.msk [tilespmem:s14+$0x0 ss:$0x1], $0xffff  }
0x35: {  	s15 =	sadd.s32 $0x10, s14  }
0x36: {  	v1 =	vld.msk [tilespmem:s15+$0x0 ss:$0x1], $0xffff;
	_ =	sdelay $0x2  }
0x37: {  	v2 =	vshrl.u32 v0, $0x1  }
0x38: {  	vm1 =	veq.s32 v0, $0x80000000;
	v0 =	vand.u32 $0x1, v0;
	v2 =	vand.u32 $0x3FFF, v2  }
0x39: {  	v0 =	vsel vm1, $0xFFFFFFFF, v0;
	v6 =	vshrl.u32 v1, $0x1;
	v2 =	vsel vm1, $0xFFFFFFFF, v2  }
0x3a: {  	v3 =	vshrl.u32 v0, $0x1;
	v0 =	vshll.u32 v0, $0x7;
	vm1 =	veq.s32 v1, $0x80000000  }
0x3b: {  	s15 =	sadd.s32 $0x10, s15;
	v1 =	vand.u32 $0x1, v1;
	v4 =	vshll.u32 v2, $0x1;
	v3 =	vmul.u32 $0x4800, v3  }
0x3c: {  	v0 =	vand.u32 $0x80, v0;
	v7 =	vand.u32 $0x7F, v2;
	v5 =	vand.u32 $0xFFFFFF00, v4;
	v4 =	vld.msk [tilespmem:s15+$0x0 ss:$0x1], $0xffff  }
0x3d: {  	v1 =	vsel vm1, $0xFFFFFFFF, v1;
	v2 =	vadd.s32 v3, v5;
	v3 =	vand.u32 $0x3FFF, v6  }
0x3e: {  	v3 =	vsel vm1, $0xFFFFFFFF, v3;
	v0 =	vor.u32 v0, v2;
	v2 =	vshrl.u32 v1, $0x1  }
0x3f: {  	s16 =	sshll.u32 s12, $0x9;
	s18 =	simm.s32 $0x30;
	v1 =	vshll.u32 v1, $0x7;
	v5 =	vshll.u32 v3, $0x1;
	v8 =	vmul.u32 $0x4800, v2  }
0x40: {  	s31 =	sand.u32 $0x200, s16;
	s17 =	sadd.s32 $0x10, s15;
	s15 =	sor.u32 $0x400, s14;
	v2 =	vand.u32 $0x80, v1;
	v0 =	vor.u32 v7, v0;
	v5 =	vand.u32 $0xFFFFFF00, v5  }
0x41: {  	s14 =	sor.u32 $0x400, s31;
	s16 =	smov.u32 s15;
	v1 =	vld.msk [tilespmem:s17+$0x0 ss:$0x1], $0xffff;
	v3 =	vand.u32 $0x7F, v3;
	(ifvalue) =	ssetifvalue $0x7FFFFFFF;
	v6 =	vshrl.u32 v4, $0x1;
	v5 =	vadd.s32 v8, v5  }
.LBB2_3:
0x42: {  	s18 =	sadd.s32 $0x10, s18  }
0x43: {  	vm1 =	veq.s32 v4, $0x80000000;
	v4 =	vand.u32 $0x1, v4;
	v6 =	vand.u32 $0x3FFF, v6;
	s15 =	sadd.s32 $0x10, s15;
	p1 =	slt.u32 s18, $0x1F0  }
.Ltmp3:
0x44: {  	v5 =	vor.u32 v2, v5;
	v4 =	vsel vm1, $0xFFFFFFFF, v4;
	v7 =	vsel vm1, $0xFFFFFFFF, v6;
	(pc) =	sbr.rel @p1 .LBB2_3-.Ltmp3, $4  }
0x45: {  	v2 =	vshrl.u32 v4, $0x1;
	v6 =	vshll.u32 v7, $0x1;
	v4 =	vshll.u32 v4, $0x7;
	[tilespmem:s16], [sflag:$0x1] =	stream.indirect_vreg.gather [hbm4b:s3+s10], $0x1, v0, vm0, $0x4038;
	[tilespmem:$0x800] =	vst v63  }
0x46: {  	v0 =	vor.u32 v3, v5;
	s16 =	smov.u32 s15;
	v8 =	vmul.u32 $0x4800, v2;
	v2 =	vand.u32 $0x80, v4  }
0x47: {  	s17 =	sadd.s32 $0x10, s17;
	v9 =	vand.u32 $0xFFFFFF00, v6  }
0x48: {  	v3 =	vand.u32 $0x7F, v7;
	v6 =	vshrl.u32 v1, $0x1;
	v5 =	vadd.s32 v8, v9;
	(ifvalue) =	ssetifvalue $0x7FFFFFFF;
	v4 =	vmovc v1;
	v1 =	vld.msk [tilespmem:s17+$0x0 ss:$0x1], $0xffff  }
.Ltmp4:
0x49: {  	_ = 	snop;
	(pc) =	sbr.rel .LBB2_4-.Ltmp4, $1  }
0x4a: {  	_ =	sdelay $0x3  }
.LBB2_6:
0x4b: {  	_ =	sfence.sel $0x180000  }
0x4c: {  	s2 =	simm.s32 $0x2;
	[bflag:$0x0] =	sbarrier.arrive $0xFFFF  }
0x4d: {  	s30 =	simm.s32 $0x3;
	[sflag:s2] =	ssyncpa.u1 $0x1  }
0x4e: {  	s31 =	simm.s32 $0x1;
	[sflag:s30] =	ssyncpa.u1 $0x1  }
0x4f: {  	[sflag:s31] =	ssyncpa.u1 $0x1  }
0x50: {  	p0 =	sne.s32 s1, $0x0;
	_ =	strace $0x9000004D  }
0x51: {  	s0 =	sadd.s32 @!p0 $0x100000, s0;
	[bflag:$0x2] =	sbarrier.arrive $0xFFFF  }
0x52: {  	[sflag:s0] =	ssyncadd.tile.s32 @!p0 $0x1;
	_ =	shalt  }
.Lfunc_end2:
_tile_overlayer_lowered:
.L_overlay_start_2:
0x53: {  	(tag) =	ssettag $0x2  }
0x54: {  	s0 =	rddreg [dreg:$0x0];
	s2 =	stileid.u32  }
0x55: {  	s1 =	rddreg [dreg:$0x1];
	p0 =	sne.s32 s2, $0x0  }
0x56: {  	s3 =	rddreg [dreg:$0x2];
	[bflag:$0x3] =	sbarrier.arrive $0xFFFF;
	s2 =	simm.s32 @!p0 $0x1C01  }
0x57: {  	[timem:s3], [sflag:s2] =	dma.local @!p0 [hbm:s0], s1  }
0x58: {  	s0 =	simm.s32 @!p0 $0x1  }
0x59: {  	_ =	swait.ge @!p0 [sflag:s0], s1  }
0x5a: {  	s1 =	ssub.s32 @!p0 $0x0, s1;
	[sflag:s0] =	ssyncset.done @!p0 $0x0  }
0x5b: {  	[sflag:s0] =	ssyncadd.s32 @!p0 s1  }
0x5c: {  	[bflag:$0x3] =	sbarrier.arrive $0xFFFF  }
0x5d: {  	_ =	shalt  }

// kernel: gather_offload_async_start.2
scs
__scs_entry_jumppad:
0x0: {  	(pc) =	sbr.rel $0x88, $3  }
0x1: {  	(tag) =	ssettag $0x0;
	lr =	simm.s32 $0x1  }
0x2: {  	[smem:$0x3F98] =	sst lr;
	_ =	strace $0xD0000000  }
0x3: {  	_ = 	snop  }
0x4: {  	_ = 	snop  }
0x5: {  	_ = 	snop  }
0x6: {  	_ = 	snop  }
0x7: {  	_ = 	snop  }
__scs_overlays_trampoline_lowered:
0x8: {  	[smem:$0x3FA7] =	sst s0  }
0x9: {  	[smem:$0x3FA8] =	sst s1  }
0xa: {  	[smem:$0x3FA9] =	sst s2  }
0xb: {  	[smem:$0x3FAA] =	sst s3  }
0xc: {  	[smem:$0x3FAB] =	sst s4  }
0xd: {  	[smem:$0x3FAC] =	sst s5  }
0xe: {  	[smem:$0x3FAD] =	sst s6  }
0xf: {  	[smem:$0x3FAE] =	sst s7  }
0x10: {  	[smem:$0x3FAF] =	sst s8  }
0x11: {  	[smem:$0x3FB0] =	sst s9;
	s0 =	simm.s32 @!p0 $0x0  }
0x12: {  	s1 =	sld [smem:$0x3F96];
	s0 =	simm.s32 @p0 $0x1  }
0x13: {  	[smem:$0x3FB1] =	sst s0;
	s0 =	simm.s32 @!p1 $0x0  }
0x14: {  	s2 =	sld [smem:$0x3F95];
	s0 =	simm.s32 @p1 $0x1  }
0x15: {  	[smem:$0x3FB2] =	sst s0;
	s0 =	simm.s32 @!p2 $0x0  }
0x16: {  	s3 =	sld [smem:$0x3FDB];
	s0 =	simm.s32 @p2 $0x1  }
0x17: {  	s4 =	simm.s32 $0x1BF5;
	[smem:$0x3FB4] =	sst s0  }
0x18: {  	s0 =	sld [smem:$0x3F97];
	_ =	swait.ge [sflag:s4], $0x0  }
0x19: {  	s7 =	sld [smem:$0x3F98]  }
0x1a: {  	s8 =	sadd.s32 $0xFFFFE003, lr  }
0x1b: {  	s9 =	sadd.s32 $0xFFFFFEF7, lr;
	s5 =	simm.s32 $0xFFFFFFFF;
	p2 =	slt.u32 s8, $0xFFFFF086  }
0x1c: {  	p1 =	slt.u32 s9, $0xF7A;
	s5 =	simm.s32 @!p2 $0x0  }
0x1d: {  	s5 =	simm.s32 @p1 $0x1;
	p0 =	seq.s32 s7, s2  }
0x1e: {  	s7 =	smul.u32 @!p0 $0xF7A, s2;
	p2 =	seq.s32 @!p0 s5, $0x0  }
0x1f: {  	s9 =	smul.u32 $0xF7A, s1;
	s8 =	simm.s32 @!p0 $0x1BF5;
	p2 =	por !p2, p0  }
0x20: {  	[sflag:s8] =	ssyncset.s32 @!p0 $0xFFFFF086;
	s6 =	sadd.s32 @!p0 s3, s7;
	s7 =	simm.s32 @!p0 $0x108  }
0x21: {  	s3 =	sadd.s32 s3, s9;
	s6 =	sadd.s32 @!p0 $0x88, s6;
	s7 =	simm.s32 @p2 $0x1082  }
0x22: {  	[simem:s7], [sflag:s8] =	dma.local @!p0 [hbm:s6], $0xF7A  }
0x23: {  	s9 =	sor.u32 $0xD0000000, s2;
	s6 =	simm.s32 $0x108;
	_ =	swait.ge @!p0 [sflag:s8], $0x0  }
0x24: {  	s3 =	sadd.s32 $0x88, s3;
	s6 =	simm.s32 @!p1 $0x1082;
	[sflag:s4] =	ssyncset.s32 $0xFFFFF086  }
0x25: {  	[simem:s6], [sflag:s4] =	dma.local [hbm:s3], $0xF7A  }
0x26: {  	[smem:$0x3F98] =	sst s1;
	(tag) =	ssettag s2;
	_ =	strace s9  }
0x27: {  	s1 =	sld [smem:$0x3FA8]  }
0x28: {  	s2 =	sld [smem:$0x3FA9]  }
0x29: {  	s4 =	sld [smem:$0x3FAB]  }
0x2a: {  	p0 =	seq.s32 s5, $0x0;
	s5 =	sld [smem:$0x3FAC]  }
0x2b: {  	s6 =	sld [smem:$0x3FAD]  }
0x2c: {  	s7 =	sld [smem:$0x3FAE]  }
0x2d: {  	s3 =	simm.s32 $0x108;
	s8 =	sld [smem:$0x3FAF]  }
0x2e: {  	s3 =	simm.s32 @!p0 $0x1082;
	s9 =	sld [smem:$0x3FB0]  }
0x2f: {  	lr =	sadd.s32 s0, s3;
	s0 =	sld [smem:$0x3FA7]  }
0x30: {  	s3 =	sld [smem:$0x3FAA]  }
0x31: {  	[smem:$0x3FB3] =	sst s10  }
0x32: {  	s10 =	sld [smem:$0x3FB1];
	_ =	sdelay $0x3  }
0x33: {  	p0 =	seq.s32 s10, $0x1;
	s10 =	sld [smem:$0x3FB3];
	_ =	sdelay $0x3  }
0x34: {  	[smem:$0x3FB3] =	sst s10  }
0x35: {  	s10 =	sld [smem:$0x3FB2];
	_ =	sdelay $0x3  }
0x36: {  	p1 =	seq.s32 s10, $0x1;
	s10 =	sld [smem:$0x3FB3];
	_ =	sdelay $0x3  }
0x37: {  	[smem:$0x3FB3] =	sst s10  }
0x38: {  	s10 =	sld [smem:$0x3FB4]  }
0x39: {  	_ = 	snop;
	(pc) =	sbr.ind lr, $3  }
0x3a: {  	_ = 	snop  }
0x3b: {  	_ = 	snop  }
0x3c: {  	p2 =	seq.s32 s10, $0x1;
	s10 =	sld [smem:$0x3FB3]  }
0x3d: {  	_ =	shalt  }
0x3e: {  	_ =	shalt  }
0x3f: {  	_ =	shalt  }
0x40: {  	_ =	shalt  }
0x41: {  	_ =	shalt  }
0x42: {  	_ =	shalt  }
0x43: {  	_ =	shalt  }
0x44: {  	_ =	shalt  }
0x45: {  	_ =	shalt  }
0x46: {  	_ =	shalt  }
0x47: {  	_ =	shalt  }
0x48: {  	_ =	shalt  }
0x49: {  	_ =	shalt  }
0x4a: {  	_ =	shalt  }
0x4b: {  	_ =	shalt  }
0x4c: {  	_ =	shalt  }
0x4d: {  	_ =	shalt  }
0x4e: {  	_ =	shalt  }
0x4f: {  	_ =	shalt  }
0x50: {  	_ =	shalt  }
0x51: {  	_ =	shalt  }
0x52: {  	_ =	shalt  }
0x53: {  	_ =	shalt  }
0x54: {  	_ =	shalt  }
0x55: {  	_ =	shalt  }
0x56: {  	_ =	shalt  }
0x57: {  	_ =	shalt  }
0x58: {  	_ =	shalt  }
0x59: {  	_ =	shalt  }
0x5a: {  	_ =	shalt  }
0x5b: {  	_ =	shalt  }
0x5c: {  	_ =	shalt  }
0x5d: {  	_ =	shalt  }
0x5e: {  	_ =	shalt  }
0x5f: {  	_ =	shalt  }
0x60: {  	_ =	shalt  }
0x61: {  	_ =	shalt  }
0x62: {  	_ =	shalt  }
0x63: {  	_ =	shalt  }
0x64: {  	_ =	shalt  }
0x65: {  	_ =	shalt  }
0x66: {  	_ =	shalt  }
0x67: {  	_ =	shalt  }
0x68: {  	_ =	shalt  }
0x69: {  	_ =	shalt  }
0x6a: {  	_ =	shalt  }
0x6b: {  	_ =	shalt  }
0x6c: {  	_ =	shalt  }
0x6d: {  	_ =	shalt  }
0x6e: {  	_ =	shalt  }
0x6f: {  	_ =	shalt  }
0x70: {  	_ =	shalt  }
0x71: {  	_ =	shalt  }
0x72: {  	_ =	shalt  }
0x73: {  	_ =	shalt  }
0x74: {  	_ =	shalt  }
0x75: {  	_ =	shalt  }
0x76: {  	_ =	shalt  }
0x77: {  	_ =	shalt  }
0x78: {  	_ =	shalt  }
0x79: {  	_ =	shalt  }
0x7a: {  	_ =	shalt  }
0x7b: {  	_ =	shalt  }
0x7c: {  	_ =	shalt  }
0x7d: {  	_ =	shalt  }
0x7e: {  	_ =	shalt  }
0x7f: {  	_ =	shalt  }
0x80: {  	_ =	shalt  }
0x81: {  	_ =	shalt  }
0x82: {  	_ =	shalt  }
0x83: {  	_ =	shalt  }
0x84: {  	_ =	shalt  }
0x85: {  	_ =	shalt  }
0x86: {  	_ =	shalt  }
0x87: {  	_ =	shalt  }
.Lfunc_end0:
.L_simem_size_0:
called_computation.2_lowered:
.L_overlay_start_0:
0x88: {  	s2 =	sld [smem:$0x3FD9]  }
0x89: {  	s3 =	sld [smem:$0x3FFE];
	_ =	sdelay $0x1  }
0x8a: {  	s1 =	srdreg.scid  }
0x8b: {  	s0 =	sand.u32 $0x1, s1  }
0x8c: {  	s17 =	sshll.u32 s0, $0xA;
	s2 =	sadd.s32 s3, s2  }
0x8d: {  	s2 =	sadd.s32 s2, s17  }
0x8e: {  	[smem:$0x3FBF] =	sst s2  }
0x8f: {  	_ = 	snop  }
0x90: {  	(tm) =	ssettm $0x1  }
0x91: {  	s18 =	sld [smem:$0x3FFB];
	_ =	sdelay $0x3  }
0x92: {  	_ =	strace s18  }
0x93: {  	s2 =	sld [smem:$0x3FFC];
	_ =	sdelay $0x3  }
0x94: {  	_ =	strace s2  }
0x95: {  	s2 =	sld [smem:$0x3FFD];
	_ =	sdelay $0x3  }
0x96: {  	_ =	strace s2  }
0x97: {  	_ =	strace $0x8FFFFFFF  }
0x98: {  	s19 =	sld [smem:$0x3FDB];
	_ =	sdelay $0x1  }
0x99: {  	s20 =	simm.s32 $_scs_section_size  }
0x9a: {  	s4 =	simm.s32 $_size__tile_overlayer_lowered;
	s5 =	simm.s32 $_tile_overlayer_lowered  }
0x9b: {  	s6 =	simm.s32 $0x1BFF;
	s21 =	sshll.u32 s5, $0x1;
	s3 =	sadd.s32 s20, s19  }
0x9c: {  	s22 =	simm.s32 $0x0;
	s4 =	sshll.u32 s4, $0x1;
	s5 =	sadd.s32 s21, s3  }
0x9d: {  	[timem:s22], [sflag:s6] =	dma.local [hbm:s5], s4  }
0x9e: {  	_ =	swait.ge [sflag:s6], s4  }
0x9f: {  	s4 =	ssub.s32 $0x0, s4;
	[sflag:s6] =	ssyncset.done $0x0  }
0xa0: {  	[sflag:s6] =	ssyncadd.s32 s4;
	_ =	sdelay $0x1  }
0xa1: {  	s23 =	simm.s32 $0x1B8B  }
0xa2: {  	_ =	swait.ge [sflag:s23], $0x1  }
0xa3: {  	[sflag:s23] =	ssyncset.done $0x0  }
0xa4: {  	[sflag:s23] =	ssyncadd.s32 $0xFFFFFFFF  }
0xa5: {  	s4 =	sld [smem:$0x0]  }
0xa6: {  	s5 =	sand.u32 $0xFFFFFFFE, s1  }
0xa7: {  	p0 =	sne.s32 s1, s5  }
0xa8: {  	s5 =	sshll.u32 @p0 s5, $0xE  }
0xa9: {  	s5 =	sadd.s32 @p0 $0x11B8D, s5;
	s6 =	sshll.u32 @p0 s4, $0x11  }
0xaa: {  	s5 =	sor.u32 @p0 s6, s5  }
0xab: {  	[sflag:s5] =	ssyncadd.remote.s32 @p0 $0x1;
	_ =	sdelay $0x1  }
0xac: {  	s5 =	simm.s32 @p0 $0x1B8D  }
0xad: {  	_ =	swait.eq @p0 [sflag:s5], $0x1  }
0xae: {  	[sflag:s5] =	ssyncadd.s32 @p0 $0xFFFFFFFF  }
0xaf: {  	s6 =	sshll.u32 @!p0 s1, $0xE  }
0xb0: {  	s6 =	sor.u32 @!p0 $0x4000, s6;
	s5 =	simm.s32 @!p0 $0x1B8D  }
0xb1: {  	s4 =	sshll.u32 @!p0 s4, $0x11;
	s6 =	sadd.s32 @!p0 $0x11B8D, s6;
	_ =	swait.eq @!p0 [sflag:s5], $0x1  }
0xb2: {  	s4 =	sor.u32 @!p0 s4, s6;
	[sflag:s5] =	ssyncadd.s32 @!p0 $0xFFFFFFFF  }
0xb3: {  	s25 =	simm.s32 $0x1B8E;
	s24 =	sld [smem:$0x3FFE];
	[sflag:s4] =	ssyncadd.remote.s32 @!p0 $0x1  }
0xb4: {  	s26 =	simm.s32 $execute0_lowered;
	[smem:$0x3FD2] =	sst s25  }
0xb5: {  	s5 =	sshll.u32 s26, $0x1;
	_ =	strace $0x8000004F;
	[dreg:$0x1] =	wrdreg $0xFFFFFFFF  }
0xb6: {  	s28 =	simm.s32 $_size_execute0_lowered;
	s3 =	sadd.s32 s3, s5;
	[dreg:$0x0] =	wrdreg $0x0  }
0xb7: {  	s5 =	sshll.u32 s28, $0x1;
	[dreg:$0x2] =	wrdreg s3  }
0xb8: {  	[dreg:$0x3] =	wrdreg s5  }
0xb9: {  	[dreg:$0x4] =	wrdreg $0xC0  }
0xba: {  	_ =	task [dreg:s22], $0x5FFFF  }
0xbb: {  	[dreg:$0x1] =	wrdreg $0xFFFFFFFF  }
0xbc: {  	[dreg:$0x0] =	wrdreg $0x60  }
0xbd: {  	[dreg:$0x2] =	wrdreg s24  }
0xbe: {  	[dreg:$0x3] =	wrdreg $0xA  }
0xbf: {  	_ =	task.clear_ibuf [dreg:s22], $0x4FFFF;
	_ =	strace $0x9000004F  }
0xc0: {  	s29 =	simm.s32 $0xA;
	_ =	strace $0x80000051  }
0xc1: {  	_ =	swait.ge [sflag:s29], $0x1  }
0xc2: {  	[sflag:s29] =	ssyncadd.s32 $0xFFFFFFFF  }
0xc3: {  	_ =	strace $0x90000051  }
0xc4: {  	_ =	sfence  }
0xc5: {  	s30 =	sld [smem:$0x0];
	_ =	sdelay $0x2  }
0xc6: {  	s31 =	sshll.u32 s1, $0xD;
	s1 =	sshrl.u32 s1, $0x2  }
0xc7: {  	s4 =	sand.u32 $0x4000, s31;
	s1 =	sadd.s32 s1, s30  }
0xc8: {  	s0 =	sor.u32 s4, s0;
	s1 =	sshll.u32 s1, $0x11  }
0xc9: {  	s0 =	sor.u32 s1, s0  }
0xca: {  	s0 =	sadd.s32 $0x8F2B, s0  }
0xcb: {  	[sflag:s0] =	ssyncadd.remote.s32 $0x1  }
0xcc: {  	_ =	sfence.sel $0xFFFF  }
0xcd: {  	[dreg:$0x0] =	wrdreg $0xFFFFFFFF;
	(pc) =	sbr.abs _section_cstart, $3  }
0xce: {  	[dreg:$0x1] =	wrdreg $0xFFFFFFFF  }
0xcf: {  	_ =	task.clear_ibuf [dreg:s22], $0x2FFFF;
	_ =	strace $0x9FFFFFFF  }
0xd0: {  	(tm) =	ssettm $0x7FFFFFFF  }
0xd1: {  	_ =	shalt  }
tec
execute0_lowered:
.L_overlay_start_1:
0x0: {  	(tag) =	ssettag $0x1  }
0x1: {  	s0 =	srdreg.scid;
	s5 =	rddreg [dreg:$0x0]  }
0x2: {  	s1 =	stileid.u32;
	s6 =	simm.s32 $0x1;
	s9 =	simm.s32 $0x1  }
0x3: {  	s10 =	simm.s32 $0x3;
	s13 =	simm.s32 $0x0;
	s2 =	sshll.u32 s0, $0x9  }
0x4: {  	s12 =	simm.s32 $0x0;
	s3 =	sshll.u32 s1, $0xA;
	s2 =	sand.u32 $0x200, s2  }
0x5: {  	s0 =	rddreg [dreg:$0x1];
	_ =	strace $0x80000050;
	s2 =	sor.u32 s3, s2  }
0x6: {  	s4 =	sadd.s32 $0x1600, s5;
	[sflag:s6] =	ssyncpa.u1 $0x0;
	s8 =	ssub.s32 $0x4800, s2  }
.Ltmp0:
0x7: {  	s3 =	sadd.s32 $0x3400, s5;
	s7 =	sand.u32 $0x3E00, s8;
	(pc) =	sbr.rel .LBB2_1-.Ltmp0, $4  }
0x8: {  	s5 =	sadd.s32 $0x2000, s5;
	s11 =	smov.u32 s2;
	p0 =	sne.s32 s7, $0x0  }
0x9: {  	s8 =	sshrl.u32 s8, $0xE;
	s7 =	simm.s32 $0x2;
	s9 =	simm.s32 @!p0 $0x0  }
0xa: {  	[sflag:s7] =	ssyncpa.u1 $0x0;
	p0 =	por $0x0, $0x0;
	s8 =	sadd.s32 s9, s8  }
0xb: {  	vm0 =	vmmov $0xffff;
	[sflag:s10] =	ssyncpa.u1 $0x0;
	s10 =	simm.s32 $0x0;
	s9 =	sadd.s32 $0x1, s8  }
.LBB2_4:
0xc: {  	vm1 =	veq.s32 v4, $0x80000000;
	v56 =	vand.u32 $0x1, v4;
	v6 =	vand.u32 $0x3FFF, v6  }
0xd: {  	v2 =	vor.u32 v2, v5;
	v59 =	vshrl.u32 v1, $0x1;
	v60 =	vand.u32 $0x1, v1  }
0xe: {  	v4 =	vsel vm1, $0xFFFFFFFF, v56;
	v6 =	vsel vm1, $0xFFFFFFFF, v6;
	v2 =	vor.u32 v3, v2  }
0xf: {  	vm1 =	veq.s32 v1, $0x80000000;
	v5 =	vand.u32 $0x3FFF, v59;
	v7 =	vshrl.u32 v4, $0x1  }
0x10: {  	v57 =	vshll.u32 v6, $0x1;
	v4 =	vshll.u32 v4, $0x7;
	v1 =	vsel vm1, $0xFFFFFFFF, v60  }
0x11: {  	v5 =	vsel vm1, $0xFFFFFFFF, v5;
	v6 =	vand.u32 $0x7F, v6;
	v7 =	vmul.u32 $0x4800, v7  }
0x12: {  	v58 =	vand.u32 $0xFFFFFF00, v57;
	v4 =	vand.u32 $0x80, v4;
	v61 =	vshrl.u32 v1, $0x1  }
0x13: {  	v62 =	vshll.u32 v5, $0x1;
	v3 =	vadd.s32 v7, v58;
	v7 =	vmul.u32 $0x4800, v61  }
0x14: {  	v1 =	vshll.u32 v1, $0x7;
	v3 =	vor.u32 v4, v3;
	v4 =	vand.u32 $0xFFFFFF00, v62  }
0x15: {  	v1 =	vand.u32 $0x80, v1;
	v3 =	vor.u32 v6, v3;
	v4 =	vadd.s32 v7, v4  }
0x16: {  	[tilespmem:s16], [sflag:$0x1] =	stream.indirect_vreg.gather [hbm4b:s3+s10], $0x1, v0, vm0, $0x4038;
	v63 =	vand.u32 $0x7F, v5;
	v1 =	vor.u32 v1, v4;
	[tilespmem:$0x800] =	vst v63  }
0x17: {  	s15 =	sadd.s32 $0x10, s15;
	(ifvalue) =	ssetifvalue $0x7FFFFFFF;
	v0 =	vor.u32 v63, v1  }
0x18: {  	[tilespmem:s15], [sflag:$0x1] =	stream.indirect_vreg.gather [hbm4b:s3+s10], $0x1, v2, vm0, $0x4038;
	[tilespmem:$0x800] =	vst v63  }
0x19: {  	s15 =	sadd.s32 $0x10, s15;
	(ifvalue) =	ssetifvalue $0x7FFFFFFF  }
0x1a: {  	[tilespmem:s15], [sflag:$0x1] =	stream.indirect_vreg.gather [hbm4b:s3+s10], $0x1, v3, vm0, $0x4038;
	[tilespmem:$0x800] =	vst v63  }
0x1b: {  	s15 =	sadd.s32 $0x10, s15;
	(ifvalue) =	ssetifvalue $0x7FFFFFFF  }
0x1c: {  	[tilespmem:s15], [sflag:$0x1] =	stream.indirect_vreg.gather [hbm4b:s3+s10], $0x1, v0, vm0, $0x4038;
	[tilespmem:$0x800] =	vst v63  }
0x1d: {  	_ =	swait.ge [sflag:s6], $0x200  }
0x1e: {  	s30 =	sshrl.u32 s13, $0x3;
	[sflag:s6] =	ssyncset.done $0x0  }
0x1f: {  	s31 =	sand.u32 $0x7, s13;
	s15 =	sadd.s32 s5, s30;
	[sflag:s6] =	ssyncadd.s32 $0xFFFFFE00  }
0x20: {  	[hbm4b:s15+s31] =	stream.linear.scatter [tilespmem:s14], [sflag:$0x3], $0x200, $0x38;
	[tilespmem:$0x800] =	vst v63  }
.LBB2_5:
0x21: {  	s15 =	sadd.s32 $0x4000, s11  }
0x22: {  	p2 =	sgt.s32 s15, $0x47FF  }
0x23: {  	s15 =	smov.u32 @p2 s2;
	p2 =	sne.s32 s12, s9  }
.Ltmp1:
0x24: {  	p1 =	slt.u32 s12, $0x2;
	(pc) =	sbr.rel @!p2 .LBB2_6-.Ltmp1, $4  }
0x25: {  	s14 =	simm.s32 @!p1 $0x3  }
0x26: {  	s16 =	sadd.s32 $0x1, s12;
	_ =	swait.ge @!p1 [sflag:s14], $0x200  }
0x27: {  	s13 =	smov.u32 s11;
	p0 =	por !p0, !p0;
	[sflag:s14] =	ssyncset.done @!p1 $0x0  }
0x28: {  	s12 =	smov.u32 s16;
	s11 =	smov.u32 s15;
	[sflag:s14] =	ssyncadd.s32 @!p1 $0xFFFFFE00  }
.LBB2_1:
0x29: {  	p1 =	sge.u32 s12, s8  }
0x2a: {  	s14 =	sxor.u32 @!p1 $0xFFFFFFFF, s12  }
0x2b: {  	s31 =	sadd.s32 $0xFFFFFFFF, s12;
	s15 =	sshrl.u32 @!p1 s11, $0x3;
	s14 =	sshll.u32 @!p1 s14, $0x9  }
0x2c: {  	s16 =	sand.u32 @!p1 $0x7, s11;
	s15 =	sadd.s32 @!p1 s4, s15;
	s14 =	sand.u32 @!p1 $0x200, s14  }
0x2d: {  	[tilespmem:s14], [sflag:$0x2] =	stream.linear.gather @!p1 [hbm4b:s15+s16], $0x200, $0x38;
	[tilespmem:$0x800] =	vst v63  }
0x2e: {  	p1 =	sge.u32 s31, s8  }
.Ltmp2:
0x2f: {  	_ = 	snop;
	(pc) =	sbr.rel @p1 .LBB2_5-.Ltmp2, $1  }
0x30: {  	_ =	sdelay $0x3  }
0x31: {  	s14 =	simm.s32 $0x1  }
0x32: {  	_ =	swait.ge [sflag:s7], $0x200;
	s14 =	simm.s32 @!p0 $0x0  }
0x33: {  	[sflag:s7] =	ssyncset.done $0x0;
	s14 =	sshll.u32 s14, $0x9  }
0x34: {  	[sflag:s7] =	ssyncadd.s32 $0xFFFFFE00;
	(ifvalue) =	ssetifvalue $0x7FFFFFFF;
	v0 =	vld.msk [tilespmem:s14+$0x0 ss:$0x1], $0xffff  }
0x35: {  	s15 =	sadd.s32 $0x10, s14  }
0x36: {  	v1 =	vld.msk [tilespmem:s15+$0x0 ss:$0x1], $0xffff;
	_ =	sdelay $0x2  }
0x37: {  	v2 =	vshrl.u32 v0, $0x1  }
0x38: {  	vm1 =	veq.s32 v0, $0x80000000;
	v0 =	vand.u32 $0x1, v0;
	v2 =	vand.u32 $0x3FFF, v2  }
0x39: {  	v0 =	vsel vm1, $0xFFFFFFFF, v0;
	v6 =	vshrl.u32 v1, $0x1;
	v2 =	vsel vm1, $0xFFFFFFFF, v2  }
0x3a: {  	v3 =	vshrl.u32 v0, $0x1;
	v0 =	vshll.u32 v0, $0x7;
	vm1 =	veq.s32 v1, $0x80000000  }
0x3b: {  	s15 =	sadd.s32 $0x10, s15;
	v1 =	vand.u32 $0x1, v1;
	v4 =	vshll.u32 v2, $0x1;
	v3 =	vmul.u32 $0x4800, v3  }
0x3c: {  	v0 =	vand.u32 $0x80, v0;
	v7 =	vand.u32 $0x7F, v2;
	v5 =	vand.u32 $0xFFFFFF00, v4;
	v4 =	vld.msk [tilespmem:s15+$0x0 ss:$0x1], $0xffff  }
0x3d: {  	v1 =	vsel vm1, $0xFFFFFFFF, v1;
	v2 =	vadd.s32 v3, v5;
	v3 =	vand.u32 $0x3FFF, v6  }
0x3e: {  	v3 =	vsel vm1, $0xFFFFFFFF, v3;
	v0 =	vor.u32 v0, v2;
	v2 =	vshrl.u32 v1, $0x1  }
0x3f: {  	s16 =	sshll.u32 s12, $0x9;
	s18 =	simm.s32 $0x30;
	v1 =	vshll.u32 v1, $0x7;
	v5 =	vshll.u32 v3, $0x1;
	v8 =	vmul.u32 $0x4800, v2  }
0x40: {  	s31 =	sand.u32 $0x200, s16;
	s17 =	sadd.s32 $0x10, s15;
	s15 =	sor.u32 $0x400, s14;
	v2 =	vand.u32 $0x80, v1;
	v0 =	vor.u32 v7, v0;
	v5 =	vand.u32 $0xFFFFFF00, v5  }
0x41: {  	s14 =	sor.u32 $0x400, s31;
	s16 =	smov.u32 s15;
	v1 =	vld.msk [tilespmem:s17+$0x0 ss:$0x1], $0xffff;
	v3 =	vand.u32 $0x7F, v3;
	(ifvalue) =	ssetifvalue $0x7FFFFFFF;
	v6 =	vshrl.u32 v4, $0x1;
	v5 =	vadd.s32 v8, v5  }
.LBB2_3:
0x42: {  	s18 =	sadd.s32 $0x10, s18  }
0x43: {  	vm1 =	veq.s32 v4, $0x80000000;
	v4 =	vand.u32 $0x1, v4;
	v6 =	vand.u32 $0x3FFF, v6;
	s15 =	sadd.s32 $0x10, s15;
	p1 =	slt.u32 s18, $0x1F0  }
.Ltmp3:
0x44: {  	v5 =	vor.u32 v2, v5;
	v4 =	vsel vm1, $0xFFFFFFFF, v4;
	v7 =	vsel vm1, $0xFFFFFFFF, v6;
	(pc) =	sbr.rel @p1 .LBB2_3-.Ltmp3, $4  }
0x45: {  	v2 =	vshrl.u32 v4, $0x1;
	v6 =	vshll.u32 v7, $0x1;
	v4 =	vshll.u32 v4, $0x7;
	[tilespmem:s16], [sflag:$0x1] =	stream.indirect_vreg.gather [hbm4b:s3+s10], $0x1, v0, vm0, $0x4038;
	[tilespmem:$0x800] =	vst v63  }
0x46: {  	v0 =	vor.u32 v3, v5;
	s16 =	smov.u32 s15;
	v8 =	vmul.u32 $0x4800, v2;
	v2 =	vand.u32 $0x80, v4  }
0x47: {  	s17 =	sadd.s32 $0x10, s17;
	v9 =	vand.u32 $0xFFFFFF00, v6  }
0x48: {  	v3 =	vand.u32 $0x7F, v7;
	v6 =	vshrl.u32 v1, $0x1;
	v5 =	vadd.s32 v8, v9;
	(ifvalue) =	ssetifvalue $0x7FFFFFFF;
	v4 =	vmovc v1;
	v1 =	vld.msk [tilespmem:s17+$0x0 ss:$0x1], $0xffff  }
.Ltmp4:
0x49: {  	_ = 	snop;
	(pc) =	sbr.rel .LBB2_4-.Ltmp4, $1  }
0x4a: {  	_ =	sdelay $0x3  }
.LBB2_6:
0x4b: {  	_ =	sfence.sel $0x180000  }
0x4c: {  	s2 =	simm.s32 $0x2;
	[bflag:$0x0] =	sbarrier.arrive $0xFFFF  }
0x4d: {  	s30 =	simm.s32 $0x3;
	[sflag:s2] =	ssyncpa.u1 $0x1  }
0x4e: {  	s31 =	simm.s32 $0x1;
	[sflag:s30] =	ssyncpa.u1 $0x1  }
0x4f: {  	[sflag:s31] =	ssyncpa.u1 $0x1  }
0x50: {  	p0 =	sne.s32 s1, $0x0;
	_ =	strace $0x90000050  }
0x51: {  	s0 =	sadd.s32 @!p0 $0x100000, s0;
	[bflag:$0x2] =	sbarrier.arrive $0xFFFF  }
0x52: {  	[sflag:s0] =	ssyncadd.tile.s32 @!p0 $0x1;
	_ =	shalt  }
.Lfunc_end2:
_tile_overlayer_lowered:
.L_overlay_start_2:
0x53: {  	(tag) =	ssettag $0x2  }
0x54: {  	s0 =	rddreg [dreg:$0x0];
	s2 =	stileid.u32  }
0x55: {  	s1 =	rddreg [dreg:$0x1];
	p0 =	sne.s32 s2, $0x0  }
0x56: {  	s3 =	rddreg [dreg:$0x2];
	[bflag:$0x3] =	sbarrier.arrive $0xFFFF;
	s2 =	simm.s32 @!p0 $0x1C01  }
0x57: {  	[timem:s3], [sflag:s2] =	dma.local @!p0 [hbm:s0], s1  }
0x58: {  	s0 =	simm.s32 @!p0 $0x1  }
0x59: {  	_ =	swait.ge @!p0 [sflag:s0], s1  }
0x5a: {  	s1 =	ssub.s32 @!p0 $0x0, s1;
	[sflag:s0] =	ssyncset.done @!p0 $0x0  }
0x5b: {  	[sflag:s0] =	ssyncadd.s32 @!p0 s1  }
0x5c: {  	[bflag:$0x3] =	sbarrier.arrive $0xFFFF  }
0x5d: {  	_ =	shalt  }

// kernel: gather_offload_async_start.3
scs
__scs_entry_jumppad:
0x0: {  	(pc) =	sbr.rel $0x88, $3  }
0x1: {  	(tag) =	ssettag $0x0;
	lr =	simm.s32 $0x1  }
0x2: {  	[smem:$0x3F98] =	sst lr;
	_ =	strace $0xD0000000  }
0x3: {  	_ = 	snop  }
0x4: {  	_ = 	snop  }
0x5: {  	_ = 	snop  }
0x6: {  	_ = 	snop  }
0x7: {  	_ = 	snop  }
__scs_overlays_trampoline_lowered:
0x8: {  	[smem:$0x3FA7] =	sst s0  }
0x9: {  	[smem:$0x3FA8] =	sst s1  }
0xa: {  	[smem:$0x3FA9] =	sst s2  }
0xb: {  	[smem:$0x3FAA] =	sst s3  }
0xc: {  	[smem:$0x3FAB] =	sst s4  }
0xd: {  	[smem:$0x3FAC] =	sst s5  }
0xe: {  	[smem:$0x3FAD] =	sst s6  }
0xf: {  	[smem:$0x3FAE] =	sst s7  }
0x10: {  	[smem:$0x3FAF] =	sst s8  }
0x11: {  	[smem:$0x3FB0] =	sst s9;
	s0 =	simm.s32 @!p0 $0x0  }
0x12: {  	s1 =	sld [smem:$0x3F96];
	s0 =	simm.s32 @p0 $0x1  }
0x13: {  	[smem:$0x3FB1] =	sst s0;
	s0 =	simm.s32 @!p1 $0x0  }
0x14: {  	s2 =	sld [smem:$0x3F95];
	s0 =	simm.s32 @p1 $0x1  }
0x15: {  	[smem:$0x3FB2] =	sst s0;
	s0 =	simm.s32 @!p2 $0x0  }
0x16: {  	s3 =	sld [smem:$0x3FDB];
	s0 =	simm.s32 @p2 $0x1  }
0x17: {  	s4 =	simm.s32 $0x1BF5;
	[smem:$0x3FB4] =	sst s0  }
0x18: {  	s0 =	sld [smem:$0x3F97];
	_ =	swait.ge [sflag:s4], $0x0  }
0x19: {  	s7 =	sld [smem:$0x3F98]  }
0x1a: {  	s8 =	sadd.s32 $0xFFFFE003, lr  }
0x1b: {  	s9 =	sadd.s32 $0xFFFFFEF7, lr;
	s5 =	simm.s32 $0xFFFFFFFF;
	p2 =	slt.u32 s8, $0xFFFFF086  }
0x1c: {  	p1 =	slt.u32 s9, $0xF7A;
	s5 =	simm.s32 @!p2 $0x0  }
0x1d: {  	s5 =	simm.s32 @p1 $0x1;
	p0 =	seq.s32 s7, s2  }
0x1e: {  	s7 =	smul.u32 @!p0 $0xF7A, s2;
	p2 =	seq.s32 @!p0 s5, $0x0  }
0x1f: {  	s9 =	smul.u32 $0xF7A, s1;
	s8 =	simm.s32 @!p0 $0x1BF5;
	p2 =	por !p2, p0  }
0x20: {  	[sflag:s8] =	ssyncset.s32 @!p0 $0xFFFFF086;
	s6 =	sadd.s32 @!p0 s3, s7;
	s7 =	simm.s32 @!p0 $0x108  }
0x21: {  	s3 =	sadd.s32 s3, s9;
	s6 =	sadd.s32 @!p0 $0x88, s6;
	s7 =	simm.s32 @p2 $0x1082  }
0x22: {  	[simem:s7], [sflag:s8] =	dma.local @!p0 [hbm:s6], $0xF7A  }
0x23: {  	s9 =	sor.u32 $0xD0000000, s2;
	s6 =	simm.s32 $0x108;
	_ =	swait.ge @!p0 [sflag:s8], $0x0  }
0x24: {  	s3 =	sadd.s32 $0x88, s3;
	s6 =	simm.s32 @!p1 $0x1082;
	[sflag:s4] =	ssyncset.s32 $0xFFFFF086  }
0x25: {  	[simem:s6], [sflag:s4] =	dma.local [hbm:s3], $0xF7A  }
0x26: {  	[smem:$0x3F98] =	sst s1;
	(tag) =	ssettag s2;
	_ =	strace s9  }
0x27: {  	s1 =	sld [smem:$0x3FA8]  }
0x28: {  	s2 =	sld [smem:$0x3FA9]  }
0x29: {  	s4 =	sld [smem:$0x3FAB]  }
0x2a: {  	p0 =	seq.s32 s5, $0x0;
	s5 =	sld [smem:$0x3FAC]  }
0x2b: {  	s6 =	sld [smem:$0x3FAD]  }
0x2c: {  	s7 =	sld [smem:$0x3FAE]  }
0x2d: {  	s3 =	simm.s32 $0x108;
	s8 =	sld [smem:$0x3FAF]  }
0x2e: {  	s3 =	simm.s32 @!p0 $0x1082;
	s9 =	sld [smem:$0x3FB0]  }
0x2f: {  	lr =	sadd.s32 s0, s3;
	s0 =	sld [smem:$0x3FA7]  }
0x30: {  	s3 =	sld [smem:$0x3FAA]  }
0x31: {  	[smem:$0x3FB3] =	sst s10  }
0x32: {  	s10 =	sld [smem:$0x3FB1];
	_ =	sdelay $0x3  }
0x33: {  	p0 =	seq.s32 s10, $0x1;
	s10 =	sld [smem:$0x3FB3];
	_ =	sdelay $0x3  }
0x34: {  	[smem:$0x3FB3] =	sst s10  }
0x35: {  	s10 =	sld [smem:$0x3FB2];
	_ =	sdelay $0x3  }
0x36: {  	p1 =	seq.s32 s10, $0x1;
	s10 =	sld [smem:$0x3FB3];
	_ =	sdelay $0x3  }
0x37: {  	[smem:$0x3FB3] =	sst s10  }
0x38: {  	s10 =	sld [smem:$0x3FB4]  }
0x39: {  	_ = 	snop;
	(pc) =	sbr.ind lr, $3  }
0x3a: {  	_ = 	snop  }
0x3b: {  	_ = 	snop  }
0x3c: {  	p2 =	seq.s32 s10, $0x1;
	s10 =	sld [smem:$0x3FB3]  }
0x3d: {  	_ =	shalt  }
0x3e: {  	_ =	shalt  }
0x3f: {  	_ =	shalt  }
0x40: {  	_ =	shalt  }
0x41: {  	_ =	shalt  }
0x42: {  	_ =	shalt  }
0x43: {  	_ =	shalt  }
0x44: {  	_ =	shalt  }
0x45: {  	_ =	shalt  }
0x46: {  	_ =	shalt  }
0x47: {  	_ =	shalt  }
0x48: {  	_ =	shalt  }
0x49: {  	_ =	shalt  }
0x4a: {  	_ =	shalt  }
0x4b: {  	_ =	shalt  }
0x4c: {  	_ =	shalt  }
0x4d: {  	_ =	shalt  }
0x4e: {  	_ =	shalt  }
0x4f: {  	_ =	shalt  }
0x50: {  	_ =	shalt  }
0x51: {  	_ =	shalt  }
0x52: {  	_ =	shalt  }
0x53: {  	_ =	shalt  }
0x54: {  	_ =	shalt  }
0x55: {  	_ =	shalt  }
0x56: {  	_ =	shalt  }
0x57: {  	_ =	shalt  }
0x58: {  	_ =	shalt  }
0x59: {  	_ =	shalt  }
0x5a: {  	_ =	shalt  }
0x5b: {  	_ =	shalt  }
0x5c: {  	_ =	shalt  }
0x5d: {  	_ =	shalt  }
0x5e: {  	_ =	shalt  }
0x5f: {  	_ =	shalt  }
0x60: {  	_ =	shalt  }
0x61: {  	_ =	shalt  }
0x62: {  	_ =	shalt  }
0x63: {  	_ =	shalt  }
0x64: {  	_ =	shalt  }
0x65: {  	_ =	shalt  }
0x66: {  	_ =	shalt  }
0x67: {  	_ =	shalt  }
0x68: {  	_ =	shalt  }
0x69: {  	_ =	shalt  }
0x6a: {  	_ =	shalt  }
0x6b: {  	_ =	shalt  }
0x6c: {  	_ =	shalt  }
0x6d: {  	_ =	shalt  }
0x6e: {  	_ =	shalt  }
0x6f: {  	_ =	shalt  }
0x70: {  	_ =	shalt  }
0x71: {  	_ =	shalt  }
0x72: {  	_ =	shalt  }
0x73: {  	_ =	shalt  }
0x74: {  	_ =	shalt  }
0x75: {  	_ =	shalt  }
0x76: {  	_ =	shalt  }
0x77: {  	_ =	shalt  }
0x78: {  	_ =	shalt  }
0x79: {  	_ =	shalt  }
0x7a: {  	_ =	shalt  }
0x7b: {  	_ =	shalt  }
0x7c: {  	_ =	shalt  }
0x7d: {  	_ =	shalt  }
0x7e: {  	_ =	shalt  }
0x7f: {  	_ =	shalt  }
0x80: {  	_ =	shalt  }
0x81: {  	_ =	shalt  }
0x82: {  	_ =	shalt  }
0x83: {  	_ =	shalt  }
0x84: {  	_ =	shalt  }
0x85: {  	_ =	shalt  }
0x86: {  	_ =	shalt  }
0x87: {  	_ =	shalt  }
.Lfunc_end0:
.L_simem_size_0:
called_computation.3_lowered:
.L_overlay_start_0:
0x88: {  	s2 =	sld [smem:$0x3FD9]  }
0x89: {  	s3 =	sld [smem:$0x3FFE];
	_ =	sdelay $0x1  }
0x8a: {  	s1 =	srdreg.scid  }
0x8b: {  	s0 =	sand.u32 $0x1, s1  }
0x8c: {  	s17 =	sshll.u32 s0, $0xA;
	s2 =	sadd.s32 s3, s2  }
0x8d: {  	s2 =	sadd.s32 s2, s17  }
0x8e: {  	[smem:$0x3FBF] =	sst s2  }
0x8f: {  	_ = 	snop  }
0x90: {  	(tm) =	ssettm $0x1  }
0x91: {  	s18 =	sld [smem:$0x3FFB];
	_ =	sdelay $0x3  }
0x92: {  	_ =	strace s18  }
0x93: {  	s2 =	sld [smem:$0x3FFC];
	_ =	sdelay $0x3  }
0x94: {  	_ =	strace s2  }
0x95: {  	s2 =	sld [smem:$0x3FFD];
	_ =	sdelay $0x3  }
0x96: {  	_ =	strace s2  }
0x97: {  	_ =	strace $0x8FFFFFFF  }
0x98: {  	s19 =	sld [smem:$0x3FDB];
	_ =	sdelay $0x1  }
0x99: {  	s20 =	simm.s32 $_scs_section_size  }
0x9a: {  	s4 =	simm.s32 $_size__tile_overlayer_lowered;
	s5 =	simm.s32 $_tile_overlayer_lowered  }
0x9b: {  	s6 =	simm.s32 $0x1BFF;
	s21 =	sshll.u32 s5, $0x1;
	s3 =	sadd.s32 s20, s19  }
0x9c: {  	s22 =	simm.s32 $0x0;
	s4 =	sshll.u32 s4, $0x1;
	s5 =	sadd.s32 s21, s3  }
0x9d: {  	[timem:s22], [sflag:s6] =	dma.local [hbm:s5], s4  }
0x9e: {  	_ =	swait.ge [sflag:s6], s4  }
0x9f: {  	s4 =	ssub.s32 $0x0, s4;
	[sflag:s6] =	ssyncset.done $0x0  }
0xa0: {  	[sflag:s6] =	ssyncadd.s32 s4;
	_ =	sdelay $0x1  }
0xa1: {  	s23 =	simm.s32 $0x1B8B  }
0xa2: {  	_ =	swait.ge [sflag:s23], $0x1  }
0xa3: {  	[sflag:s23] =	ssyncset.done $0x0  }
0xa4: {  	[sflag:s23] =	ssyncadd.s32 $0xFFFFFFFF  }
0xa5: {  	s4 =	sld [smem:$0x0]  }
0xa6: {  	s5 =	sand.u32 $0xFFFFFFFE, s1  }
0xa7: {  	p0 =	sne.s32 s1, s5  }
0xa8: {  	s5 =	sshll.u32 @p0 s5, $0xE  }
0xa9: {  	s5 =	sadd.s32 @p0 $0x11B8D, s5;
	s6 =	sshll.u32 @p0 s4, $0x11  }
0xaa: {  	s5 =	sor.u32 @p0 s6, s5  }
0xab: {  	[sflag:s5] =	ssyncadd.remote.s32 @p0 $0x1;
	_ =	sdelay $0x1  }
0xac: {  	s5 =	simm.s32 @p0 $0x1B8D  }
0xad: {  	_ =	swait.eq @p0 [sflag:s5], $0x1  }
0xae: {  	[sflag:s5] =	ssyncadd.s32 @p0 $0xFFFFFFFF  }
0xaf: {  	s6 =	sshll.u32 @!p0 s1, $0xE  }
0xb0: {  	s6 =	sor.u32 @!p0 $0x4000, s6;
	s5 =	simm.s32 @!p0 $0x1B8D  }
0xb1: {  	s4 =	sshll.u32 @!p0 s4, $0x11;
	s6 =	sadd.s32 @!p0 $0x11B8D, s6;
	_ =	swait.eq @!p0 [sflag:s5], $0x1  }
0xb2: {  	s4 =	sor.u32 @!p0 s4, s6;
	[sflag:s5] =	ssyncadd.s32 @!p0 $0xFFFFFFFF  }
0xb3: {  	s25 =	simm.s32 $0x1B8E;
	s24 =	sld [smem:$0x3FFE];
	[sflag:s4] =	ssyncadd.remote.s32 @!p0 $0x1  }
0xb4: {  	s26 =	simm.s32 $execute0_lowered;
	[smem:$0x3FD2] =	sst s25  }
0xb5: {  	s5 =	sshll.u32 s26, $0x1;
	_ =	strace $0x80000052;
	[dreg:$0x1] =	wrdreg $0xFFFFFFFF  }
0xb6: {  	s28 =	simm.s32 $_size_execute0_lowered;
	s3 =	sadd.s32 s3, s5;
	[dreg:$0x0] =	wrdreg $0x0  }
0xb7: {  	s5 =	sshll.u32 s28, $0x1;
	[dreg:$0x2] =	wrdreg s3  }
0xb8: {  	[dreg:$0x3] =	wrdreg s5  }
0xb9: {  	[dreg:$0x4] =	wrdreg $0xC0  }
0xba: {  	_ =	task [dreg:s22], $0x5FFFF  }
0xbb: {  	[dreg:$0x1] =	wrdreg $0xFFFFFFFF  }
0xbc: {  	[dreg:$0x0] =	wrdreg $0x60  }
0xbd: {  	[dreg:$0x2] =	wrdreg s24  }
0xbe: {  	[dreg:$0x3] =	wrdreg $0x9  }
0xbf: {  	_ =	task.clear_ibuf [dreg:s22], $0x4FFFF;
	_ =	strace $0x90000052  }
0xc0: {  	s29 =	simm.s32 $0x9;
	_ =	strace $0x80000054  }
0xc1: {  	_ =	swait.ge [sflag:s29], $0x1  }
0xc2: {  	[sflag:s29] =	ssyncadd.s32 $0xFFFFFFFF  }
0xc3: {  	_ =	strace $0x90000054  }
0xc4: {  	_ =	sfence  }
0xc5: {  	s30 =	sld [smem:$0x0];
	_ =	sdelay $0x2  }
0xc6: {  	s31 =	sshll.u32 s1, $0xD;
	s1 =	sshrl.u32 s1, $0x2  }
0xc7: {  	s4 =	sand.u32 $0x4000, s31;
	s1 =	sadd.s32 s1, s30  }
0xc8: {  	s0 =	sor.u32 s4, s0;
	s1 =	sshll.u32 s1, $0x11  }
0xc9: {  	s0 =	sor.u32 s1, s0  }
0xca: {  	s0 =	sadd.s32 $0x8F2B, s0  }
0xcb: {  	[sflag:s0] =	ssyncadd.remote.s32 $0x1  }
0xcc: {  	_ =	sfence.sel $0xFFFF  }
0xcd: {  	[dreg:$0x0] =	wrdreg $0xFFFFFFFF;
	(pc) =	sbr.abs _section_cstart, $3  }
0xce: {  	[dreg:$0x1] =	wrdreg $0xFFFFFFFF  }
0xcf: {  	_ =	task.clear_ibuf [dreg:s22], $0x2FFFF;
	_ =	strace $0x9FFFFFFF  }
0xd0: {  	(tm) =	ssettm $0x7FFFFFFF  }
0xd1: {  	_ =	shalt  }
tec
execute0_lowered:
.L_overlay_start_1:
0x0: {  	(tag) =	ssettag $0x1  }
0x1: {  	s0 =	srdreg.scid;
	s5 =	rddreg [dreg:$0x0]  }
0x2: {  	s1 =	stileid.u32;
	s6 =	simm.s32 $0x1;
	s9 =	simm.s32 $0x1  }
0x3: {  	s10 =	simm.s32 $0x3;
	s13 =	simm.s32 $0x0;
	s2 =	sshll.u32 s0, $0x9  }
0x4: {  	s12 =	simm.s32 $0x0;
	s3 =	sshll.u32 s1, $0xA;
	s2 =	sand.u32 $0x200, s2  }
0x5: {  	s0 =	rddreg [dreg:$0x1];
	_ =	strace $0x80000053;
	s2 =	sor.u32 s3, s2  }
0x6: {  	s4 =	sadd.s32 $0x1600, s5;
	[sflag:s6] =	ssyncpa.u1 $0x0;
	s8 =	ssub.s32 $0x4800, s2  }
.Ltmp0:
0x7: {  	s3 =	sadd.s32 $0x3E00, s5;
	s7 =	sand.u32 $0x3E00, s8;
	(pc) =	sbr.rel .LBB2_1-.Ltmp0, $4  }
0x8: {  	s5 =	sadd.s32 $0x2A00, s5;
	s11 =	smov.u32 s2;
	p0 =	sne.s32 s7, $0x0  }
0x9: {  	s8 =	sshrl.u32 s8, $0xE;
	s7 =	simm.s32 $0x2;
	s9 =	simm.s32 @!p0 $0x0  }
0xa: {  	[sflag:s7] =	ssyncpa.u1 $0x0;
	p0 =	por $0x0, $0x0;
	s8 =	sadd.s32 s9, s8  }
0xb: {  	vm0 =	vmmov $0xffff;
	[sflag:s10] =	ssyncpa.u1 $0x0;
	s10 =	simm.s32 $0x0;
	s9 =	sadd.s32 $0x1, s8  }
.LBB2_4:
0xc: {  	vm1 =	veq.s32 v4, $0x80000000;
	v56 =	vand.u32 $0x1, v4;
	v6 =	vand.u32 $0x3FFF, v6  }
0xd: {  	v2 =	vor.u32 v2, v5;
	v59 =	vshrl.u32 v1, $0x1;
	v60 =	vand.u32 $0x1, v1  }
0xe: {  	v4 =	vsel vm1, $0xFFFFFFFF, v56;
	v6 =	vsel vm1, $0xFFFFFFFF, v6;
	v2 =	vor.u32 v3, v2  }
0xf: {  	vm1 =	veq.s32 v1, $0x80000000;
	v5 =	vand.u32 $0x3FFF, v59;
	v7 =	vshrl.u32 v4, $0x1  }
0x10: {  	v57 =	vshll.u32 v6, $0x1;
	v4 =	vshll.u32 v4, $0x7;
	v1 =	vsel vm1, $0xFFFFFFFF, v60  }
0x11: {  	v5 =	vsel vm1, $0xFFFFFFFF, v5;
	v6 =	vand.u32 $0x7F, v6;
	v7 =	vmul.u32 $0x4800, v7  }
0x12: {  	v58 =	vand.u32 $0xFFFFFF00, v57;
	v4 =	vand.u32 $0x80, v4;
	v61 =	vshrl.u32 v1, $0x1  }
0x13: {  	v62 =	vshll.u32 v5, $0x1;
	v3 =	vadd.s32 v7, v58;
	v7 =	vmul.u32 $0x4800, v61  }
0x14: {  	v1 =	vshll.u32 v1, $0x7;
	v3 =	vor.u32 v4, v3;
	v4 =	vand.u32 $0xFFFFFF00, v62  }
0x15: {  	v1 =	vand.u32 $0x80, v1;
	v3 =	vor.u32 v6, v3;
	v4 =	vadd.s32 v7, v4  }
0x16: {  	[tilespmem:s16], [sflag:$0x1] =	stream.indirect_vreg.gather [hbm4b:s3+s10], $0x1, v0, vm0, $0x4038;
	v63 =	vand.u32 $0x7F, v5;
	v1 =	vor.u32 v1, v4;
	[tilespmem:$0x800] =	vst v63  }
0x17: {  	s15 =	sadd.s32 $0x10, s15;
	(ifvalue) =	ssetifvalue $0x7FFFFFFF;
	v0 =	vor.u32 v63, v1  }
0x18: {  	[tilespmem:s15], [sflag:$0x1] =	stream.indirect_vreg.gather [hbm4b:s3+s10], $0x1, v2, vm0, $0x4038;
	[tilespmem:$0x800] =	vst v63  }
0x19: {  	s15 =	sadd.s32 $0x10, s15;
	(ifvalue) =	ssetifvalue $0x7FFFFFFF  }
0x1a: {  	[tilespmem:s15], [sflag:$0x1] =	stream.indirect_vreg.gather [hbm4b:s3+s10], $0x1, v3, vm0, $0x4038;
	[tilespmem:$0x800] =	vst v63  }
0x1b: {  	s15 =	sadd.s32 $0x10, s15;
	(ifvalue) =	ssetifvalue $0x7FFFFFFF  }
0x1c: {  	[tilespmem:s15], [sflag:$0x1] =	stream.indirect_vreg.gather [hbm4b:s3+s10], $0x1, v0, vm0, $0x4038;
	[tilespmem:$0x800] =	vst v63  }
0x1d: {  	_ =	swait.ge [sflag:s6], $0x200  }
0x1e: {  	s30 =	sshrl.u32 s13, $0x3;
	[sflag:s6] =	ssyncset.done $0x0  }
0x1f: {  	s31 =	sand.u32 $0x7, s13;
	s15 =	sadd.s32 s5, s30;
	[sflag:s6] =	ssyncadd.s32 $0xFFFFFE00  }
0x20: {  	[hbm4b:s15+s31] =	stream.linear.scatter [tilespmem:s14], [sflag:$0x3], $0x200, $0x38;
	[tilespmem:$0x800] =	vst v63  }
.LBB2_5:
0x21: {  	s15 =	sadd.s32 $0x4000, s11  }
0x22: {  	p2 =	sgt.s32 s15, $0x47FF  }
0x23: {  	s15 =	smov.u32 @p2 s2;
	p2 =	sne.s32 s12, s9  }
.Ltmp1:
0x24: {  	p1 =	slt.u32 s12, $0x2;
	(pc) =	sbr.rel @!p2 .LBB2_6-.Ltmp1, $4  }
0x25: {  	s14 =	simm.s32 @!p1 $0x3  }
0x26: {  	s16 =	sadd.s32 $0x1, s12;
	_ =	swait.ge @!p1 [sflag:s14], $0x200  }
0x27: {  	s13 =	smov.u32 s11;
	p0 =	por !p0, !p0;
	[sflag:s14] =	ssyncset.done @!p1 $0x0  }
0x28: {  	s12 =	smov.u32 s16;
	s11 =	smov.u32 s15;
	[sflag:s14] =	ssyncadd.s32 @!p1 $0xFFFFFE00  }
.LBB2_1:
0x29: {  	p1 =	sge.u32 s12, s8  }
0x2a: {  	s14 =	sxor.u32 @!p1 $0xFFFFFFFF, s12  }
0x2b: {  	s31 =	sadd.s32 $0xFFFFFFFF, s12;
	s15 =	sshrl.u32 @!p1 s11, $0x3;
	s14 =	sshll.u32 @!p1 s14, $0x9  }
0x2c: {  	s16 =	sand.u32 @!p1 $0x7, s11;
	s15 =	sadd.s32 @!p1 s4, s15;
	s14 =	sand.u32 @!p1 $0x200, s14  }
0x2d: {  	[tilespmem:s14], [sflag:$0x2] =	stream.linear.gather @!p1 [hbm4b:s15+s16], $0x200, $0x38;
	[tilespmem:$0x800] =	vst v63  }
0x2e: {  	p1 =	sge.u32 s31, s8  }
.Ltmp2:
0x2f: {  	_ = 	snop;
	(pc) =	sbr.rel @p1 .LBB2_5-.Ltmp2, $1  }
0x30: {  	_ =	sdelay $0x3  }
0x31: {  	s14 =	simm.s32 $0x1  }
0x32: {  	_ =	swait.ge [sflag:s7], $0x200;
	s14 =	simm.s32 @!p0 $0x0  }
0x33: {  	[sflag:s7] =	ssyncset.done $0x0;
	s14 =	sshll.u32 s14, $0x9  }
0x34: {  	[sflag:s7] =	ssyncadd.s32 $0xFFFFFE00;
	(ifvalue) =	ssetifvalue $0x7FFFFFFF;
	v0 =	vld.msk [tilespmem:s14+$0x0 ss:$0x1], $0xffff  }
0x35: {  	s15 =	sadd.s32 $0x10, s14  }
0x36: {  	v1 =	vld.msk [tilespmem:s15+$0x0 ss:$0x1], $0xffff;
	_ =	sdelay $0x2  }
0x37: {  	v2 =	vshrl.u32 v0, $0x1  }
0x38: {  	vm1 =	veq.s32 v0, $0x80000000;
	v0 =	vand.u32 $0x1, v0;
	v2 =	vand.u32 $0x3FFF, v2  }
0x39: {  	v0 =	vsel vm1, $0xFFFFFFFF, v0;
	v6 =	vshrl.u32 v1, $0x1;
	v2 =	vsel vm1, $0xFFFFFFFF, v2  }
0x3a: {  	v3 =	vshrl.u32 v0, $0x1;
	v0 =	vshll.u32 v0, $0x7;
	vm1 =	veq.s32 v1, $0x80000000  }
0x3b: {  	s15 =	sadd.s32 $0x10, s15;
	v1 =	vand.u32 $0x1, v1;
	v4 =	vshll.u32 v2, $0x1;
	v3 =	vmul.u32 $0x4800, v3  }
0x3c: {  	v0 =	vand.u32 $0x80, v0;
	v7 =	vand.u32 $0x7F, v2;
	v5 =	vand.u32 $0xFFFFFF00, v4;
	v4 =	vld.msk [tilespmem:s15+$0x0 ss:$0x1], $0xffff  }
0x3d: {  	v1 =	vsel vm1, $0xFFFFFFFF, v1;
	v2 =	vadd.s32 v3, v5;
	v3 =	vand.u32 $0x3FFF, v6  }
0x3e: {  	v3 =	vsel vm1, $0xFFFFFFFF, v3;
	v0 =	vor.u32 v0, v2;
	v2 =	vshrl.u32 v1, $0x1  }
0x3f: {  	s16 =	sshll.u32 s12, $0x9;
	s18 =	simm.s32 $0x30;
	v1 =	vshll.u32 v1, $0x7;
	v5 =	vshll.u32 v3, $0x1;
	v8 =	vmul.u32 $0x4800, v2  }
0x40: {  	s31 =	sand.u32 $0x200, s16;
	s17 =	sadd.s32 $0x10, s15;
	s15 =	sor.u32 $0x400, s14;
	v2 =	vand.u32 $0x80, v1;
	v0 =	vor.u32 v7, v0;
	v5 =	vand.u32 $0xFFFFFF00, v5  }
0x41: {  	s14 =	sor.u32 $0x400, s31;
	s16 =	smov.u32 s15;
	v1 =	vld.msk [tilespmem:s17+$0x0 ss:$0x1], $0xffff;
	v3 =	vand.u32 $0x7F, v3;
	(ifvalue) =	ssetifvalue $0x7FFFFFFF;
	v6 =	vshrl.u32 v4, $0x1;
	v5 =	vadd.s32 v8, v5  }
.LBB2_3:
0x42: {  	s18 =	sadd.s32 $0x10, s18  }
0x43: {  	vm1 =	veq.s32 v4, $0x80000000;
	v4 =	vand.u32 $0x1, v4;
	v6 =	vand.u32 $0x3FFF, v6;
	s15 =	sadd.s32 $0x10, s15;
	p1 =	slt.u32 s18, $0x1F0  }
.Ltmp3:
0x44: {  	v5 =	vor.u32 v2, v5;
	v4 =	vsel vm1, $0xFFFFFFFF, v4;
	v7 =	vsel vm1, $0xFFFFFFFF, v6;
	(pc) =	sbr.rel @p1 .LBB2_3-.Ltmp3, $4  }
0x45: {  	v2 =	vshrl.u32 v4, $0x1;
	v6 =	vshll.u32 v7, $0x1;
	v4 =	vshll.u32 v4, $0x7;
	[tilespmem:s16], [sflag:$0x1] =	stream.indirect_vreg.gather [hbm4b:s3+s10], $0x1, v0, vm0, $0x4038;
	[tilespmem:$0x800] =	vst v63  }
0x46: {  	v0 =	vor.u32 v3, v5;
	s16 =	smov.u32 s15;
	v8 =	vmul.u32 $0x4800, v2;
	v2 =	vand.u32 $0x80, v4  }
0x47: {  	s17 =	sadd.s32 $0x10, s17;
	v9 =	vand.u32 $0xFFFFFF00, v6  }
0x48: {  	v3 =	vand.u32 $0x7F, v7;
	v6 =	vshrl.u32 v1, $0x1;
	v5 =	vadd.s32 v8, v9;
	(ifvalue) =	ssetifvalue $0x7FFFFFFF;
	v4 =	vmovc v1;
	v1 =	vld.msk [tilespmem:s17+$0x0 ss:$0x1], $0xffff  }
.Ltmp4:
0x49: {  	_ = 	snop;
	(pc) =	sbr.rel .LBB2_4-.Ltmp4, $1  }
0x4a: {  	_ =	sdelay $0x3  }
.LBB2_6:
0x4b: {  	_ =	sfence.sel $0x180000  }
0x4c: {  	s2 =	simm.s32 $0x2;
	[bflag:$0x0] =	sbarrier.arrive $0xFFFF  }
0x4d: {  	s30 =	simm.s32 $0x3;
	[sflag:s2] =	ssyncpa.u1 $0x1  }
0x4e: {  	s31 =	simm.s32 $0x1;
	[sflag:s30] =	ssyncpa.u1 $0x1  }
0x4f: {  	[sflag:s31] =	ssyncpa.u1 $0x1  }
0x50: {  	p0 =	sne.s32 s1, $0x0;
	_ =	strace $0x90000053  }
0x51: {  	s0 =	sadd.s32 @!p0 $0x100000, s0;
	[bflag:$0x2] =	sbarrier.arrive $0xFFFF  }
0x52: {  	[sflag:s0] =	ssyncadd.tile.s32 @!p0 $0x1;
	_ =	shalt  }
.Lfunc_end2:
_tile_overlayer_lowered:
.L_overlay_start_2:
0x53: {  	(tag) =	ssettag $0x2  }
0x54: {  	s0 =	rddreg [dreg:$0x0];
	s2 =	stileid.u32  }
0x55: {  	s1 =	rddreg [dreg:$0x1];
	p0 =	sne.s32 s2, $0x0  }
0x56: {  	s3 =	rddreg [dreg:$0x2];
	[bflag:$0x3] =	sbarrier.arrive $0xFFFF;
	s2 =	simm.s32 @!p0 $0x1C01  }
0x57: {  	[timem:s3], [sflag:s2] =	dma.local @!p0 [hbm:s0], s1  }
0x58: {  	s0 =	simm.s32 @!p0 $0x1  }
0x59: {  	_ =	swait.ge @!p0 [sflag:s0], s1  }
0x5a: {  	s1 =	ssub.s32 @!p0 $0x0, s1;
	[sflag:s0] =	ssyncset.done @!p0 $0x0  }
0x5b: {  	[sflag:s0] =	ssyncadd.s32 @!p0 s1  }
0x5c: {  	[bflag:$0x3] =	sbarrier.arrive $0xFFFF  }
0x5d: {  	_ =	shalt  }

// kernel: gather_offload_async_start.4
scs
__scs_entry_jumppad:
0x0: {  	(pc) =	sbr.rel $0x88, $3  }
0x1: {  	(tag) =	ssettag $0x0;
	lr =	simm.s32 $0x1  }
0x2: {  	[smem:$0x3F98] =	sst lr;
	_ =	strace $0xD0000000  }
0x3: {  	_ = 	snop  }
0x4: {  	_ = 	snop  }
0x5: {  	_ = 	snop  }
0x6: {  	_ = 	snop  }
0x7: {  	_ = 	snop  }
__scs_overlays_trampoline_lowered:
0x8: {  	[smem:$0x3FA7] =	sst s0  }
0x9: {  	[smem:$0x3FA8] =	sst s1  }
0xa: {  	[smem:$0x3FA9] =	sst s2  }
0xb: {  	[smem:$0x3FAA] =	sst s3  }
0xc: {  	[smem:$0x3FAB] =	sst s4  }
0xd: {  	[smem:$0x3FAC] =	sst s5  }
0xe: {  	[smem:$0x3FAD] =	sst s6  }
0xf: {  	[smem:$0x3FAE] =	sst s7  }
0x10: {  	[smem:$0x3FAF] =	sst s8  }
0x11: {  	[smem:$0x3FB0] =	sst s9;
	s0 =	simm.s32 @!p0 $0x0  }
0x12: {  	s1 =	sld [smem:$0x3F96];
	s0 =	simm.s32 @p0 $0x1  }
0x13: {  	[smem:$0x3FB1] =	sst s0;
	s0 =	simm.s32 @!p1 $0x0  }
0x14: {  	s2 =	sld [smem:$0x3F95];
	s0 =	simm.s32 @p1 $0x1  }
0x15: {  	[smem:$0x3FB2] =	sst s0;
	s0 =	simm.s32 @!p2 $0x0  }
0x16: {  	s3 =	sld [smem:$0x3FDB];
	s0 =	simm.s32 @p2 $0x1  }
0x17: {  	s4 =	simm.s32 $0x1BF5;
	[smem:$0x3FB4] =	sst s0  }
0x18: {  	s0 =	sld [smem:$0x3F97];
	_ =	swait.ge [sflag:s4], $0x0  }
0x19: {  	s7 =	sld [smem:$0x3F98]  }
0x1a: {  	s8 =	sadd.s32 $0xFFFFE003, lr  }
0x1b: {  	s9 =	sadd.s32 $0xFFFFFEF7, lr;
	s5 =	simm.s32 $0xFFFFFFFF;
	p2 =	slt.u32 s8, $0xFFFFF086  }
0x1c: {  	p1 =	slt.u32 s9, $0xF7A;
	s5 =	simm.s32 @!p2 $0x0  }
0x1d: {  	s5 =	simm.s32 @p1 $0x1;
	p0 =	seq.s32 s7, s2  }
0x1e: {  	s7 =	smul.u32 @!p0 $0xF7A, s2;
	p2 =	seq.s32 @!p0 s5, $0x0  }
0x1f: {  	s9 =	smul.u32 $0xF7A, s1;
	s8 =	simm.s32 @!p0 $0x1BF5;
	p2 =	por !p2, p0  }
0x20: {  	[sflag:s8] =	ssyncset.s32 @!p0 $0xFFFFF086;
	s6 =	sadd.s32 @!p0 s3, s7;
	s7 =	simm.s32 @!p0 $0x108  }
0x21: {  	s3 =	sadd.s32 s3, s9;
	s6 =	sadd.s32 @!p0 $0x88, s6;
	s7 =	simm.s32 @p2 $0x1082  }
0x22: {  	[simem:s7], [sflag:s8] =	dma.local @!p0 [hbm:s6], $0xF7A  }
0x23: {  	s9 =	sor.u32 $0xD0000000, s2;
	s6 =	simm.s32 $0x108;
	_ =	swait.ge @!p0 [sflag:s8], $0x0  }
0x24: {  	s3 =	sadd.s32 $0x88, s3;
	s6 =	simm.s32 @!p1 $0x1082;
	[sflag:s4] =	ssyncset.s32 $0xFFFFF086  }
0x25: {  	[simem:s6], [sflag:s4] =	dma.local [hbm:s3], $0xF7A  }
0x26: {  	[smem:$0x3F98] =	sst s1;
	(tag) =	ssettag s2;
	_ =	strace s9  }
0x27: {  	s1 =	sld [smem:$0x3FA8]  }
0x28: {  	s2 =	sld [smem:$0x3FA9]  }
0x29: {  	s4 =	sld [smem:$0x3FAB]  }
0x2a: {  	p0 =	seq.s32 s5, $0x0;
	s5 =	sld [smem:$0x3FAC]  }
0x2b: {  	s6 =	sld [smem:$0x3FAD]  }
0x2c: {  	s7 =	sld [smem:$0x3FAE]  }
0x2d: {  	s3 =	simm.s32 $0x108;
	s8 =	sld [smem:$0x3FAF]  }
0x2e: {  	s3 =	simm.s32 @!p0 $0x1082;
	s9 =	sld [smem:$0x3FB0]  }
0x2f: {  	lr =	sadd.s32 s0, s3;
	s0 =	sld [smem:$0x3FA7]  }
0x30: {  	s3 =	sld [smem:$0x3FAA]  }
0x31: {  	[smem:$0x3FB3] =	sst s10  }
0x32: {  	s10 =	sld [smem:$0x3FB1];
	_ =	sdelay $0x3  }
0x33: {  	p0 =	seq.s32 s10, $0x1;
	s10 =	sld [smem:$0x3FB3];
	_ =	sdelay $0x3  }
0x34: {  	[smem:$0x3FB3] =	sst s10  }
0x35: {  	s10 =	sld [smem:$0x3FB2];
	_ =	sdelay $0x3  }
0x36: {  	p1 =	seq.s32 s10, $0x1;
	s10 =	sld [smem:$0x3FB3];
	_ =	sdelay $0x3  }
0x37: {  	[smem:$0x3FB3] =	sst s10  }
0x38: {  	s10 =	sld [smem:$0x3FB4]  }
0x39: {  	_ = 	snop;
	(pc) =	sbr.ind lr, $3  }
0x3a: {  	_ = 	snop  }
0x3b: {  	_ = 	snop  }
0x3c: {  	p2 =	seq.s32 s10, $0x1;
	s10 =	sld [smem:$0x3FB3]  }
0x3d: {  	_ =	shalt  }
0x3e: {  	_ =	shalt  }
0x3f: {  	_ =	shalt  }
0x40: {  	_ =	shalt  }
0x41: {  	_ =	shalt  }
0x42: {  	_ =	shalt  }
0x43: {  	_ =	shalt  }
0x44: {  	_ =	shalt  }
0x45: {  	_ =	shalt  }
0x46: {  	_ =	shalt  }
0x47: {  	_ =	shalt  }
0x48: {  	_ =	shalt  }
0x49: {  	_ =	shalt  }
0x4a: {  	_ =	shalt  }
0x4b: {  	_ =	shalt  }
0x4c: {  	_ =	shalt  }
0x4d: {  	_ =	shalt  }
0x4e: {  	_ =	shalt  }
0x4f: {  	_ =	shalt  }
0x50: {  	_ =	shalt  }
0x51: {  	_ =	shalt  }
0x52: {  	_ =	shalt  }
0x53: {  	_ =	shalt  }
0x54: {  	_ =	shalt  }
0x55: {  	_ =	shalt  }
0x56: {  	_ =	shalt  }
0x57: {  	_ =	shalt  }
0x58: {  	_ =	shalt  }
0x59: {  	_ =	shalt  }
0x5a: {  	_ =	shalt  }
0x5b: {  	_ =	shalt  }
0x5c: {  	_ =	shalt  }
0x5d: {  	_ =	shalt  }
0x5e: {  	_ =	shalt  }
0x5f: {  	_ =	shalt  }
0x60: {  	_ =	shalt  }
0x61: {  	_ =	shalt  }
0x62: {  	_ =	shalt  }
0x63: {  	_ =	shalt  }
0x64: {  	_ =	shalt  }
0x65: {  	_ =	shalt  }
0x66: {  	_ =	shalt  }
0x67: {  	_ =	shalt  }
0x68: {  	_ =	shalt  }
0x69: {  	_ =	shalt  }
0x6a: {  	_ =	shalt  }
0x6b: {  	_ =	shalt  }
0x6c: {  	_ =	shalt  }
0x6d: {  	_ =	shalt  }
0x6e: {  	_ =	shalt  }
0x6f: {  	_ =	shalt  }
0x70: {  	_ =	shalt  }
0x71: {  	_ =	shalt  }
0x72: {  	_ =	shalt  }
0x73: {  	_ =	shalt  }
0x74: {  	_ =	shalt  }
0x75: {  	_ =	shalt  }
0x76: {  	_ =	shalt  }
0x77: {  	_ =	shalt  }
0x78: {  	_ =	shalt  }
0x79: {  	_ =	shalt  }
0x7a: {  	_ =	shalt  }
0x7b: {  	_ =	shalt  }
0x7c: {  	_ =	shalt  }
0x7d: {  	_ =	shalt  }
0x7e: {  	_ =	shalt  }
0x7f: {  	_ =	shalt  }
0x80: {  	_ =	shalt  }
0x81: {  	_ =	shalt  }
0x82: {  	_ =	shalt  }
0x83: {  	_ =	shalt  }
0x84: {  	_ =	shalt  }
0x85: {  	_ =	shalt  }
0x86: {  	_ =	shalt  }
0x87: {  	_ =	shalt  }
.Lfunc_end0:
.L_simem_size_0:
called_computation.4_lowered:
.L_overlay_start_0:
0x88: {  	s2 =	sld [smem:$0x3FD9]  }
0x89: {  	s3 =	sld [smem:$0x3FFE];
	_ =	sdelay $0x1  }
0x8a: {  	s1 =	srdreg.scid  }
0x8b: {  	s0 =	sand.u32 $0x1, s1  }
0x8c: {  	s14 =	sshll.u32 s0, $0xA;
	s2 =	sadd.s32 s3, s2  }
0x8d: {  	s2 =	sadd.s32 s2, s14  }
0x8e: {  	[smem:$0x3FBF] =	sst s2  }
0x8f: {  	_ = 	snop  }
0x90: {  	s2 =	sld [smem:$0x3FD0];
	_ =	sdelay $0x2  }
0x91: {  	s15 =	simm.s32 $0xB;
	s4 =	simm.s32 $0x10  }
0x92: {  	[smem:s4], [sflag:s15] =	dma.local [hbm:s2], $0x1  }
0x93: {  	_ =	swait.eq [sflag:s15], $0x1  }
0x94: {  	[sflag:s15] =	ssyncset.done $0x0  }
0x95: {  	[sflag:s15] =	ssyncadd.s32 $0xFFFFFFFF  }
0x96: {  	s16 =	sld [smem:$0x14];
	(tm) =	ssettm $0x1  }
0x97: {  	s17 =	sld [smem:$0x3FFB];
	_ =	sdelay $0x3  }
0x98: {  	_ =	strace s17  }
0x99: {  	s3 =	sld [smem:$0x3FFC];
	_ =	sdelay $0x3  }
0x9a: {  	_ =	strace s3  }
0x9b: {  	s3 =	sld [smem:$0x3FFD];
	_ =	sdelay $0x3  }
0x9c: {  	_ =	strace s3  }
0x9d: {  	_ =	strace $0x8FFFFFFF  }
0x9e: {  	s18 =	sld [smem:$0x3FDB];
	_ =	sdelay $0x1  }
0x9f: {  	s19 =	simm.s32 $_scs_section_size  }
0xa0: {  	s5 =	simm.s32 $_size__tile_overlayer_lowered;
	s6 =	simm.s32 $_tile_overlayer_lowered  }
0xa1: {  	s22 =	simm.s32 $0x1BFF;
	s21 =	sshll.u32 s6, $0x1;
	s3 =	sadd.s32 s19, s18  }
0xa2: {  	s7 =	simm.s32 $0x0;
	s20 =	sshll.u32 s5, $0x1;
	s5 =	sadd.s32 s21, s3  }
0xa3: {  	[timem:s7], [sflag:s22] =	dma.local [hbm:s5], s20  }
0xa4: {  	_ =	swait.ge [sflag:s22], s20  }
0xa5: {  	s4 =	ssub.s32 $0x0, s20;
	[sflag:s22] =	ssyncset.done $0x0  }
0xa6: {  	[sflag:s22] =	ssyncadd.s32 s4;
	_ =	sdelay $0x1  }
0xa7: {  	s23 =	simm.s32 $0x1B8B  }
0xa8: {  	_ =	swait.ge [sflag:s23], $0x1  }
0xa9: {  	[sflag:s23] =	ssyncset.done $0x0  }
0xaa: {  	s25 =	simm.s32 $0x1B8E;
	s24 =	sld [smem:$0x3FFE];
	[sflag:s23] =	ssyncadd.s32 $0xFFFFFFFF  }
0xab: {  	s26 =	simm.s32 $execute0_lowered;
	[smem:$0x3FD2] =	sst s25  }
0xac: {  	s5 =	sshll.u32 s26, $0x1;
	_ =	strace $0x80000046;
	[dreg:$0x1] =	wrdreg $0xFFFFFFFF  }
0xad: {  	s28 =	simm.s32 $_size_execute0_lowered;
	s3 =	sadd.s32 s3, s5;
	[dreg:$0x0] =	wrdreg $0x0  }
0xae: {  	s5 =	sshll.u32 s28, $0x1;
	[dreg:$0x2] =	wrdreg s3  }
0xaf: {  	[dreg:$0x3] =	wrdreg s5  }
0xb0: {  	[dreg:$0x4] =	wrdreg $0xC0  }
0xb1: {  	_ =	task [dreg:s7], $0x5FFFF  }
0xb2: {  	[dreg:$0x1] =	wrdreg $0xFFFFFFFF  }
0xb3: {  	[dreg:$0x0] =	wrdreg $0x60  }
0xb4: {  	[dreg:$0x2] =	wrdreg s16  }
0xb5: {  	[dreg:$0x3] =	wrdreg s24  }
0xb6: {  	[dreg:$0x4] =	wrdreg $0x9  }
0xb7: {  	_ =	task.clear_ibuf [dreg:s7], $0x5FFFF;
	_ =	strace $0x90000046  }
0xb8: {  	s29 =	simm.s32 $0x9;
	_ =	strace $0x80000048  }
0xb9: {  	_ =	swait.ge [sflag:s29], $0x1  }
0xba: {  	[sflag:s29] =	ssyncadd.s32 $0xFFFFFFFF  }
0xbb: {  	_ =	strace $0x90000048  }
0xbc: {  	_ =	sfence  }
0xbd: {  	s30 =	sld [smem:$0x0];
	_ =	sdelay $0x2  }
0xbe: {  	s31 =	sshll.u32 s1, $0xD;
	s1 =	sshrl.u32 s1, $0x2  }
0xbf: {  	s3 =	sand.u32 $0x4000, s31;
	s1 =	sadd.s32 s1, s30  }
0xc0: {  	s0 =	sor.u32 s3, s0;
	s1 =	sshll.u32 s1, $0x11  }
0xc1: {  	s0 =	sor.u32 s1, s0  }
0xc2: {  	s0 =	sadd.s32 $0x8F2B, s0  }
0xc3: {  	[sflag:s0] =	ssyncadd.remote.s32 $0x1  }
0xc4: {  	_ =	sfence.sel $0xFFFF  }
0xc5: {  	[dreg:$0x0] =	wrdreg $0xFFFFFFFF;
	(pc) =	sbr.abs _section_cstart, $3  }
0xc6: {  	[dreg:$0x1] =	wrdreg $0xFFFFFFFF  }
0xc7: {  	_ =	task.clear_ibuf [dreg:s7], $0x2FFFF;
	_ =	strace $0x9FFFFFFF  }
0xc8: {  	(tm) =	ssettm $0x7FFFFFFF  }
0xc9: {  	_ =	shalt  }
tec
execute0_lowered:
.L_overlay_start_1:
0x0: {  	(tag) =	ssettag $0x1  }
0x1: {  	s1 =	srdreg.scid;
	s2 =	rddreg [dreg:$0x0]  }
0x2: {  	s0 =	stileid.u32;
	s5 =	rddreg [dreg:$0x1];
	s6 =	simm.s32 $0x1  }
0x3: {  	s9 =	simm.s32 $0x1;
	s10 =	simm.s32 $0x3;
	s1 =	sshll.u32 s1, $0x9  }
0x4: {  	s13 =	simm.s32 $0x0;
	s3 =	sshll.u32 s0, $0xA;
	s4 =	sand.u32 $0x200, s1  }
0x5: {  	s12 =	simm.s32 $0x0;
	s1 =	rddreg [dreg:$0x2];
	s3 =	sor.u32 s3, s4  }
0x6: {  	_ =	strace $0x80000047;
	s4 =	sadd.s32 $0x1600, s5;
	s8 =	ssub.s32 $0x4800, s3  }
.Ltmp0:
0x7: {  	s5 =	sadd.s32 $0x5200, s5;
	s7 =	sand.u32 $0x3E00, s8;
	(pc) =	sbr.rel .LBB2_1-.Ltmp0, $4  }
0x8: {  	[sflag:s6] =	ssyncpa.u1 $0x0;
	s11 =	smov.u32 s3;
	p0 =	sne.s32 s7, $0x0  }
0x9: {  	s8 =	sshrl.u32 s8, $0xE;
	s7 =	simm.s32 $0x2;
	s9 =	simm.s32 @!p0 $0x0  }
0xa: {  	[sflag:s7] =	ssyncpa.u1 $0x0;
	p0 =	por $0x0, $0x0;
	s8 =	sadd.s32 s9, s8  }
0xb: {  	vm0 =	vmmov $0xffff;
	[sflag:s10] =	ssyncpa.u1 $0x0;
	s10 =	simm.s32 $0x0;
	s9 =	sadd.s32 $0x1, s8  }
.LBB2_4:
0xc: {  	vm1 =	veq.s32 v4, $0x80000000;
	v56 =	vand.u32 $0x1, v4;
	v6 =	vand.u32 $0x3FFF, v6  }
0xd: {  	v2 =	vor.u32 v2, v5;
	v59 =	vshrl.u32 v1, $0x1;
	v60 =	vand.u32 $0x1, v1  }
0xe: {  	v4 =	vsel vm1, $0xFFFFFFFF, v56;
	v6 =	vsel vm1, $0xFFFFFFFF, v6;
	v2 =	vor.u32 v3, v2  }
0xf: {  	vm1 =	veq.s32 v1, $0x80000000;
	v5 =	vand.u32 $0x3FFF, v59;
	v7 =	vshrl.u32 v4, $0x1  }
0x10: {  	v57 =	vshll.u32 v6, $0x1;
	v4 =	vshll.u32 v4, $0x7;
	v1 =	vsel vm1, $0xFFFFFFFF, v60  }
0x11: {  	v5 =	vsel vm1, $0xFFFFFFFF, v5;
	v6 =	vand.u32 $0x7F, v6;
	v7 =	vmul.u32 $0x4800, v7  }
0x12: {  	v58 =	vand.u32 $0xFFFFFF00, v57;
	v4 =	vand.u32 $0x80, v4;
	v61 =	vshrl.u32 v1, $0x1  }
0x13: {  	v62 =	vshll.u32 v5, $0x1;
	v3 =	vadd.s32 v7, v58;
	v7 =	vmul.u32 $0x4800, v61  }
0x14: {  	v1 =	vshll.u32 v1, $0x7;
	v3 =	vor.u32 v4, v3;
	v4 =	vand.u32 $0xFFFFFF00, v62  }
0x15: {  	v1 =	vand.u32 $0x80, v1;
	v3 =	vor.u32 v6, v3;
	v4 =	vadd.s32 v7, v4  }
0x16: {  	[tilespmem:s16], [sflag:$0x1] =	stream.indirect_vreg.gather [hbm4b:s2+s10], $0x1, v0, vm0, $0x4038;
	v63 =	vand.u32 $0x7F, v5;
	v1 =	vor.u32 v1, v4;
	[tilespmem:$0x800] =	vst v63  }
0x17: {  	s15 =	sadd.s32 $0x10, s15;
	(ifvalue) =	ssetifvalue $0x7FFFFFFF;
	v0 =	vor.u32 v63, v1  }
0x18: {  	[tilespmem:s15], [sflag:$0x1] =	stream.indirect_vreg.gather [hbm4b:s2+s10], $0x1, v2, vm0, $0x4038;
	[tilespmem:$0x800] =	vst v63  }
0x19: {  	s15 =	sadd.s32 $0x10, s15;
	(ifvalue) =	ssetifvalue $0x7FFFFFFF  }
0x1a: {  	[tilespmem:s15], [sflag:$0x1] =	stream.indirect_vreg.gather [hbm4b:s2+s10], $0x1, v3, vm0, $0x4038;
	[tilespmem:$0x800] =	vst v63  }
0x1b: {  	s15 =	sadd.s32 $0x10, s15;
	(ifvalue) =	ssetifvalue $0x7FFFFFFF  }
0x1c: {  	[tilespmem:s15], [sflag:$0x1] =	stream.indirect_vreg.gather [hbm4b:s2+s10], $0x1, v0, vm0, $0x4038;
	[tilespmem:$0x800] =	vst v63  }
0x1d: {  	_ =	swait.ge [sflag:s6], $0x200  }
0x1e: {  	s30 =	sshrl.u32 s13, $0x3;
	[sflag:s6] =	ssyncset.done $0x0  }
0x1f: {  	s31 =	sand.u32 $0x7, s13;
	s15 =	sadd.s32 s5, s30;
	[sflag:s6] =	ssyncadd.s32 $0xFFFFFE00  }
0x20: {  	[hbm4b:s15+s31] =	stream.linear.scatter [tilespmem:s14], [sflag:$0x3], $0x200, $0x38;
	[tilespmem:$0x800] =	vst v63  }
.LBB2_5:
0x21: {  	s15 =	sadd.s32 $0x4000, s11  }
0x22: {  	p2 =	sgt.s32 s15, $0x47FF  }
0x23: {  	s15 =	smov.u32 @p2 s3;
	p2 =	sne.s32 s12, s9  }
.Ltmp1:
0x24: {  	p1 =	slt.u32 s12, $0x2;
	(pc) =	sbr.rel @!p2 .LBB2_6-.Ltmp1, $4  }
0x25: {  	s14 =	simm.s32 @!p1 $0x3  }
0x26: {  	s16 =	sadd.s32 $0x1, s12;
	_ =	swait.ge @!p1 [sflag:s14], $0x200  }
0x27: {  	s13 =	smov.u32 s11;
	p0 =	por !p0, !p0;
	[sflag:s14] =	ssyncset.done @!p1 $0x0  }
0x28: {  	s12 =	smov.u32 s16;
	s11 =	smov.u32 s15;
	[sflag:s14] =	ssyncadd.s32 @!p1 $0xFFFFFE00  }
.LBB2_1:
0x29: {  	p1 =	sge.u32 s12, s8  }
0x2a: {  	s14 =	sxor.u32 @!p1 $0xFFFFFFFF, s12  }
0x2b: {  	s31 =	sadd.s32 $0xFFFFFFFF, s12;
	s15 =	sshrl.u32 @!p1 s11, $0x3;
	s14 =	sshll.u32 @!p1 s14, $0x9  }
0x2c: {  	s16 =	sand.u32 @!p1 $0x7, s11;
	s15 =	sadd.s32 @!p1 s4, s15;
	s14 =	sand.u32 @!p1 $0x200, s14  }
0x2d: {  	[tilespmem:s14], [sflag:$0x2] =	stream.linear.gather @!p1 [hbm4b:s15+s16], $0x200, $0x38;
	[tilespmem:$0x800] =	vst v63  }
0x2e: {  	p1 =	sge.u32 s31, s8  }
.Ltmp2:
0x2f: {  	_ = 	snop;
	(pc) =	sbr.rel @p1 .LBB2_5-.Ltmp2, $1  }
0x30: {  	_ =	sdelay $0x3  }
0x31: {  	s14 =	simm.s32 $0x1  }
0x32: {  	_ =	swait.ge [sflag:s7], $0x200;
	s14 =	simm.s32 @!p0 $0x0  }
0x33: {  	[sflag:s7] =	ssyncset.done $0x0;
	s14 =	sshll.u32 s14, $0x9  }
0x34: {  	[sflag:s7] =	ssyncadd.s32 $0xFFFFFE00;
	(ifvalue) =	ssetifvalue $0x7FFFFFFF;
	v0 =	vld.msk [tilespmem:s14+$0x0 ss:$0x1], $0xffff  }
0x35: {  	s15 =	sadd.s32 $0x10, s14  }
0x36: {  	v1 =	vld.msk [tilespmem:s15+$0x0 ss:$0x1], $0xffff;
	_ =	sdelay $0x2  }
0x37: {  	v2 =	vshrl.u32 v0, $0x1  }
0x38: {  	vm1 =	veq.s32 v0, $0x80000000;
	v0 =	vand.u32 $0x1, v0;
	v2 =	vand.u32 $0x3FFF, v2  }
0x39: {  	v0 =	vsel vm1, $0xFFFFFFFF, v0;
	v6 =	vshrl.u32 v1, $0x1;
	v2 =	vsel vm1, $0xFFFFFFFF, v2  }
0x3a: {  	v3 =	vshrl.u32 v0, $0x1;
	v0 =	vshll.u32 v0, $0x7;
	vm1 =	veq.s32 v1, $0x80000000  }
0x3b: {  	s15 =	sadd.s32 $0x10, s15;
	v1 =	vand.u32 $0x1, v1;
	v4 =	vshll.u32 v2, $0x1;
	v3 =	vmul.u32 $0x4800, v3  }
0x3c: {  	v0 =	vand.u32 $0x80, v0;
	v7 =	vand.u32 $0x7F, v2;
	v5 =	vand.u32 $0xFFFFFF00, v4;
	v4 =	vld.msk [tilespmem:s15+$0x0 ss:$0x1], $0xffff  }
0x3d: {  	v1 =	vsel vm1, $0xFFFFFFFF, v1;
	v2 =	vadd.s32 v3, v5;
	v3 =	vand.u32 $0x3FFF, v6  }
0x3e: {  	v3 =	vsel vm1, $0xFFFFFFFF, v3;
	v0 =	vor.u32 v0, v2;
	v2 =	vshrl.u32 v1, $0x1  }
0x3f: {  	s16 =	sshll.u32 s12, $0x9;
	s18 =	simm.s32 $0x30;
	v1 =	vshll.u32 v1, $0x7;
	v5 =	vshll.u32 v3, $0x1;
	v8 =	vmul.u32 $0x4800, v2  }
0x40: {  	s31 =	sand.u32 $0x200, s16;
	s17 =	sadd.s32 $0x10, s15;
	s15 =	sor.u32 $0x400, s14;
	v2 =	vand.u32 $0x80, v1;
	v0 =	vor.u32 v7, v0;
	v5 =	vand.u32 $0xFFFFFF00, v5  }
0x41: {  	s14 =	sor.u32 $0x400, s31;
	s16 =	smov.u32 s15;
	v1 =	vld.msk [tilespmem:s17+$0x0 ss:$0x1], $0xffff;
	v3 =	vand.u32 $0x7F, v3;
	(ifvalue) =	ssetifvalue $0x7FFFFFFF;
	v6 =	vshrl.u32 v4, $0x1;
	v5 =	vadd.s32 v8, v5  }
.LBB2_3:
0x42: {  	s18 =	sadd.s32 $0x10, s18  }
0x43: {  	vm1 =	veq.s32 v4, $0x80000000;
	v4 =	vand.u32 $0x1, v4;
	v6 =	vand.u32 $0x3FFF, v6;
	s15 =	sadd.s32 $0x10, s15;
	p1 =	slt.u32 s18, $0x1F0  }
.Ltmp3:
0x44: {  	v5 =	vor.u32 v2, v5;
	v4 =	vsel vm1, $0xFFFFFFFF, v4;
	v7 =	vsel vm1, $0xFFFFFFFF, v6;
	(pc) =	sbr.rel @p1 .LBB2_3-.Ltmp3, $4  }
0x45: {  	v2 =	vshrl.u32 v4, $0x1;
	v6 =	vshll.u32 v7, $0x1;
	v4 =	vshll.u32 v4, $0x7;
	[tilespmem:s16], [sflag:$0x1] =	stream.indirect_vreg.gather [hbm4b:s2+s10], $0x1, v0, vm0, $0x4038;
	[tilespmem:$0x800] =	vst v63  }
0x46: {  	v0 =	vor.u32 v3, v5;
	s16 =	smov.u32 s15;
	v8 =	vmul.u32 $0x4800, v2;
	v2 =	vand.u32 $0x80, v4  }
0x47: {  	s17 =	sadd.s32 $0x10, s17;
	v9 =	vand.u32 $0xFFFFFF00, v6  }
0x48: {  	v3 =	vand.u32 $0x7F, v7;
	v6 =	vshrl.u32 v1, $0x1;
	v5 =	vadd.s32 v8, v9;
	(ifvalue) =	ssetifvalue $0x7FFFFFFF;
	v4 =	vmovc v1;
	v1 =	vld.msk [tilespmem:s17+$0x0 ss:$0x1], $0xffff  }
.Ltmp4:
0x49: {  	_ = 	snop;
	(pc) =	sbr.rel .LBB2_4-.Ltmp4, $1  }
0x4a: {  	_ =	sdelay $0x3  }
.LBB2_6:
0x4b: {  	_ =	sfence.sel $0x180000  }
0x4c: {  	s2 =	simm.s32 $0x2;
	[bflag:$0x0] =	sbarrier.arrive $0xFFFF  }
0x4d: {  	s30 =	simm.s32 $0x3;
	[sflag:s2] =	ssyncpa.u1 $0x1  }
0x4e: {  	s31 =	simm.s32 $0x1;
	[sflag:s30] =	ssyncpa.u1 $0x1  }
0x4f: {  	[sflag:s31] =	ssyncpa.u1 $0x1  }
0x50: {  	p0 =	sne.s32 s0, $0x0;
	_ =	strace $0x90000047  }
0x51: {  	s0 =	sadd.s32 @!p0 $0x100000, s1;
	[bflag:$0x2] =	sbarrier.arrive $0xFFFF  }
0x52: {  	[sflag:s0] =	ssyncadd.tile.s32 @!p0 $0x1;
	_ =	shalt  }
.Lfunc_end2:
_tile_overlayer_lowered:
.L_overlay_start_2:
0x53: {  	(tag) =	ssettag $0x2  }
0x54: {  	s0 =	rddreg [dreg:$0x0];
	s2 =	stileid.u32  }
0x55: {  	s1 =	rddreg [dreg:$0x1];
	p0 =	sne.s32 s2, $0x0  }
0x56: {  	s3 =	rddreg [dreg:$0x2];
	[bflag:$0x3] =	sbarrier.arrive $0xFFFF;
	s2 =	simm.s32 @!p0 $0x1C01  }
0x57: {  	[timem:s3], [sflag:s2] =	dma.local @!p0 [hbm:s0], s1  }
0x58: {  	s0 =	simm.s32 @!p0 $0x1  }
0x59: {  	_ =	swait.ge @!p0 [sflag:s0], s1  }
0x5a: {  	s1 =	ssub.s32 @!p0 $0x0, s1;
	[sflag:s0] =	ssyncset.done @!p0 $0x0  }
0x5b: {  	[sflag:s0] =	ssyncadd.s32 @!p0 s1  }
0x5c: {  	[bflag:$0x3] =	sbarrier.arrive $0xFFFF  }
0x5d: {  	_ =	shalt  }

// kernel: gather_offload_async_start.5
scs
__scs_entry_jumppad:
0x0: {  	(pc) =	sbr.rel $0x88, $3  }
0x1: {  	(tag) =	ssettag $0x0;
	lr =	simm.s32 $0x1  }
0x2: {  	[smem:$0x3F98] =	sst lr;
	_ =	strace $0xD0000000  }
0x3: {  	_ = 	snop  }
0x4: {  	_ = 	snop  }
0x5: {  	_ = 	snop  }
0x6: {  	_ = 	snop  }
0x7: {  	_ = 	snop  }
__scs_overlays_trampoline_lowered:
0x8: {  	[smem:$0x3FA7] =	sst s0  }
0x9: {  	[smem:$0x3FA8] =	sst s1  }
0xa: {  	[smem:$0x3FA9] =	sst s2  }
0xb: {  	[smem:$0x3FAA] =	sst s3  }
0xc: {  	[smem:$0x3FAB] =	sst s4  }
0xd: {  	[smem:$0x3FAC] =	sst s5  }
0xe: {  	[smem:$0x3FAD] =	sst s6  }
0xf: {  	[smem:$0x3FAE] =	sst s7  }
0x10: {  	[smem:$0x3FAF] =	sst s8  }
0x11: {  	[smem:$0x3FB0] =	sst s9;
	s0 =	simm.s32 @!p0 $0x0  }
0x12: {  	s1 =	sld [smem:$0x3F96];
	s0 =	simm.s32 @p0 $0x1  }
0x13: {  	[smem:$0x3FB1] =	sst s0;
	s0 =	simm.s32 @!p1 $0x0  }
0x14: {  	s2 =	sld [smem:$0x3F95];
	s0 =	simm.s32 @p1 $0x1  }
0x15: {  	[smem:$0x3FB2] =	sst s0;
	s0 =	simm.s32 @!p2 $0x0  }
0x16: {  	s3 =	sld [smem:$0x3FDB];
	s0 =	simm.s32 @p2 $0x1  }
0x17: {  	s4 =	simm.s32 $0x1BF5;
	[smem:$0x3FB4] =	sst s0  }
0x18: {  	s0 =	sld [smem:$0x3F97];
	_ =	swait.ge [sflag:s4], $0x0  }
0x19: {  	s7 =	sld [smem:$0x3F98]  }
0x1a: {  	s8 =	sadd.s32 $0xFFFFE003, lr  }
0x1b: {  	s9 =	sadd.s32 $0xFFFFFEF7, lr;
	s5 =	simm.s32 $0xFFFFFFFF;
	p2 =	slt.u32 s8, $0xFFFFF086  }
0x1c: {  	p1 =	slt.u32 s9, $0xF7A;
	s5 =	simm.s32 @!p2 $0x0  }
0x1d: {  	s5 =	simm.s32 @p1 $0x1;
	p0 =	seq.s32 s7, s2  }
0x1e: {  	s7 =	smul.u32 @!p0 $0xF7A, s2;
	p2 =	seq.s32 @!p0 s5, $0x0  }
0x1f: {  	s9 =	smul.u32 $0xF7A, s1;
	s8 =	simm.s32 @!p0 $0x1BF5;
	p2 =	por !p2, p0  }
0x20: {  	[sflag:s8] =	ssyncset.s32 @!p0 $0xFFFFF086;
	s6 =	sadd.s32 @!p0 s3, s7;
	s7 =	simm.s32 @!p0 $0x108  }
0x21: {  	s3 =	sadd.s32 s3, s9;
	s6 =	sadd.s32 @!p0 $0x88, s6;
	s7 =	simm.s32 @p2 $0x1082  }
0x22: {  	[simem:s7], [sflag:s8] =	dma.local @!p0 [hbm:s6], $0xF7A  }
0x23: {  	s9 =	sor.u32 $0xD0000000, s2;
	s6 =	simm.s32 $0x108;
	_ =	swait.ge @!p0 [sflag:s8], $0x0  }
0x24: {  	s3 =	sadd.s32 $0x88, s3;
	s6 =	simm.s32 @!p1 $0x1082;
	[sflag:s4] =	ssyncset.s32 $0xFFFFF086  }
0x25: {  	[simem:s6], [sflag:s4] =	dma.local [hbm:s3], $0xF7A  }
0x26: {  	[smem:$0x3F98] =	sst s1;
	(tag) =	ssettag s2;
	_ =	strace s9  }
0x27: {  	s1 =	sld [smem:$0x3FA8]  }
0x28: {  	s2 =	sld [smem:$0x3FA9]  }
0x29: {  	s4 =	sld [smem:$0x3FAB]  }
0x2a: {  	p0 =	seq.s32 s5, $0x0;
	s5 =	sld [smem:$0x3FAC]  }
0x2b: {  	s6 =	sld [smem:$0x3FAD]  }
0x2c: {  	s7 =	sld [smem:$0x3FAE]  }
0x2d: {  	s3 =	simm.s32 $0x108;
	s8 =	sld [smem:$0x3FAF]  }
0x2e: {  	s3 =	simm.s32 @!p0 $0x1082;
	s9 =	sld [smem:$0x3FB0]  }
0x2f: {  	lr =	sadd.s32 s0, s3;
	s0 =	sld [smem:$0x3FA7]  }
0x30: {  	s3 =	sld [smem:$0x3FAA]  }
0x31: {  	[smem:$0x3FB3] =	sst s10  }
0x32: {  	s10 =	sld [smem:$0x3FB1];
	_ =	sdelay $0x3  }
0x33: {  	p0 =	seq.s32 s10, $0x1;
	s10 =	sld [smem:$0x3FB3];
	_ =	sdelay $0x3  }
0x34: {  	[smem:$0x3FB3] =	sst s10  }
0x35: {  	s10 =	sld [smem:$0x3FB2];
	_ =	sdelay $0x3  }
0x36: {  	p1 =	seq.s32 s10, $0x1;
	s10 =	sld [smem:$0x3FB3];
	_ =	sdelay $0x3  }
0x37: {  	[smem:$0x3FB3] =	sst s10  }
0x38: {  	s10 =	sld [smem:$0x3FB4]  }
0x39: {  	_ = 	snop;
	(pc) =	sbr.ind lr, $3  }
0x3a: {  	_ = 	snop  }
0x3b: {  	_ = 	snop  }
0x3c: {  	p2 =	seq.s32 s10, $0x1;
	s10 =	sld [smem:$0x3FB3]  }
0x3d: {  	_ =	shalt  }
0x3e: {  	_ =	shalt  }
0x3f: {  	_ =	shalt  }
0x40: {  	_ =	shalt  }
0x41: {  	_ =	shalt  }
0x42: {  	_ =	shalt  }
0x43: {  	_ =	shalt  }
0x44: {  	_ =	shalt  }
0x45: {  	_ =	shalt  }
0x46: {  	_ =	shalt  }
0x47: {  	_ =	shalt  }
0x48: {  	_ =	shalt  }
0x49: {  	_ =	shalt  }
0x4a: {  	_ =	shalt  }
0x4b: {  	_ =	shalt  }
0x4c: {  	_ =	shalt  }
0x4d: {  	_ =	shalt  }
0x4e: {  	_ =	shalt  }
0x4f: {  	_ =	shalt  }
0x50: {  	_ =	shalt  }
0x51: {  	_ =	shalt  }
0x52: {  	_ =	shalt  }
0x53: {  	_ =	shalt  }
0x54: {  	_ =	shalt  }
0x55: {  	_ =	shalt  }
0x56: {  	_ =	shalt  }
0x57: {  	_ =	shalt  }
0x58: {  	_ =	shalt  }
0x59: {  	_ =	shalt  }
0x5a: {  	_ =	shalt  }
0x5b: {  	_ =	shalt  }
0x5c: {  	_ =	shalt  }
0x5d: {  	_ =	shalt  }
0x5e: {  	_ =	shalt  }
0x5f: {  	_ =	shalt  }
0x60: {  	_ =	shalt  }
0x61: {  	_ =	shalt  }
0x62: {  	_ =	shalt  }
0x63: {  	_ =	shalt  }
0x64: {  	_ =	shalt  }
0x65: {  	_ =	shalt  }
0x66: {  	_ =	shalt  }
0x67: {  	_ =	shalt  }
0x68: {  	_ =	shalt  }
0x69: {  	_ =	shalt  }
0x6a: {  	_ =	shalt  }
0x6b: {  	_ =	shalt  }
0x6c: {  	_ =	shalt  }
0x6d: {  	_ =	shalt  }
0x6e: {  	_ =	shalt  }
0x6f: {  	_ =	shalt  }
0x70: {  	_ =	shalt  }
0x71: {  	_ =	shalt  }
0x72: {  	_ =	shalt  }
0x73: {  	_ =	shalt  }
0x74: {  	_ =	shalt  }
0x75: {  	_ =	shalt  }
0x76: {  	_ =	shalt  }
0x77: {  	_ =	shalt  }
0x78: {  	_ =	shalt  }
0x79: {  	_ =	shalt  }
0x7a: {  	_ =	shalt  }
0x7b: {  	_ =	shalt  }
0x7c: {  	_ =	shalt  }
0x7d: {  	_ =	shalt  }
0x7e: {  	_ =	shalt  }
0x7f: {  	_ =	shalt  }
0x80: {  	_ =	shalt  }
0x81: {  	_ =	shalt  }
0x82: {  	_ =	shalt  }
0x83: {  	_ =	shalt  }
0x84: {  	_ =	shalt  }
0x85: {  	_ =	shalt  }
0x86: {  	_ =	shalt  }
0x87: {  	_ =	shalt  }
.Lfunc_end0:
.L_simem_size_0:
called_computation.5_lowered:
.L_overlay_start_0:
0x88: {  	s0 =	sld [smem:$0x3FD9]  }
0x89: {  	s1 =	sld [smem:$0x3FFE];
	_ =	sdelay $0x3  }
0x8a: {  	s0 =	sadd.s32 s1, s0  }
0x8b: {  	[smem:$0x3FBF] =	sst s0  }
0x8c: {  	_ = 	snop  }
0x8d: {  	s0 =	sld [smem:$0x3FD0];
	_ =	sdelay $0x2  }
0x8e: {  	s13 =	simm.s32 $0xB;
	s2 =	simm.s32 $0x10  }
0x8f: {  	[smem:s2], [sflag:s13] =	dma.local [hbm:s0], $0x1  }
0x90: {  	_ =	swait.eq [sflag:s13], $0x1  }
0x91: {  	[sflag:s13] =	ssyncset.done $0x0  }
0x92: {  	s14 =	sld [smem:$0x12];
	[sflag:s13] =	ssyncadd.s32 $0xFFFFFFFF  }
0x93: {  	s15 =	sld [smem:$0x14];
	(tm) =	ssettm $0x1  }
0x94: {  	s16 =	sld [smem:$0x3FFB];
	_ =	sdelay $0x3  }
0x95: {  	_ =	strace s16  }
0x96: {  	s2 =	sld [smem:$0x3FFC];
	_ =	sdelay $0x3  }
0x97: {  	_ =	strace s2  }
0x98: {  	s2 =	sld [smem:$0x3FFD];
	_ =	sdelay $0x3  }
0x99: {  	_ =	strace s2  }
0x9a: {  	_ =	strace $0x8FFFFFFF  }
0x9b: {  	s17 =	sld [smem:$0x3FDB];
	_ =	sdelay $0x1  }
0x9c: {  	s3 =	simm.s32 $_scs_section_size  }
0x9d: {  	s4 =	simm.s32 $_size__tile_overlayer_lowered;
	s5 =	simm.s32 $_tile_overlayer_lowered  }
0x9e: {  	s20 =	simm.s32 $0x1BFF;
	s19 =	sshll.u32 s5, $0x1;
	s2 =	sadd.s32 s3, s17  }
0x9f: {  	s6 =	simm.s32 $0x0;
	s18 =	sshll.u32 s4, $0x1;
	s4 =	sadd.s32 s19, s2  }
0xa0: {  	[timem:s6], [sflag:s20] =	dma.local [hbm:s4], s18  }
0xa1: {  	_ =	swait.ge [sflag:s20], s18  }
0xa2: {  	s3 =	ssub.s32 $0x0, s18;
	[sflag:s20] =	ssyncset.done $0x0  }
0xa3: {  	[sflag:s20] =	ssyncadd.s32 s3;
	_ =	sdelay $0x1  }
0xa4: {  	s21 =	simm.s32 $0x1B8B  }
0xa5: {  	_ =	swait.ge [sflag:s21], $0x1  }
0xa6: {  	[sflag:s21] =	ssyncset.done $0x0  }
0xa7: {  	s23 =	simm.s32 $0x1B8E;
	s22 =	sld [smem:$0x3FFE];
	[sflag:s21] =	ssyncadd.s32 $0xFFFFFFFF  }
0xa8: {  	s24 =	simm.s32 $execute0_lowered;
	[smem:$0x3FD2] =	sst s23  }
0xa9: {  	s4 =	sshll.u32 s24, $0x1;
	_ =	strace $0x80000055;
	[dreg:$0x1] =	wrdreg $0xFFFFFFFF  }
0xaa: {  	s25 =	simm.s32 $_size_execute0_lowered;
	s2 =	sadd.s32 s2, s4;
	[dreg:$0x0] =	wrdreg $0x0  }
0xab: {  	s4 =	sshll.u32 s25, $0x1;
	[dreg:$0x2] =	wrdreg s2  }
0xac: {  	[dreg:$0x3] =	wrdreg s4  }
0xad: {  	[dreg:$0x4] =	wrdreg $0xC0  }
0xae: {  	_ =	task [dreg:s6], $0x5FFFF  }
0xaf: {  	[dreg:$0x1] =	wrdreg $0xFFFFFFFF  }
0xb0: {  	[dreg:$0x0] =	wrdreg $0x60  }
0xb1: {  	[dreg:$0x2] =	wrdreg s22  }
0xb2: {  	[dreg:$0x3] =	wrdreg s14  }
0xb3: {  	[dreg:$0x4] =	wrdreg s15  }
0xb4: {  	[dreg:$0x5] =	wrdreg $0x9  }
0xb5: {  	_ =	task.clear_ibuf [dreg:s6], $0x6FFFF;
	_ =	strace $0x90000055  }
0xb6: {  	s26 =	simm.s32 $0x9;
	_ =	strace $0x80000057  }
0xb7: {  	_ =	swait.ge [sflag:s26], $0x1  }
0xb8: {  	[sflag:s26] =	ssyncadd.s32 $0xFFFFFFFF  }
0xb9: {  	_ =	strace $0x90000057  }
0xba: {  	_ =	sfence  }
0xbb: {  	s28 =	sld [smem:$0x0];
	_ =	sdelay $0x1  }
0xbc: {  	s29 =	srdreg.scid  }
0xbd: {  	s30 =	sshll.u32 s29, $0xD;
	s31 =	sshrl.u32 s29, $0x2  }
0xbe: {  	s1 =	sand.u32 $0x1, s29;
	s2 =	sand.u32 $0x4000, s30;
	s0 =	sadd.s32 s31, s28  }
0xbf: {  	s1 =	sor.u32 s2, s1;
	s0 =	sshll.u32 s0, $0x11  }
0xc0: {  	s0 =	sor.u32 s0, s1  }
0xc1: {  	s0 =	sadd.s32 $0x8F2B, s0  }
0xc2: {  	[sflag:s0] =	ssyncadd.remote.s32 $0x1  }
0xc3: {  	_ =	sfence.sel $0xFFFF  }
0xc4: {  	[dreg:$0x0] =	wrdreg $0xFFFFFFFF;
	(pc) =	sbr.abs _section_cstart, $3  }
0xc5: {  	[dreg:$0x1] =	wrdreg $0xFFFFFFFF  }
0xc6: {  	_ =	task.clear_ibuf [dreg:s6], $0x2FFFF;
	_ =	strace $0x9FFFFFFF  }
0xc7: {  	(tm) =	ssettm $0x7FFFFFFF  }
tec
execute0_lowered:
.L_overlay_start_1:
0x0: {  	(tag) =	ssettag $0x1  }
0x1: {  	s8 =	rddreg [dreg:$0x0]  }
0x2: {  	s2 =	rddreg [dreg:$0x1]  }
0x3: {  	s3 =	rddreg [dreg:$0x2]  }
0x4: {  	s0 =	rddreg [dreg:$0x3];
	_ =	strace $0x80000056;
	s4 =	simm.s32 $0x1  }
0x5: {  	s1 =	stileid.u32;
	s7 =	simm.s32 $0x1;
	s9 =	simm.s32 $0x1  }
0x6: {  	s6 =	simm.s32 $0x2;
	s10 =	simm.s32 $0x3;
	s13 =	simm.s32 $0x0  }
.Ltmp0:
0x7: {  	s12 =	simm.s32 $0x0;
	p0 =	slt.u32 s1, $0xA;
	(pc) =	sbr.rel .LBB2_1-.Ltmp0, $4  }
0x8: {  	[sflag:s4] =	ssyncpa.u1 $0x0;
	s7 =	simm.s32 @!p0 $0x0;
	p0 =	sne.s32 s1, $0x9  }
0x9: {  	s5 =	smul.u32 $0x30, s1;
	[sflag:s6] =	ssyncpa.u1 $0x0;
	s9 =	simm.s32 @!p0 $0x0  }
0xa: {  	s8 =	sadd.s32 $0xC00, s8;
	[sflag:s10] =	ssyncpa.u1 $0x0;
	s7 =	sadd.s32 s9, s7  }
0xb: {  	vm0 =	vmmov $0xffff;
	s10 =	simm.s32 $0x0;
	s11 =	smov.u32 s5;
	s9 =	sadd.s32 $0x1, s7  }
.LBB2_4:
0xc: {  	v3 =	vmul.u32 $0x4800, v3;
	v4 =	vshll.u32 v1, $0x1  }
0xd: {  	v2 =	vshll.u32 v2, $0x7;
	v4 =	vand.u32 $0xFFFFFF00, v4  }
0xe: {  	v2 =	vand.u32 $0x80, v2;
	v3 =	vadd.s32 v3, v4  }
0xf: {  	v63 =	vand.u32 $0x7F, v1;
	v2 =	vor.u32 v2, v3  }
0x10: {  	v1 =	vor.u32 v63, v2;
	_ =	sdelay $0x2  }
0x11: {  	[tilespmem:s15], [sflag:$0x1] =	stream.indirect_vreg.gather [hbm4b:s8+s10], $0x1, v0, vm0, $0x4038;
	[tilespmem:$0xC0] =	vst v63  }
0x12: {  	(ifvalue) =	ssetifvalue $0x7FFFFFFF;
	s29 =	sadd.s32 $0x10, s15  }
0x13: {  	[tilespmem:s29], [sflag:$0x1] =	stream.indirect_vreg.gather [hbm4b:s8+s10], $0x1, v1, vm0, $0x4038;
	[tilespmem:$0xC0] =	vst v63  }
0x14: {  	_ =	swait.ge [sflag:s4], $0x30  }
0x15: {  	s30 =	sshrl.u32 s13, $0x3;
	[sflag:s4] =	ssyncset.done $0x0  }
0x16: {  	s31 =	sand.u32 $0x7, s13;
	s15 =	sadd.s32 s3, s30;
	[sflag:s4] =	ssyncadd.s32 $0xFFFFFFD0  }
0x17: {  	[hbm4b:s15+s31] =	stream.linear.scatter [tilespmem:s14], [sflag:$0x3], $0x30, $0x38;
	[tilespmem:$0xC0] =	vst v63  }
.LBB2_5:
0x18: {  	s15 =	sadd.s32 $0x300, s11  }
0x19: {  	p1 =	sgt.s32 s15, $0x4AF  }
0x1a: {  	s15 =	smov.u32 @p1 s5;
	p1 =	sne.s32 s12, s9  }
.Ltmp1:
0x1b: {  	p0 =	slt.u32 s12, $0x2;
	(pc) =	sbr.rel @!p1 .LBB2_6-.Ltmp1, $4  }
0x1c: {  	s14 =	simm.s32 @!p0 $0x3  }
0x1d: {  	_ =	swait.ge @!p0 [sflag:s14], $0x30  }
0x1e: {  	s16 =	sadd.s32 $0x1, s12;
	s13 =	smov.u32 s11;
	[sflag:s14] =	ssyncset.done @!p0 $0x0  }
0x1f: {  	s12 =	smov.u32 s16;
	s11 =	smov.u32 s15;
	[sflag:s14] =	ssyncadd.s32 @!p0 $0xFFFFFFD0  }
.LBB2_1:
0x20: {  	p0 =	sge.u32 s12, s7  }
0x21: {  	s14 =	sxor.u32 @!p0 $0x1, s12  }
0x22: {  	s14 =	smul.u32 @!p0 $0xC0, s14  }
0x23: {  	s31 =	sadd.s32 $0xFFFFFFFF, s12;
	s15 =	sshrl.u32 @!p0 s11, $0x3  }
0x24: {  	s16 =	sand.u32 @!p0 $0x7, s11;
	s15 =	sadd.s32 @!p0 s2, s15;
	s14 =	sshra.s32 @!p0 s14, $0x2  }
0x25: {  	[tilespmem:s14], [sflag:$0x2] =	stream.linear.gather @!p0 [hbm4b:s15+s16], $0x30, $0x38;
	[tilespmem:$0xC0] =	vst v63  }
0x26: {  	p0 =	sge.u32 s31, s7  }
.Ltmp2:
0x27: {  	_ = 	snop;
	(pc) =	sbr.rel @p0 .LBB2_5-.Ltmp2, $1  }
0x28: {  	_ =	sdelay $0x3  }
0x29: {  	s14 =	sand.u32 $0x1, s12  }
0x2a: {  	_ =	swait.ge [sflag:s6], $0x30;
	p0 =	seq.s32 s14, $0x1;
	s14 =	simm.s32 $0x30  }
0x2b: {  	[sflag:s6] =	ssyncset.done $0x0;
	s14 =	simm.s32 @!p0 $0x0  }
0x2c: {  	[sflag:s6] =	ssyncadd.s32 $0xFFFFFFD0;
	(ifvalue) =	ssetifvalue $0x7FFFFFFF;
	v0 =	vld.msk [tilespmem:s14+$0x0 ss:$0x1], $0xffff;
	_ =	sdelay $0x4  }
0x2d: {  	vm1 =	veq.s32 v0, $0x80000000;
	v1 =	vand.u32 $0x1, v0;
	v0 =	vshrl.u32 v0, $0x1  }
0x2e: {  	v1 =	vsel vm1, $0xFFFFFFFF, v1;
	v0 =	vand.u32 $0x3FFF, v0  }
0x2f: {  	v0 =	vsel vm1, $0xFFFFFFFF, v0;
	v2 =	vshrl.u32 v1, $0x1  }
0x30: {  	s15 =	sadd.s32 $0x10, s14;
	v2 =	vmul.u32 $0x4800, v2;
	v4 =	vshll.u32 v0, $0x1  }
0x31: {  	v3 =	vld.msk [tilespmem:s15+$0x0 ss:$0x1], $0xffff;
	v1 =	vshll.u32 v1, $0x7;
	v4 =	vand.u32 $0xFFFFFF00, v4  }
0x32: {  	v1 =	vand.u32 $0x80, v1;
	v2 =	vadd.s32 v2, v4  }
0x33: {  	v0 =	vand.u32 $0x7F, v0;
	v1 =	vor.u32 v1, v2  }
0x34: {  	v0 =	vor.u32 v0, v1;
	_ =	sdelay $0x1  }
0x35: {  	vm1 =	veq.s32 v3, $0x80000000;
	v2 =	vand.u32 $0x1, v3;
	v3 =	vshrl.u32 v3, $0x1  }
0x36: {  	s16 =	simm.s32 $0x10;
	s14 =	sadd.s32 $0x60, s14;
	v2 =	vsel vm1, $0xFFFFFFFF, v2;
	v3 =	vand.u32 $0x3FFF, v3  }
0x37: {  	s17 =	sadd.s32 $0x10, s15;
	(ifvalue) =	ssetifvalue $0x7FFFFFFF;
	s15 =	smov.u32 s14;
	v1 =	vsel vm1, $0xFFFFFFFF, v3;
	v3 =	vshrl.u32 v2, $0x1  }
.LBB2_3:
0x38: {  	v4 =	vld.msk [tilespmem:s17+$0x0 ss:$0x1], $0xffff;
	v3 =	vmul.u32 $0x4800, v3;
	v5 =	vshll.u32 v1, $0x1;
	[tilespmem:s15], [sflag:$0x1] =	stream.indirect_vreg.gather [hbm4b:s8+s10], $0x1, v0, vm0, $0x4038  }
0x39: {  	s16 =	sadd.s32 $0x10, s16;
	v2 =	vshll.u32 v2, $0x7;
	v0 =	vand.u32 $0xFFFFFF00, v5  }
0x3a: {  	p0 =	slt.u32 s16, $0x20;
	v2 =	vand.u32 $0x80, v2;
	v0 =	vadd.s32 v3, v0  }
0x3b: {  	v1 =	vand.u32 $0x7F, v1;
	v0 =	vor.u32 v2, v0  }
.Ltmp3:
0x3c: {  	v0 =	vor.u32 v1, v0;
	(pc) =	sbr.rel @p0 .LBB2_3-.Ltmp3, $4  }
0x3d: {  	_ = 	snop  }
0x3e: {  	vm1 =	veq.s32 v4, $0x80000000;
	v1 =	vand.u32 $0x1, v4;
	v3 =	vshrl.u32 v4, $0x1  }
0x3f: {  	v2 =	vsel vm1, $0xFFFFFFFF, v1;
	v1 =	vand.u32 $0x3FFF, v3  }
0x40: {  	s17 =	sadd.s32 $0x10, s17;
	s15 =	sadd.s32 $0x10, s15;
	v1 =	vsel vm1, $0xFFFFFFFF, v1;
	v3 =	vshrl.u32 v2, $0x1;
	(ifvalue) =	ssetifvalue $0x7FFFFFFF  }
.Ltmp4:
0x41: {  	_ = 	snop;
	(pc) =	sbr.rel .LBB2_4-.Ltmp4, $1  }
0x42: {  	_ =	sdelay $0x3  }
.LBB2_6:
0x43: {  	_ =	sfence.sel $0x180000  }
0x44: {  	s2 =	simm.s32 $0x2;
	[bflag:$0x0] =	sbarrier.arrive $0xFFFF  }
0x45: {  	s30 =	simm.s32 $0x3;
	[sflag:s2] =	ssyncpa.u1 $0x1  }
0x46: {  	s31 =	simm.s32 $0x1;
	[sflag:s30] =	ssyncpa.u1 $0x1  }
0x47: {  	[sflag:s31] =	ssyncpa.u1 $0x1  }
0x48: {  	p0 =	sne.s32 s1, $0x0;
	_ =	strace $0x90000056  }
0x49: {  	s0 =	sadd.s32 @!p0 $0x100000, s0;
	[bflag:$0x2] =	sbarrier.arrive $0xFFFF  }
0x4a: {  	[sflag:s0] =	ssyncadd.tile.s32 @!p0 $0x1;
	_ =	shalt  }
.Lfunc_end2:
_tile_overlayer_lowered:
.L_overlay_start_2:
0x4b: {  	(tag) =	ssettag $0x2  }
0x4c: {  	s0 =	rddreg [dreg:$0x0];
	s2 =	stileid.u32  }
0x4d: {  	s1 =	rddreg [dreg:$0x1];
	p0 =	sne.s32 s2, $0x0  }
0x4e: {  	s3 =	rddreg [dreg:$0x2];
	[bflag:$0x3] =	sbarrier.arrive $0xFFFF;
	s2 =	simm.s32 @!p0 $0x1C01  }
0x4f: {  	[timem:s3], [sflag:s2] =	dma.local @!p0 [hbm:s0], s1  }
0x50: {  	s0 =	simm.s32 @!p0 $0x1  }
0x51: {  	_ =	swait.ge @!p0 [sflag:s0], s1  }
0x52: {  	s1 =	ssub.s32 @!p0 $0x0, s1;
	[sflag:s0] =	ssyncset.done @!p0 $0x0  }
0x53: {  	[sflag:s0] =	ssyncadd.s32 @!p0 s1  }
0x54: {  	[bflag:$0x3] =	sbarrier.arrive $0xFFFF  }
0x55: {  	_ =	shalt  }

// kernel: gather_offload_async_start.6
scs
__scs_entry_jumppad:
0x0: {  	(pc) =	sbr.rel $0x88, $3  }
0x1: {  	(tag) =	ssettag $0x0;
	lr =	simm.s32 $0x1  }
0x2: {  	[smem:$0x3F98] =	sst lr;
	_ =	strace $0xD0000000  }
0x3: {  	_ = 	snop  }
0x4: {  	_ = 	snop  }
0x5: {  	_ = 	snop  }
0x6: {  	_ = 	snop  }
0x7: {  	_ = 	snop  }
__scs_overlays_trampoline_lowered:
0x8: {  	[smem:$0x3FA7] =	sst s0  }
0x9: {  	[smem:$0x3FA8] =	sst s1  }
0xa: {  	[smem:$0x3FA9] =	sst s2  }
0xb: {  	[smem:$0x3FAA] =	sst s3  }
0xc: {  	[smem:$0x3FAB] =	sst s4  }
0xd: {  	[smem:$0x3FAC] =	sst s5  }
0xe: {  	[smem:$0x3FAD] =	sst s6  }
0xf: {  	[smem:$0x3FAE] =	sst s7  }
0x10: {  	[smem:$0x3FAF] =	sst s8  }
0x11: {  	[smem:$0x3FB0] =	sst s9;
	s0 =	simm.s32 @!p0 $0x0  }
0x12: {  	s1 =	sld [smem:$0x3F96];
	s0 =	simm.s32 @p0 $0x1  }
0x13: {  	[smem:$0x3FB1] =	sst s0;
	s0 =	simm.s32 @!p1 $0x0  }
0x14: {  	s2 =	sld [smem:$0x3F95];
	s0 =	simm.s32 @p1 $0x1  }
0x15: {  	[smem:$0x3FB2] =	sst s0;
	s0 =	simm.s32 @!p2 $0x0  }
0x16: {  	s3 =	sld [smem:$0x3FDB];
	s0 =	simm.s32 @p2 $0x1  }
0x17: {  	s4 =	simm.s32 $0x1BF5;
	[smem:$0x3FB4] =	sst s0  }
0x18: {  	s0 =	sld [smem:$0x3F97];
	_ =	swait.ge [sflag:s4], $0x0  }
0x19: {  	s7 =	sld [smem:$0x3F98]  }
0x1a: {  	s8 =	sadd.s32 $0xFFFFE003, lr  }
0x1b: {  	s9 =	sadd.s32 $0xFFFFFEF7, lr;
	s5 =	simm.s32 $0xFFFFFFFF;
	p2 =	slt.u32 s8, $0xFFFFF086  }
0x1c: {  	p1 =	slt.u32 s9, $0xF7A;
	s5 =	simm.s32 @!p2 $0x0  }
0x1d: {  	s5 =	simm.s32 @p1 $0x1;
	p0 =	seq.s32 s7, s2  }
0x1e: {  	s7 =	smul.u32 @!p0 $0xF7A, s2;
	p2 =	seq.s32 @!p0 s5, $0x0  }
0x1f: {  	s9 =	smul.u32 $0xF7A, s1;
	s8 =	simm.s32 @!p0 $0x1BF5;
	p2 =	por !p2, p0  }
0x20: {  	[sflag:s8] =	ssyncset.s32 @!p0 $0xFFFFF086;
	s6 =	sadd.s32 @!p0 s3, s7;
	s7 =	simm.s32 @!p0 $0x108  }
0x21: {  	s3 =	sadd.s32 s3, s9;
	s6 =	sadd.s32 @!p0 $0x88, s6;
	s7 =	simm.s32 @p2 $0x1082  }
0x22: {  	[simem:s7], [sflag:s8] =	dma.local @!p0 [hbm:s6], $0xF7A  }
0x23: {  	s9 =	sor.u32 $0xD0000000, s2;
	s6 =	simm.s32 $0x108;
	_ =	swait.ge @!p0 [sflag:s8], $0x0  }
0x24: {  	s3 =	sadd.s32 $0x88, s3;
	s6 =	simm.s32 @!p1 $0x1082;
	[sflag:s4] =	ssyncset.s32 $0xFFFFF086  }
0x25: {  	[simem:s6], [sflag:s4] =	dma.local [hbm:s3], $0xF7A  }
0x26: {  	[smem:$0x3F98] =	sst s1;
	(tag) =	ssettag s2;
	_ =	strace s9  }
0x27: {  	s1 =	sld [smem:$0x3FA8]  }
0x28: {  	s2 =	sld [smem:$0x3FA9]  }
0x29: {  	s4 =	sld [smem:$0x3FAB]  }
0x2a: {  	p0 =	seq.s32 s5, $0x0;
	s5 =	sld [smem:$0x3FAC]  }
0x2b: {  	s6 =	sld [smem:$0x3FAD]  }
0x2c: {  	s7 =	sld [smem:$0x3FAE]  }
0x2d: {  	s3 =	simm.s32 $0x108;
	s8 =	sld [smem:$0x3FAF]  }
0x2e: {  	s3 =	simm.s32 @!p0 $0x1082;
	s9 =	sld [smem:$0x3FB0]  }
0x2f: {  	lr =	sadd.s32 s0, s3;
	s0 =	sld [smem:$0x3FA7]  }
0x30: {  	s3 =	sld [smem:$0x3FAA]  }
0x31: {  	[smem:$0x3FB3] =	sst s10  }
0x32: {  	s10 =	sld [smem:$0x3FB1];
	_ =	sdelay $0x3  }
0x33: {  	p0 =	seq.s32 s10, $0x1;
	s10 =	sld [smem:$0x3FB3];
	_ =	sdelay $0x3  }
0x34: {  	[smem:$0x3FB3] =	sst s10  }
0x35: {  	s10 =	sld [smem:$0x3FB2];
	_ =	sdelay $0x3  }
0x36: {  	p1 =	seq.s32 s10, $0x1;
	s10 =	sld [smem:$0x3FB3];
	_ =	sdelay $0x3  }
0x37: {  	[smem:$0x3FB3] =	sst s10  }
0x38: {  	s10 =	sld [smem:$0x3FB4]  }
0x39: {  	_ = 	snop;
	(pc) =	sbr.ind lr, $3  }
0x3a: {  	_ = 	snop  }
0x3b: {  	_ = 	snop  }
0x3c: {  	p2 =	seq.s32 s10, $0x1;
	s10 =	sld [smem:$0x3FB3]  }
0x3d: {  	_ =	shalt  }
0x3e: {  	_ =	shalt  }
0x3f: {  	_ =	shalt  }
0x40: {  	_ =	shalt  }
0x41: {  	_ =	shalt  }
0x42: {  	_ =	shalt  }
0x43: {  	_ =	shalt  }
0x44: {  	_ =	shalt  }
0x45: {  	_ =	shalt  }
0x46: {  	_ =	shalt  }
0x47: {  	_ =	shalt  }
0x48: {  	_ =	shalt  }
0x49: {  	_ =	shalt  }
0x4a: {  	_ =	shalt  }
0x4b: {  	_ =	shalt  }
0x4c: {  	_ =	shalt  }
0x4d: {  	_ =	shalt  }
0x4e: {  	_ =	shalt  }
0x4f: {  	_ =	shalt  }
0x50: {  	_ =	shalt  }
0x51: {  	_ =	shalt  }
0x52: {  	_ =	shalt  }
0x53: {  	_ =	shalt  }
0x54: {  	_ =	shalt  }
0x55: {  	_ =	shalt  }
0x56: {  	_ =	shalt  }
0x57: {  	_ =	shalt  }
0x58: {  	_ =	shalt  }
0x59: {  	_ =	shalt  }
0x5a: {  	_ =	shalt  }
0x5b: {  	_ =	shalt  }
0x5c: {  	_ =	shalt  }
0x5d: {  	_ =	shalt  }
0x5e: {  	_ =	shalt  }
0x5f: {  	_ =	shalt  }
0x60: {  	_ =	shalt  }
0x61: {  	_ =	shalt  }
0x62: {  	_ =	shalt  }
0x63: {  	_ =	shalt  }
0x64: {  	_ =	shalt  }
0x65: {  	_ =	shalt  }
0x66: {  	_ =	shalt  }
0x67: {  	_ =	shalt  }
0x68: {  	_ =	shalt  }
0x69: {  	_ =	shalt  }
0x6a: {  	_ =	shalt  }
0x6b: {  	_ =	shalt  }
0x6c: {  	_ =	shalt  }
0x6d: {  	_ =	shalt  }
0x6e: {  	_ =	shalt  }
0x6f: {  	_ =	shalt  }
0x70: {  	_ =	shalt  }
0x71: {  	_ =	shalt  }
0x72: {  	_ =	shalt  }
0x73: {  	_ =	shalt  }
0x74: {  	_ =	shalt  }
0x75: {  	_ =	shalt  }
0x76: {  	_ =	shalt  }
0x77: {  	_ =	shalt  }
0x78: {  	_ =	shalt  }
0x79: {  	_ =	shalt  }
0x7a: {  	_ =	shalt  }
0x7b: {  	_ =	shalt  }
0x7c: {  	_ =	shalt  }
0x7d: {  	_ =	shalt  }
0x7e: {  	_ =	shalt  }
0x7f: {  	_ =	shalt  }
0x80: {  	_ =	shalt  }
0x81: {  	_ =	shalt  }
0x82: {  	_ =	shalt  }
0x83: {  	_ =	shalt  }
0x84: {  	_ =	shalt  }
0x85: {  	_ =	shalt  }
0x86: {  	_ =	shalt  }
0x87: {  	_ =	shalt  }
.Lfunc_end0:
.L_simem_size_0:
called_computation.6_lowered:
.L_overlay_start_0:
0x88: {  	s0 =	sld [smem:$0x3FD9]  }
0x89: {  	s1 =	sld [smem:$0x3FFE];
	_ =	sdelay $0x3  }
0x8a: {  	s0 =	sadd.s32 s1, s0  }
0x8b: {  	[smem:$0x3FBF] =	sst s0  }
0x8c: {  	_ = 	snop  }
0x8d: {  	s0 =	sld [smem:$0x3FD0];
	_ =	sdelay $0x2  }
0x8e: {  	s13 =	simm.s32 $0xB;
	s2 =	simm.s32 $0x10  }
0x8f: {  	[smem:s2], [sflag:s13] =	dma.local [hbm:s0], $0x1  }
0x90: {  	_ =	swait.eq [sflag:s13], $0x1  }
0x91: {  	[sflag:s13] =	ssyncset.done $0x0  }
0x92: {  	s14 =	sld [smem:$0x12];
	[sflag:s13] =	ssyncadd.s32 $0xFFFFFFFF  }
0x93: {  	s15 =	sld [smem:$0x14];
	(tm) =	ssettm $0x1  }
0x94: {  	s16 =	sld [smem:$0x3FFB];
	_ =	sdelay $0x3  }
0x95: {  	_ =	strace s16  }
0x96: {  	s2 =	sld [smem:$0x3FFC];
	_ =	sdelay $0x3  }
0x97: {  	_ =	strace s2  }
0x98: {  	s2 =	sld [smem:$0x3FFD];
	_ =	sdelay $0x3  }
0x99: {  	_ =	strace s2  }
0x9a: {  	_ =	strace $0x8FFFFFFF  }
0x9b: {  	s17 =	sld [smem:$0x3FDB];
	_ =	sdelay $0x1  }
0x9c: {  	s3 =	simm.s32 $_scs_section_size  }
0x9d: {  	s4 =	simm.s32 $_size__tile_overlayer_lowered;
	s5 =	simm.s32 $_tile_overlayer_lowered  }
0x9e: {  	s20 =	simm.s32 $0x1BFF;
	s19 =	sshll.u32 s5, $0x1;
	s2 =	sadd.s32 s3, s17  }
0x9f: {  	s6 =	simm.s32 $0x0;
	s18 =	sshll.u32 s4, $0x1;
	s4 =	sadd.s32 s19, s2  }
0xa0: {  	[timem:s6], [sflag:s20] =	dma.local [hbm:s4], s18  }
0xa1: {  	_ =	swait.ge [sflag:s20], s18  }
0xa2: {  	s3 =	ssub.s32 $0x0, s18;
	[sflag:s20] =	ssyncset.done $0x0  }
0xa3: {  	[sflag:s20] =	ssyncadd.s32 s3;
	_ =	sdelay $0x1  }
0xa4: {  	s21 =	simm.s32 $0x1B8B  }
0xa5: {  	_ =	swait.ge [sflag:s21], $0x1  }
0xa6: {  	[sflag:s21] =	ssyncset.done $0x0  }
0xa7: {  	s23 =	simm.s32 $0x1B8E;
	s22 =	sld [smem:$0x3FFE];
	[sflag:s21] =	ssyncadd.s32 $0xFFFFFFFF  }
0xa8: {  	s24 =	simm.s32 $execute0_lowered;
	[smem:$0x3FD2] =	sst s23  }
0xa9: {  	s4 =	sshll.u32 s24, $0x1;
	_ =	strace $0x8000005E;
	[dreg:$0x1] =	wrdreg $0xFFFFFFFF  }
0xaa: {  	s25 =	simm.s32 $_size_execute0_lowered;
	s2 =	sadd.s32 s2, s4;
	[dreg:$0x0] =	wrdreg $0x0  }
0xab: {  	s4 =	sshll.u32 s25, $0x1;
	[dreg:$0x2] =	wrdreg s2  }
0xac: {  	[dreg:$0x3] =	wrdreg s4  }
0xad: {  	[dreg:$0x4] =	wrdreg $0xC0  }
0xae: {  	_ =	task [dreg:s6], $0x5FFFF  }
0xaf: {  	[dreg:$0x1] =	wrdreg $0xFFFFFFFF  }
0xb0: {  	[dreg:$0x0] =	wrdreg $0x60  }
0xb1: {  	[dreg:$0x2] =	wrdreg s22  }
0xb2: {  	[dreg:$0x3] =	wrdreg s14  }
0xb3: {  	[dreg:$0x4] =	wrdreg s15  }
0xb4: {  	[dreg:$0x5] =	wrdreg $0xA  }
0xb5: {  	_ =	task.clear_ibuf [dreg:s6], $0x6FFFF;
	_ =	strace $0x9000005E  }
0xb6: {  	s26 =	simm.s32 $0xA;
	_ =	strace $0x80000060  }
0xb7: {  	_ =	swait.ge [sflag:s26], $0x1  }
0xb8: {  	[sflag:s26] =	ssyncadd.s32 $0xFFFFFFFF  }
0xb9: {  	_ =	strace $0x90000060  }
0xba: {  	_ =	sfence  }
0xbb: {  	s28 =	sld [smem:$0x0];
	_ =	sdelay $0x1  }
0xbc: {  	s29 =	srdreg.scid  }
0xbd: {  	s30 =	sshll.u32 s29, $0xD;
	s31 =	sshrl.u32 s29, $0x2  }
0xbe: {  	s1 =	sand.u32 $0x1, s29;
	s2 =	sand.u32 $0x4000, s30;
	s0 =	sadd.s32 s31, s28  }
0xbf: {  	s1 =	sor.u32 s2, s1;
	s0 =	sshll.u32 s0, $0x11  }
0xc0: {  	s0 =	sor.u32 s0, s1  }
0xc1: {  	s0 =	sadd.s32 $0x8F2B, s0  }
0xc2: {  	[sflag:s0] =	ssyncadd.remote.s32 $0x1  }
0xc3: {  	_ =	sfence.sel $0xFFFF  }
0xc4: {  	[dreg:$0x0] =	wrdreg $0xFFFFFFFF;
	(pc) =	sbr.abs _section_cstart, $3  }
0xc5: {  	[dreg:$0x1] =	wrdreg $0xFFFFFFFF  }
0xc6: {  	_ =	task.clear_ibuf [dreg:s6], $0x2FFFF;
	_ =	strace $0x9FFFFFFF  }
0xc7: {  	(tm) =	ssettm $0x7FFFFFFF  }
tec
execute0_lowered:
.L_overlay_start_1:
0x0: {  	(tag) =	ssettag $0x1  }
0x1: {  	s8 =	rddreg [dreg:$0x0]  }
0x2: {  	s2 =	rddreg [dreg:$0x1]  }
0x3: {  	s3 =	rddreg [dreg:$0x2]  }
0x4: {  	s0 =	rddreg [dreg:$0x3];
	_ =	strace $0x8000005F;
	s4 =	simm.s32 $0x1  }
0x5: {  	s1 =	stileid.u32;
	s7 =	simm.s32 $0x1;
	s9 =	simm.s32 $0x1  }
0x6: {  	s6 =	simm.s32 $0x2;
	s10 =	simm.s32 $0x3;
	s13 =	simm.s32 $0x0  }
.Ltmp0:
0x7: {  	s12 =	simm.s32 $0x0;
	p0 =	slt.u32 s1, $0xA;
	(pc) =	sbr.rel .LBB2_1-.Ltmp0, $4  }
0x8: {  	[sflag:s4] =	ssyncpa.u1 $0x0;
	s7 =	simm.s32 @!p0 $0x0;
	p0 =	sne.s32 s1, $0x9  }
0x9: {  	s5 =	smul.u32 $0x30, s1;
	[sflag:s6] =	ssyncpa.u1 $0x0;
	s9 =	simm.s32 @!p0 $0x0  }
0xa: {  	s8 =	sadd.s32 $0x1600, s8;
	[sflag:s10] =	ssyncpa.u1 $0x0;
	s7 =	sadd.s32 s9, s7  }
0xb: {  	vm0 =	vmmov $0xffff;
	s10 =	simm.s32 $0x0;
	s11 =	smov.u32 s5;
	s9 =	sadd.s32 $0x1, s7  }
.LBB2_4:
0xc: {  	v3 =	vmul.u32 $0x4800, v3;
	v4 =	vshll.u32 v1, $0x1  }
0xd: {  	v2 =	vshll.u32 v2, $0x7;
	v4 =	vand.u32 $0xFFFFFF00, v4  }
0xe: {  	v2 =	vand.u32 $0x80, v2;
	v3 =	vadd.s32 v3, v4  }
0xf: {  	v63 =	vand.u32 $0x7F, v1;
	v2 =	vor.u32 v2, v3  }
0x10: {  	v1 =	vor.u32 v63, v2;
	_ =	sdelay $0x2  }
0x11: {  	[tilespmem:s15], [sflag:$0x1] =	stream.indirect_vreg.gather [hbm4b:s8+s10], $0x1, v0, vm0, $0x4038;
	[tilespmem:$0xC0] =	vst v63  }
0x12: {  	(ifvalue) =	ssetifvalue $0x7FFFFFFF;
	s29 =	sadd.s32 $0x10, s15  }
0x13: {  	[tilespmem:s29], [sflag:$0x1] =	stream.indirect_vreg.gather [hbm4b:s8+s10], $0x1, v1, vm0, $0x4038;
	[tilespmem:$0xC0] =	vst v63  }
0x14: {  	_ =	swait.ge [sflag:s4], $0x30  }
0x15: {  	s30 =	sshrl.u32 s13, $0x3;
	[sflag:s4] =	ssyncset.done $0x0  }
0x16: {  	s31 =	sand.u32 $0x7, s13;
	s15 =	sadd.s32 s3, s30;
	[sflag:s4] =	ssyncadd.s32 $0xFFFFFFD0  }
0x17: {  	[hbm4b:s15+s31] =	stream.linear.scatter [tilespmem:s14], [sflag:$0x3], $0x30, $0x38;
	[tilespmem:$0xC0] =	vst v63  }
.LBB2_5:
0x18: {  	s15 =	sadd.s32 $0x300, s11  }
0x19: {  	p1 =	sgt.s32 s15, $0x4AF  }
0x1a: {  	s15 =	smov.u32 @p1 s5;
	p1 =	sne.s32 s12, s9  }
.Ltmp1:
0x1b: {  	p0 =	slt.u32 s12, $0x2;
	(pc) =	sbr.rel @!p1 .LBB2_6-.Ltmp1, $4  }
0x1c: {  	s14 =	simm.s32 @!p0 $0x3  }
0x1d: {  	_ =	swait.ge @!p0 [sflag:s14], $0x30  }
0x1e: {  	s16 =	sadd.s32 $0x1, s12;
	s13 =	smov.u32 s11;
	[sflag:s14] =	ssyncset.done @!p0 $0x0  }
0x1f: {  	s12 =	smov.u32 s16;
	s11 =	smov.u32 s15;
	[sflag:s14] =	ssyncadd.s32 @!p0 $0xFFFFFFD0  }
.LBB2_1:
0x20: {  	p0 =	sge.u32 s12, s7  }
0x21: {  	s14 =	sxor.u32 @!p0 $0x1, s12  }
0x22: {  	s14 =	smul.u32 @!p0 $0xC0, s14  }
0x23: {  	s31 =	sadd.s32 $0xFFFFFFFF, s12;
	s15 =	sshrl.u32 @!p0 s11, $0x3  }
0x24: {  	s16 =	sand.u32 @!p0 $0x7, s11;
	s15 =	sadd.s32 @!p0 s2, s15;
	s14 =	sshra.s32 @!p0 s14, $0x2  }
0x25: {  	[tilespmem:s14], [sflag:$0x2] =	stream.linear.gather @!p0 [hbm4b:s15+s16], $0x30, $0x38;
	[tilespmem:$0xC0] =	vst v63  }
0x26: {  	p0 =	sge.u32 s31, s7  }
.Ltmp2:
0x27: {  	_ = 	snop;
	(pc) =	sbr.rel @p0 .LBB2_5-.Ltmp2, $1  }
0x28: {  	_ =	sdelay $0x3  }
0x29: {  	s14 =	sand.u32 $0x1, s12  }
0x2a: {  	_ =	swait.ge [sflag:s6], $0x30;
	p0 =	seq.s32 s14, $0x1;
	s14 =	simm.s32 $0x30  }
0x2b: {  	[sflag:s6] =	ssyncset.done $0x0;
	s14 =	simm.s32 @!p0 $0x0  }
0x2c: {  	[sflag:s6] =	ssyncadd.s32 $0xFFFFFFD0;
	(ifvalue) =	ssetifvalue $0x7FFFFFFF;
	v0 =	vld.msk [tilespmem:s14+$0x0 ss:$0x1], $0xffff;
	_ =	sdelay $0x4  }
0x2d: {  	vm1 =	veq.s32 v0, $0x80000000;
	v1 =	vand.u32 $0x1, v0;
	v0 =	vshrl.u32 v0, $0x1  }
0x2e: {  	v1 =	vsel vm1, $0xFFFFFFFF, v1;
	v0 =	vand.u32 $0x3FFF, v0  }
0x2f: {  	v0 =	vsel vm1, $0xFFFFFFFF, v0;
	v2 =	vshrl.u32 v1, $0x1  }
0x30: {  	s15 =	sadd.s32 $0x10, s14;
	v2 =	vmul.u32 $0x4800, v2;
	v4 =	vshll.u32 v0, $0x1  }
0x31: {  	v3 =	vld.msk [tilespmem:s15+$0x0 ss:$0x1], $0xffff;
	v1 =	vshll.u32 v1, $0x7;
	v4 =	vand.u32 $0xFFFFFF00, v4  }
0x32: {  	v1 =	vand.u32 $0x80, v1;
	v2 =	vadd.s32 v2, v4  }
0x33: {  	v0 =	vand.u32 $0x7F, v0;
	v1 =	vor.u32 v1, v2  }
0x34: {  	v0 =	vor.u32 v0, v1;
	_ =	sdelay $0x1  }
0x35: {  	vm1 =	veq.s32 v3, $0x80000000;
	v2 =	vand.u32 $0x1, v3;
	v3 =	vshrl.u32 v3, $0x1  }
0x36: {  	s16 =	simm.s32 $0x10;
	s14 =	sadd.s32 $0x60, s14;
	v2 =	vsel vm1, $0xFFFFFFFF, v2;
	v3 =	vand.u32 $0x3FFF, v3  }
0x37: {  	s17 =	sadd.s32 $0x10, s15;
	(ifvalue) =	ssetifvalue $0x7FFFFFFF;
	s15 =	smov.u32 s14;
	v1 =	vsel vm1, $0xFFFFFFFF, v3;
	v3 =	vshrl.u32 v2, $0x1  }
.LBB2_3:
0x38: {  	v4 =	vld.msk [tilespmem:s17+$0x0 ss:$0x1], $0xffff;
	v3 =	vmul.u32 $0x4800, v3;
	v5 =	vshll.u32 v1, $0x1;
	[tilespmem:s15], [sflag:$0x1] =	stream.indirect_vreg.gather [hbm4b:s8+s10], $0x1, v0, vm0, $0x4038  }
0x39: {  	s16 =	sadd.s32 $0x10, s16;
	v2 =	vshll.u32 v2, $0x7;
	v0 =	vand.u32 $0xFFFFFF00, v5  }
0x3a: {  	p0 =	slt.u32 s16, $0x20;
	v2 =	vand.u32 $0x80, v2;
	v0 =	vadd.s32 v3, v0  }
0x3b: {  	v1 =	vand.u32 $0x7F, v1;
	v0 =	vor.u32 v2, v0  }
.Ltmp3:
0x3c: {  	v0 =	vor.u32 v1, v0;
	(pc) =	sbr.rel @p0 .LBB2_3-.Ltmp3, $4  }
0x3d: {  	_ = 	snop  }
0x3e: {  	vm1 =	veq.s32 v4, $0x80000000;
	v1 =	vand.u32 $0x1, v4;
	v3 =	vshrl.u32 v4, $0x1  }
0x3f: {  	v2 =	vsel vm1, $0xFFFFFFFF, v1;
	v1 =	vand.u32 $0x3FFF, v3  }
0x40: {  	s17 =	sadd.s32 $0x10, s17;
	s15 =	sadd.s32 $0x10, s15;
	v1 =	vsel vm1, $0xFFFFFFFF, v1;
	v3 =	vshrl.u32 v2, $0x1;
	(ifvalue) =	ssetifvalue $0x7FFFFFFF  }
.Ltmp4:
0x41: {  	_ = 	snop;
	(pc) =	sbr.rel .LBB2_4-.Ltmp4, $1  }
0x42: {  	_ =	sdelay $0x3  }
.LBB2_6:
0x43: {  	_ =	sfence.sel $0x180000  }
0x44: {  	s2 =	simm.s32 $0x2;
	[bflag:$0x0] =	sbarrier.arrive $0xFFFF  }
0x45: {  	s30 =	simm.s32 $0x3;
	[sflag:s2] =	ssyncpa.u1 $0x1  }
0x46: {  	s31 =	simm.s32 $0x1;
	[sflag:s30] =	ssyncpa.u1 $0x1  }
0x47: {  	[sflag:s31] =	ssyncpa.u1 $0x1  }
0x48: {  	p0 =	sne.s32 s1, $0x0;
	_ =	strace $0x9000005F  }
0x49: {  	s0 =	sadd.s32 @!p0 $0x100000, s0;
	[bflag:$0x2] =	sbarrier.arrive $0xFFFF  }
0x4a: {  	[sflag:s0] =	ssyncadd.tile.s32 @!p0 $0x1;
	_ =	shalt  }
.Lfunc_end2:
_tile_overlayer_lowered:
.L_overlay_start_2:
0x4b: {  	(tag) =	ssettag $0x2  }
0x4c: {  	s0 =	rddreg [dreg:$0x0];
	s2 =	stileid.u32  }
0x4d: {  	s1 =	rddreg [dreg:$0x1];
	p0 =	sne.s32 s2, $0x0  }
0x4e: {  	s3 =	rddreg [dreg:$0x2];
	[bflag:$0x3] =	sbarrier.arrive $0xFFFF;
	s2 =	simm.s32 @!p0 $0x1C01  }
0x4f: {  	[timem:s3], [sflag:s2] =	dma.local @!p0 [hbm:s0], s1  }
0x50: {  	s0 =	simm.s32 @!p0 $0x1  }
0x51: {  	_ =	swait.ge @!p0 [sflag:s0], s1  }
0x52: {  	s1 =	ssub.s32 @!p0 $0x0, s1;
	[sflag:s0] =	ssyncset.done @!p0 $0x0  }
0x53: {  	[sflag:s0] =	ssyncadd.s32 @!p0 s1  }
0x54: {  	[bflag:$0x3] =	sbarrier.arrive $0xFFFF  }
0x55: {  	_ =	shalt  }

// kernel: gather_offload_async_start.7
scs
__scs_entry_jumppad:
0x0: {  	(pc) =	sbr.rel $0x88, $3  }
0x1: {  	(tag) =	ssettag $0x0;
	lr =	simm.s32 $0x1  }
0x2: {  	[smem:$0x3F98] =	sst lr;
	_ =	strace $0xD0000000  }
0x3: {  	_ = 	snop  }
0x4: {  	_ = 	snop  }
0x5: {  	_ = 	snop  }
0x6: {  	_ = 	snop  }
0x7: {  	_ = 	snop  }
__scs_overlays_trampoline_lowered:
0x8: {  	[smem:$0x3FA7] =	sst s0  }
0x9: {  	[smem:$0x3FA8] =	sst s1  }
0xa: {  	[smem:$0x3FA9] =	sst s2  }
0xb: {  	[smem:$0x3FAA] =	sst s3  }
0xc: {  	[smem:$0x3FAB] =	sst s4  }
0xd: {  	[smem:$0x3FAC] =	sst s5  }
0xe: {  	[smem:$0x3FAD] =	sst s6  }
0xf: {  	[smem:$0x3FAE] =	sst s7  }
0x10: {  	[smem:$0x3FAF] =	sst s8  }
0x11: {  	[smem:$0x3FB0] =	sst s9;
	s0 =	simm.s32 @!p0 $0x0  }
0x12: {  	s1 =	sld [smem:$0x3F96];
	s0 =	simm.s32 @p0 $0x1  }
0x13: {  	[smem:$0x3FB1] =	sst s0;
	s0 =	simm.s32 @!p1 $0x0  }
0x14: {  	s2 =	sld [smem:$0x3F95];
	s0 =	simm.s32 @p1 $0x1  }
0x15: {  	[smem:$0x3FB2] =	sst s0;
	s0 =	simm.s32 @!p2 $0x0  }
0x16: {  	s3 =	sld [smem:$0x3FDB];
	s0 =	simm.s32 @p2 $0x1  }
0x17: {  	s4 =	simm.s32 $0x1BF5;
	[smem:$0x3FB4] =	sst s0  }
0x18: {  	s0 =	sld [smem:$0x3F97];
	_ =	swait.ge [sflag:s4], $0x0  }
0x19: {  	s7 =	sld [smem:$0x3F98]  }
0x1a: {  	s8 =	sadd.s32 $0xFFFFE003, lr  }
0x1b: {  	s9 =	sadd.s32 $0xFFFFFEF7, lr;
	s5 =	simm.s32 $0xFFFFFFFF;
	p2 =	slt.u32 s8, $0xFFFFF086  }
0x1c: {  	p1 =	slt.u32 s9, $0xF7A;
	s5 =	simm.s32 @!p2 $0x0  }
0x1d: {  	s5 =	simm.s32 @p1 $0x1;
	p0 =	seq.s32 s7, s2  }
0x1e: {  	s7 =	smul.u32 @!p0 $0xF7A, s2;
	p2 =	seq.s32 @!p0 s5, $0x0  }
0x1f: {  	s9 =	smul.u32 $0xF7A, s1;
	s8 =	simm.s32 @!p0 $0x1BF5;
	p2 =	por !p2, p0  }
0x20: {  	[sflag:s8] =	ssyncset.s32 @!p0 $0xFFFFF086;
	s6 =	sadd.s32 @!p0 s3, s7;
	s7 =	simm.s32 @!p0 $0x108  }
0x21: {  	s3 =	sadd.s32 s3, s9;
	s6 =	sadd.s32 @!p0 $0x88, s6;
	s7 =	simm.s32 @p2 $0x1082  }
0x22: {  	[simem:s7], [sflag:s8] =	dma.local @!p0 [hbm:s6], $0xF7A  }
0x23: {  	s9 =	sor.u32 $0xD0000000, s2;
	s6 =	simm.s32 $0x108;
	_ =	swait.ge @!p0 [sflag:s8], $0x0  }
0x24: {  	s3 =	sadd.s32 $0x88, s3;
	s6 =	simm.s32 @!p1 $0x1082;
	[sflag:s4] =	ssyncset.s32 $0xFFFFF086  }
0x25: {  	[simem:s6], [sflag:s4] =	dma.local [hbm:s3], $0xF7A  }
0x26: {  	[smem:$0x3F98] =	sst s1;
	(tag) =	ssettag s2;
	_ =	strace s9  }
0x27: {  	s1 =	sld [smem:$0x3FA8]  }
0x28: {  	s2 =	sld [smem:$0x3FA9]  }
0x29: {  	s4 =	sld [smem:$0x3FAB]  }
0x2a: {  	p0 =	seq.s32 s5, $0x0;
	s5 =	sld [smem:$0x3FAC]  }
0x2b: {  	s6 =	sld [smem:$0x3FAD]  }
0x2c: {  	s7 =	sld [smem:$0x3FAE]  }
0x2d: {  	s3 =	simm.s32 $0x108;
	s8 =	sld [smem:$0x3FAF]  }
0x2e: {  	s3 =	simm.s32 @!p0 $0x1082;
	s9 =	sld [smem:$0x3FB0]  }
0x2f: {  	lr =	sadd.s32 s0, s3;
	s0 =	sld [smem:$0x3FA7]  }
0x30: {  	s3 =	sld [smem:$0x3FAA]  }
0x31: {  	[smem:$0x3FB3] =	sst s10  }
0x32: {  	s10 =	sld [smem:$0x3FB1];
	_ =	sdelay $0x3  }
0x33: {  	p0 =	seq.s32 s10, $0x1;
	s10 =	sld [smem:$0x3FB3];
	_ =	sdelay $0x3  }
0x34: {  	[smem:$0x3FB3] =	sst s10  }
0x35: {  	s10 =	sld [smem:$0x3FB2];
	_ =	sdelay $0x3  }
0x36: {  	p1 =	seq.s32 s10, $0x1;
	s10 =	sld [smem:$0x3FB3];
	_ =	sdelay $0x3  }
0x37: {  	[smem:$0x3FB3] =	sst s10  }
0x38: {  	s10 =	sld [smem:$0x3FB4]  }
0x39: {  	_ = 	snop;
	(pc) =	sbr.ind lr, $3  }
0x3a: {  	_ = 	snop  }
0x3b: {  	_ = 	snop  }
0x3c: {  	p2 =	seq.s32 s10, $0x1;
	s10 =	sld [smem:$0x3FB3]  }
0x3d: {  	_ =	shalt  }
0x3e: {  	_ =	shalt  }
0x3f: {  	_ =	shalt  }
0x40: {  	_ =	shalt  }
0x41: {  	_ =	shalt  }
0x42: {  	_ =	shalt  }
0x43: {  	_ =	shalt  }
0x44: {  	_ =	shalt  }
0x45: {  	_ =	shalt  }
0x46: {  	_ =	shalt  }
0x47: {  	_ =	shalt  }
0x48: {  	_ =	shalt  }
0x49: {  	_ =	shalt  }
0x4a: {  	_ =	shalt  }
0x4b: {  	_ =	shalt  }
0x4c: {  	_ =	shalt  }
0x4d: {  	_ =	shalt  }
0x4e: {  	_ =	shalt  }
0x4f: {  	_ =	shalt  }
0x50: {  	_ =	shalt  }
0x51: {  	_ =	shalt  }
0x52: {  	_ =	shalt  }
0x53: {  	_ =	shalt  }
0x54: {  	_ =	shalt  }
0x55: {  	_ =	shalt  }
0x56: {  	_ =	shalt  }
0x57: {  	_ =	shalt  }
0x58: {  	_ =	shalt  }
0x59: {  	_ =	shalt  }
0x5a: {  	_ =	shalt  }
0x5b: {  	_ =	shalt  }
0x5c: {  	_ =	shalt  }
0x5d: {  	_ =	shalt  }
0x5e: {  	_ =	shalt  }
0x5f: {  	_ =	shalt  }
0x60: {  	_ =	shalt  }
0x61: {  	_ =	shalt  }
0x62: {  	_ =	shalt  }
0x63: {  	_ =	shalt  }
0x64: {  	_ =	shalt  }
0x65: {  	_ =	shalt  }
0x66: {  	_ =	shalt  }
0x67: {  	_ =	shalt  }
0x68: {  	_ =	shalt  }
0x69: {  	_ =	shalt  }
0x6a: {  	_ =	shalt  }
0x6b: {  	_ =	shalt  }
0x6c: {  	_ =	shalt  }
0x6d: {  	_ =	shalt  }
0x6e: {  	_ =	shalt  }
0x6f: {  	_ =	shalt  }
0x70: {  	_ =	shalt  }
0x71: {  	_ =	shalt  }
0x72: {  	_ =	shalt  }
0x73: {  	_ =	shalt  }
0x74: {  	_ =	shalt  }
0x75: {  	_ =	shalt  }
0x76: {  	_ =	shalt  }
0x77: {  	_ =	shalt  }
0x78: {  	_ =	shalt  }
0x79: {  	_ =	shalt  }
0x7a: {  	_ =	shalt  }
0x7b: {  	_ =	shalt  }
0x7c: {  	_ =	shalt  }
0x7d: {  	_ =	shalt  }
0x7e: {  	_ =	shalt  }
0x7f: {  	_ =	shalt  }
0x80: {  	_ =	shalt  }
0x81: {  	_ =	shalt  }
0x82: {  	_ =	shalt  }
0x83: {  	_ =	shalt  }
0x84: {  	_ =	shalt  }
0x85: {  	_ =	shalt  }
0x86: {  	_ =	shalt  }
0x87: {  	_ =	shalt  }
.Lfunc_end0:
.L_simem_size_0:
called_computation.7_lowered:
.L_overlay_start_0:
0x88: {  	s0 =	sld [smem:$0x3FD9]  }
0x89: {  	s1 =	sld [smem:$0x3FFE];
	_ =	sdelay $0x3  }
0x8a: {  	s0 =	sadd.s32 s1, s0  }
0x8b: {  	[smem:$0x3FBF] =	sst s0  }
0x8c: {  	_ = 	snop  }
0x8d: {  	s0 =	sld [smem:$0x3FD0];
	_ =	sdelay $0x2  }
0x8e: {  	s13 =	simm.s32 $0xB;
	s2 =	simm.s32 $0x10  }
0x8f: {  	[smem:s2], [sflag:s13] =	dma.local [hbm:s0], $0x1  }
0x90: {  	_ =	swait.eq [sflag:s13], $0x1  }
0x91: {  	[sflag:s13] =	ssyncset.done $0x0  }
0x92: {  	[sflag:s13] =	ssyncadd.s32 $0xFFFFFFFF  }
0x93: {  	s14 =	sld [smem:$0x12];
	(tm) =	ssettm $0x1  }
0x94: {  	s15 =	sld [smem:$0x3FFB];
	_ =	sdelay $0x3  }
0x95: {  	_ =	strace s15  }
0x96: {  	s1 =	sld [smem:$0x3FFC];
	_ =	sdelay $0x3  }
0x97: {  	_ =	strace s1  }
0x98: {  	s1 =	sld [smem:$0x3FFD];
	_ =	sdelay $0x3  }
0x99: {  	_ =	strace s1  }
0x9a: {  	_ =	strace $0x8FFFFFFF  }
0x9b: {  	s16 =	sld [smem:$0x3FDB];
	_ =	sdelay $0x1  }
0x9c: {  	s17 =	simm.s32 $_scs_section_size  }
0x9d: {  	s3 =	simm.s32 $_size__tile_overlayer_lowered;
	s4 =	simm.s32 $_tile_overlayer_lowered  }
0x9e: {  	s20 =	simm.s32 $0x1BFF;
	s19 =	sshll.u32 s4, $0x1;
	s1 =	sadd.s32 s17, s16  }
0x9f: {  	s5 =	simm.s32 $0x0;
	s18 =	sshll.u32 s3, $0x1;
	s3 =	sadd.s32 s19, s1  }
0xa0: {  	[timem:s5], [sflag:s20] =	dma.local [hbm:s3], s18  }
0xa1: {  	_ =	swait.ge [sflag:s20], s18  }
0xa2: {  	s2 =	ssub.s32 $0x0, s18;
	[sflag:s20] =	ssyncset.done $0x0  }
0xa3: {  	[sflag:s20] =	ssyncadd.s32 s2;
	_ =	sdelay $0x1  }
0xa4: {  	s21 =	simm.s32 $0x1B8B  }
0xa5: {  	_ =	swait.ge [sflag:s21], $0x1  }
0xa6: {  	[sflag:s21] =	ssyncset.done $0x0  }
0xa7: {  	s23 =	simm.s32 $0x1B8E;
	s22 =	sld [smem:$0x3FFE];
	[sflag:s21] =	ssyncadd.s32 $0xFFFFFFFF  }
0xa8: {  	s24 =	simm.s32 $execute0_lowered;
	[smem:$0x3FD2] =	sst s23  }
0xa9: {  	s3 =	sshll.u32 s24, $0x1;
	_ =	strace $0x8000005B;
	[dreg:$0x1] =	wrdreg $0xFFFFFFFF  }
0xaa: {  	s25 =	simm.s32 $_size_execute0_lowered;
	s1 =	sadd.s32 s1, s3;
	[dreg:$0x0] =	wrdreg $0x0  }
0xab: {  	s3 =	sshll.u32 s25, $0x1;
	[dreg:$0x2] =	wrdreg s1  }
0xac: {  	[dreg:$0x3] =	wrdreg s3  }
0xad: {  	[dreg:$0x4] =	wrdreg $0xC0  }
0xae: {  	_ =	task [dreg:s5], $0x5FFFF  }
0xaf: {  	[dreg:$0x1] =	wrdreg $0xFFFFFFFF  }
0xb0: {  	[dreg:$0x0] =	wrdreg $0x60  }
0xb1: {  	[dreg:$0x2] =	wrdreg s22  }
0xb2: {  	[dreg:$0x3] =	wrdreg s14  }
0xb3: {  	[dreg:$0x4] =	wrdreg $0x9  }
0xb4: {  	_ =	task.clear_ibuf [dreg:s5], $0x5FFFF;
	_ =	strace $0x9000005B  }
0xb5: {  	s26 =	simm.s32 $0x9;
	_ =	strace $0x8000005D  }
0xb6: {  	_ =	swait.ge [sflag:s26], $0x1  }
0xb7: {  	[sflag:s26] =	ssyncadd.s32 $0xFFFFFFFF  }
0xb8: {  	_ =	strace $0x9000005D  }
0xb9: {  	_ =	sfence  }
0xba: {  	s28 =	sld [smem:$0x0];
	_ =	sdelay $0x1  }
0xbb: {  	s29 =	srdreg.scid  }
0xbc: {  	s30 =	sshll.u32 s29, $0xD;
	s31 =	sshrl.u32 s29, $0x2  }
0xbd: {  	s2 =	sand.u32 $0x4000, s30;
	s1 =	sand.u32 $0x1, s29;
	s0 =	sadd.s32 s31, s28  }
0xbe: {  	s1 =	sor.u32 s2, s1;
	s0 =	sshll.u32 s0, $0x11  }
0xbf: {  	s0 =	sor.u32 s0, s1  }
0xc0: {  	s0 =	sadd.s32 $0x8F2B, s0  }
0xc1: {  	[sflag:s0] =	ssyncadd.remote.s32 $0x1  }
0xc2: {  	_ =	sfence.sel $0xFFFF  }
0xc3: {  	[dreg:$0x0] =	wrdreg $0xFFFFFFFF;
	(pc) =	sbr.abs _section_cstart, $3  }
0xc4: {  	[dreg:$0x1] =	wrdreg $0xFFFFFFFF  }
0xc5: {  	_ =	task.clear_ibuf [dreg:s5], $0x2FFFF;
	_ =	strace $0x9FFFFFFF  }
0xc6: {  	(tm) =	ssettm $0x7FFFFFFF  }
0xc7: {  	_ =	shalt  }
tec
execute0_lowered:
.L_overlay_start_1:
0x0: {  	(tag) =	ssettag $0x1  }
0x1: {  	s8 =	rddreg [dreg:$0x0]  }
0x2: {  	s2 =	rddreg [dreg:$0x1]  }
0x3: {  	s0 =	rddreg [dreg:$0x2]  }
0x4: {  	_ =	strace $0x8000005C;
	s4 =	simm.s32 $0x1;
	s1 =	stileid.u32  }
0x5: {  	s7 =	simm.s32 $0x1;
	s9 =	simm.s32 $0x1;
	s6 =	simm.s32 $0x2  }
0x6: {  	s10 =	simm.s32 $0x3;
	s13 =	simm.s32 $0x0;
	s12 =	simm.s32 $0x0  }
.Ltmp0:
0x7: {  	s3 =	sadd.s32 $0x2000, s8;
	p0 =	slt.u32 s1, $0xA;
	(pc) =	sbr.rel .LBB2_1-.Ltmp0, $4  }
0x8: {  	[sflag:s4] =	ssyncpa.u1 $0x0;
	s7 =	simm.s32 @!p0 $0x0;
	p0 =	sne.s32 s1, $0x9  }
0x9: {  	s5 =	smul.u32 $0x30, s1;
	[sflag:s6] =	ssyncpa.u1 $0x0;
	s9 =	simm.s32 @!p0 $0x0  }
0xa: {  	s8 =	sadd.s32 $0x400, s8;
	[sflag:s10] =	ssyncpa.u1 $0x0;
	s7 =	sadd.s32 s9, s7  }
0xb: {  	vm0 =	vmmov $0xffff;
	s10 =	simm.s32 $0x0;
	s11 =	smov.u32 s5;
	s9 =	sadd.s32 $0x1, s7  }
.LBB2_4:
0xc: {  	v3 =	vmul.u32 $0x4800, v3;
	v4 =	vshll.u32 v1, $0x1  }
0xd: {  	v2 =	vshll.u32 v2, $0x7;
	v4 =	vand.u32 $0xFFFFFF00, v4  }
0xe: {  	v2 =	vand.u32 $0x80, v2;
	v3 =	vadd.s32 v3, v4  }
0xf: {  	v63 =	vand.u32 $0x7F, v1;
	v2 =	vor.u32 v2, v3  }
0x10: {  	v1 =	vor.u32 v63, v2;
	_ =	sdelay $0x2  }
0x11: {  	[tilespmem:s15], [sflag:$0x1] =	stream.indirect_vreg.gather [hbm4b:s3+s10], $0x1, v0, vm0, $0x4038;
	[tilespmem:$0xC0] =	vst v63  }
0x12: {  	(ifvalue) =	ssetifvalue $0x7FFFFFFF;
	s29 =	sadd.s32 $0x10, s15  }
0x13: {  	[tilespmem:s29], [sflag:$0x1] =	stream.indirect_vreg.gather [hbm4b:s3+s10], $0x1, v1, vm0, $0x4038;
	[tilespmem:$0xC0] =	vst v63  }
0x14: {  	_ =	swait.ge [sflag:s4], $0x30  }
0x15: {  	s30 =	sshrl.u32 s13, $0x3;
	[sflag:s4] =	ssyncset.done $0x0  }
0x16: {  	s31 =	sand.u32 $0x7, s13;
	s15 =	sadd.s32 s8, s30;
	[sflag:s4] =	ssyncadd.s32 $0xFFFFFFD0  }
0x17: {  	[hbm4b:s15+s31] =	stream.linear.scatter [tilespmem:s14], [sflag:$0x3], $0x30, $0x38;
	[tilespmem:$0xC0] =	vst v63  }
.LBB2_5:
0x18: {  	s15 =	sadd.s32 $0x300, s11  }
0x19: {  	p1 =	sgt.s32 s15, $0x4AF  }
0x1a: {  	s15 =	smov.u32 @p1 s5;
	p1 =	sne.s32 s12, s9  }
.Ltmp1:
0x1b: {  	p0 =	slt.u32 s12, $0x2;
	(pc) =	sbr.rel @!p1 .LBB2_6-.Ltmp1, $4  }
0x1c: {  	s14 =	simm.s32 @!p0 $0x3  }
0x1d: {  	_ =	swait.ge @!p0 [sflag:s14], $0x30  }
0x1e: {  	s16 =	sadd.s32 $0x1, s12;
	s13 =	smov.u32 s11;
	[sflag:s14] =	ssyncset.done @!p0 $0x0  }
0x1f: {  	s12 =	smov.u32 s16;
	s11 =	smov.u32 s15;
	[sflag:s14] =	ssyncadd.s32 @!p0 $0xFFFFFFD0  }
.LBB2_1:
0x20: {  	p0 =	sge.u32 s12, s7  }
0x21: {  	s14 =	sxor.u32 @!p0 $0x1, s12  }
0x22: {  	s14 =	smul.u32 @!p0 $0xC0, s14  }
0x23: {  	s31 =	sadd.s32 $0xFFFFFFFF, s12;
	s15 =	sshrl.u32 @!p0 s11, $0x3  }
0x24: {  	s16 =	sand.u32 @!p0 $0x7, s11;
	s15 =	sadd.s32 @!p0 s2, s15;
	s14 =	sshra.s32 @!p0 s14, $0x2  }
0x25: {  	[tilespmem:s14], [sflag:$0x2] =	stream.linear.gather @!p0 [hbm4b:s15+s16], $0x30, $0x38;
	[tilespmem:$0xC0] =	vst v63  }
0x26: {  	p0 =	sge.u32 s31, s7  }
.Ltmp2:
0x27: {  	_ = 	snop;
	(pc) =	sbr.rel @p0 .LBB2_5-.Ltmp2, $1  }
0x28: {  	_ =	sdelay $0x3  }
0x29: {  	s14 =	sand.u32 $0x1, s12  }
0x2a: {  	_ =	swait.ge [sflag:s6], $0x30;
	p0 =	seq.s32 s14, $0x1;
	s14 =	simm.s32 $0x30  }
0x2b: {  	[sflag:s6] =	ssyncset.done $0x0;
	s14 =	simm.s32 @!p0 $0x0  }
0x2c: {  	[sflag:s6] =	ssyncadd.s32 $0xFFFFFFD0;
	(ifvalue) =	ssetifvalue $0x7FFFFFFF;
	v0 =	vld.msk [tilespmem:s14+$0x0 ss:$0x1], $0xffff;
	_ =	sdelay $0x4  }
0x2d: {  	vm1 =	veq.s32 v0, $0x80000000;
	v1 =	vand.u32 $0x1, v0;
	v0 =	vshrl.u32 v0, $0x1  }
0x2e: {  	v1 =	vsel vm1, $0xFFFFFFFF, v1;
	v0 =	vand.u32 $0x3FFF, v0  }
0x2f: {  	v0 =	vsel vm1, $0xFFFFFFFF, v0;
	v2 =	vshrl.u32 v1, $0x1  }
0x30: {  	s15 =	sadd.s32 $0x10, s14;
	v2 =	vmul.u32 $0x4800, v2;
	v4 =	vshll.u32 v0, $0x1  }
0x31: {  	v3 =	vld.msk [tilespmem:s15+$0x0 ss:$0x1], $0xffff;
	v1 =	vshll.u32 v1, $0x7;
	v4 =	vand.u32 $0xFFFFFF00, v4  }
0x32: {  	v1 =	vand.u32 $0x80, v1;
	v2 =	vadd.s32 v2, v4  }
0x33: {  	v0 =	vand.u32 $0x7F, v0;
	v1 =	vor.u32 v1, v2  }
0x34: {  	v0 =	vor.u32 v0, v1;
	_ =	sdelay $0x1  }
0x35: {  	vm1 =	veq.s32 v3, $0x80000000;
	v2 =	vand.u32 $0x1, v3;
	v3 =	vshrl.u32 v3, $0x1  }
0x36: {  	s16 =	simm.s32 $0x10;
	s14 =	sadd.s32 $0x60, s14;
	v2 =	vsel vm1, $0xFFFFFFFF, v2;
	v3 =	vand.u32 $0x3FFF, v3  }
0x37: {  	s17 =	sadd.s32 $0x10, s15;
	(ifvalue) =	ssetifvalue $0x7FFFFFFF;
	s15 =	smov.u32 s14;
	v1 =	vsel vm1, $0xFFFFFFFF, v3;
	v3 =	vshrl.u32 v2, $0x1  }
.LBB2_3:
0x38: {  	v4 =	vld.msk [tilespmem:s17+$0x0 ss:$0x1], $0xffff;
	v3 =	vmul.u32 $0x4800, v3;
	v5 =	vshll.u32 v1, $0x1;
	[tilespmem:s15], [sflag:$0x1] =	stream.indirect_vreg.gather [hbm4b:s3+s10], $0x1, v0, vm0, $0x4038  }
0x39: {  	s16 =	sadd.s32 $0x10, s16;
	v2 =	vshll.u32 v2, $0x7;
	v0 =	vand.u32 $0xFFFFFF00, v5  }
0x3a: {  	p0 =	slt.u32 s16, $0x20;
	v2 =	vand.u32 $0x80, v2;
	v0 =	vadd.s32 v3, v0  }
0x3b: {  	v1 =	vand.u32 $0x7F, v1;
	v0 =	vor.u32 v2, v0  }
.Ltmp3:
0x3c: {  	v0 =	vor.u32 v1, v0;
	(pc) =	sbr.rel @p0 .LBB2_3-.Ltmp3, $4  }
0x3d: {  	_ = 	snop  }
0x3e: {  	vm1 =	veq.s32 v4, $0x80000000;
	v1 =	vand.u32 $0x1, v4;
	v3 =	vshrl.u32 v4, $0x1  }
0x3f: {  	v2 =	vsel vm1, $0xFFFFFFFF, v1;
	v1 =	vand.u32 $0x3FFF, v3  }
0x40: {  	s17 =	sadd.s32 $0x10, s17;
	s15 =	sadd.s32 $0x10, s15;
	v1 =	vsel vm1, $0xFFFFFFFF, v1;
	v3 =	vshrl.u32 v2, $0x1;
	(ifvalue) =	ssetifvalue $0x7FFFFFFF  }
.Ltmp4:
0x41: {  	_ = 	snop;
	(pc) =	sbr.rel .LBB2_4-.Ltmp4, $1  }
0x42: {  	_ =	sdelay $0x3  }
.LBB2_6:
0x43: {  	_ =	sfence.sel $0x180000  }
0x44: {  	s2 =	simm.s32 $0x2;
	[bflag:$0x0] =	sbarrier.arrive $0xFFFF  }
0x45: {  	s30 =	simm.s32 $0x3;
	[sflag:s2] =	ssyncpa.u1 $0x1  }
0x46: {  	s31 =	simm.s32 $0x1;
	[sflag:s30] =	ssyncpa.u1 $0x1  }
0x47: {  	[sflag:s31] =	ssyncpa.u1 $0x1  }
0x48: {  	p0 =	sne.s32 s1, $0x0;
	_ =	strace $0x9000005C  }
0x49: {  	s0 =	sadd.s32 @!p0 $0x100000, s0;
	[bflag:$0x2] =	sbarrier.arrive $0xFFFF  }
0x4a: {  	[sflag:s0] =	ssyncadd.tile.s32 @!p0 $0x1;
	_ =	shalt  }
.Lfunc_end2:
_tile_overlayer_lowered:
.L_overlay_start_2:
0x4b: {  	(tag) =	ssettag $0x2  }
0x4c: {  	s0 =	rddreg [dreg:$0x0];
	s2 =	stileid.u32  }
0x4d: {  	s1 =	rddreg [dreg:$0x1];
	p0 =	sne.s32 s2, $0x0  }
0x4e: {  	s3 =	rddreg [dreg:$0x2];
	[bflag:$0x3] =	sbarrier.arrive $0xFFFF;
	s2 =	simm.s32 @!p0 $0x1C01  }
0x4f: {  	[timem:s3], [sflag:s2] =	dma.local @!p0 [hbm:s0], s1  }
0x50: {  	s0 =	simm.s32 @!p0 $0x1  }
0x51: {  	_ =	swait.ge @!p0 [sflag:s0], s1  }
0x52: {  	s1 =	ssub.s32 @!p0 $0x0, s1;
	[sflag:s0] =	ssyncset.done @!p0 $0x0  }
0x53: {  	[sflag:s0] =	ssyncadd.s32 @!p0 s1  }
0x54: {  	[bflag:$0x3] =	sbarrier.arrive $0xFFFF  }
0x55: {  	_ =	shalt  }

// kernel: gather_offload_async_start.8
scs
__scs_entry_jumppad:
0x0: {  	(pc) =	sbr.rel $0x88, $3  }
0x1: {  	(tag) =	ssettag $0x0;
	lr =	simm.s32 $0x1  }
0x2: {  	[smem:$0x3F98] =	sst lr;
	_ =	strace $0xD0000000  }
0x3: {  	_ = 	snop  }
0x4: {  	_ = 	snop  }
0x5: {  	_ = 	snop  }
0x6: {  	_ = 	snop  }
0x7: {  	_ = 	snop  }
__scs_overlays_trampoline_lowered:
0x8: {  	[smem:$0x3FA7] =	sst s0  }
0x9: {  	[smem:$0x3FA8] =	sst s1  }
0xa: {  	[smem:$0x3FA9] =	sst s2  }
0xb: {  	[smem:$0x3FAA] =	sst s3  }
0xc: {  	[smem:$0x3FAB] =	sst s4  }
0xd: {  	[smem:$0x3FAC] =	sst s5  }
0xe: {  	[smem:$0x3FAD] =	sst s6  }
0xf: {  	[smem:$0x3FAE] =	sst s7  }
0x10: {  	[smem:$0x3FAF] =	sst s8  }
0x11: {  	[smem:$0x3FB0] =	sst s9;
	s0 =	simm.s32 @!p0 $0x0  }
0x12: {  	s1 =	sld [smem:$0x3F96];
	s0 =	simm.s32 @p0 $0x1  }
0x13: {  	[smem:$0x3FB1] =	sst s0;
	s0 =	simm.s32 @!p1 $0x0  }
0x14: {  	s2 =	sld [smem:$0x3F95];
	s0 =	simm.s32 @p1 $0x1  }
0x15: {  	[smem:$0x3FB2] =	sst s0;
	s0 =	simm.s32 @!p2 $0x0  }
0x16: {  	s3 =	sld [smem:$0x3FDB];
	s0 =	simm.s32 @p2 $0x1  }
0x17: {  	s4 =	simm.s32 $0x1BF5;
	[smem:$0x3FB4] =	sst s0  }
0x18: {  	s0 =	sld [smem:$0x3F97];
	_ =	swait.ge [sflag:s4], $0x0  }
0x19: {  	s7 =	sld [smem:$0x3F98]  }
0x1a: {  	s8 =	sadd.s32 $0xFFFFE003, lr  }
0x1b: {  	s9 =	sadd.s32 $0xFFFFFEF7, lr;
	s5 =	simm.s32 $0xFFFFFFFF;
	p2 =	slt.u32 s8, $0xFFFFF086  }
0x1c: {  	p1 =	slt.u32 s9, $0xF7A;
	s5 =	simm.s32 @!p2 $0x0  }
0x1d: {  	s5 =	simm.s32 @p1 $0x1;
	p0 =	seq.s32 s7, s2  }
0x1e: {  	s7 =	smul.u32 @!p0 $0xF7A, s2;
	p2 =	seq.s32 @!p0 s5, $0x0  }
0x1f: {  	s9 =	smul.u32 $0xF7A, s1;
	s8 =	simm.s32 @!p0 $0x1BF5;
	p2 =	por !p2, p0  }
0x20: {  	[sflag:s8] =	ssyncset.s32 @!p0 $0xFFFFF086;
	s6 =	sadd.s32 @!p0 s3, s7;
	s7 =	simm.s32 @!p0 $0x108  }
0x21: {  	s3 =	sadd.s32 s3, s9;
	s6 =	sadd.s32 @!p0 $0x88, s6;
	s7 =	simm.s32 @p2 $0x1082  }
0x22: {  	[simem:s7], [sflag:s8] =	dma.local @!p0 [hbm:s6], $0xF7A  }
0x23: {  	s9 =	sor.u32 $0xD0000000, s2;
	s6 =	simm.s32 $0x108;
	_ =	swait.ge @!p0 [sflag:s8], $0x0  }
0x24: {  	s3 =	sadd.s32 $0x88, s3;
	s6 =	simm.s32 @!p1 $0x1082;
	[sflag:s4] =	ssyncset.s32 $0xFFFFF086  }
0x25: {  	[simem:s6], [sflag:s4] =	dma.local [hbm:s3], $0xF7A  }
0x26: {  	[smem:$0x3F98] =	sst s1;
	(tag) =	ssettag s2;
	_ =	strace s9  }
0x27: {  	s1 =	sld [smem:$0x3FA8]  }
0x28: {  	s2 =	sld [smem:$0x3FA9]  }
0x29: {  	s4 =	sld [smem:$0x3FAB]  }
0x2a: {  	p0 =	seq.s32 s5, $0x0;
	s5 =	sld [smem:$0x3FAC]  }
0x2b: {  	s6 =	sld [smem:$0x3FAD]  }
0x2c: {  	s7 =	sld [smem:$0x3FAE]  }
0x2d: {  	s3 =	simm.s32 $0x108;
	s8 =	sld [smem:$0x3FAF]  }
0x2e: {  	s3 =	simm.s32 @!p0 $0x1082;
	s9 =	sld [smem:$0x3FB0]  }
0x2f: {  	lr =	sadd.s32 s0, s3;
	s0 =	sld [smem:$0x3FA7]  }
0x30: {  	s3 =	sld [smem:$0x3FAA]  }
0x31: {  	[smem:$0x3FB3] =	sst s10  }
0x32: {  	s10 =	sld [smem:$0x3FB1];
	_ =	sdelay $0x3  }
0x33: {  	p0 =	seq.s32 s10, $0x1;
	s10 =	sld [smem:$0x3FB3];
	_ =	sdelay $0x3  }
0x34: {  	[smem:$0x3FB3] =	sst s10  }
0x35: {  	s10 =	sld [smem:$0x3FB2];
	_ =	sdelay $0x3  }
0x36: {  	p1 =	seq.s32 s10, $0x1;
	s10 =	sld [smem:$0x3FB3];
	_ =	sdelay $0x3  }
0x37: {  	[smem:$0x3FB3] =	sst s10  }
0x38: {  	s10 =	sld [smem:$0x3FB4]  }
0x39: {  	_ = 	snop;
	(pc) =	sbr.ind lr, $3  }
0x3a: {  	_ = 	snop  }
0x3b: {  	_ = 	snop  }
0x3c: {  	p2 =	seq.s32 s10, $0x1;
	s10 =	sld [smem:$0x3FB3]  }
0x3d: {  	_ =	shalt  }
0x3e: {  	_ =	shalt  }
0x3f: {  	_ =	shalt  }
0x40: {  	_ =	shalt  }
0x41: {  	_ =	shalt  }
0x42: {  	_ =	shalt  }
0x43: {  	_ =	shalt  }
0x44: {  	_ =	shalt  }
0x45: {  	_ =	shalt  }
0x46: {  	_ =	shalt  }
0x47: {  	_ =	shalt  }
0x48: {  	_ =	shalt  }
0x49: {  	_ =	shalt  }
0x4a: {  	_ =	shalt  }
0x4b: {  	_ =	shalt  }
0x4c: {  	_ =	shalt  }
0x4d: {  	_ =	shalt  }
0x4e: {  	_ =	shalt  }
0x4f: {  	_ =	shalt  }
0x50: {  	_ =	shalt  }
0x51: {  	_ =	shalt  }
0x52: {  	_ =	shalt  }
0x53: {  	_ =	shalt  }
0x54: {  	_ =	shalt  }
0x55: {  	_ =	shalt  }
0x56: {  	_ =	shalt  }
0x57: {  	_ =	shalt  }
0x58: {  	_ =	shalt  }
0x59: {  	_ =	shalt  }
0x5a: {  	_ =	shalt  }
0x5b: {  	_ =	shalt  }
0x5c: {  	_ =	shalt  }
0x5d: {  	_ =	shalt  }
0x5e: {  	_ =	shalt  }
0x5f: {  	_ =	shalt  }
0x60: {  	_ =	shalt  }
0x61: {  	_ =	shalt  }
0x62: {  	_ =	shalt  }
0x63: {  	_ =	shalt  }
0x64: {  	_ =	shalt  }
0x65: {  	_ =	shalt  }
0x66: {  	_ =	shalt  }
0x67: {  	_ =	shalt  }
0x68: {  	_ =	shalt  }
0x69: {  	_ =	shalt  }
0x6a: {  	_ =	shalt  }
0x6b: {  	_ =	shalt  }
0x6c: {  	_ =	shalt  }
0x6d: {  	_ =	shalt  }
0x6e: {  	_ =	shalt  }
0x6f: {  	_ =	shalt  }
0x70: {  	_ =	shalt  }
0x71: {  	_ =	shalt  }
0x72: {  	_ =	shalt  }
0x73: {  	_ =	shalt  }
0x74: {  	_ =	shalt  }
0x75: {  	_ =	shalt  }
0x76: {  	_ =	shalt  }
0x77: {  	_ =	shalt  }
0x78: {  	_ =	shalt  }
0x79: {  	_ =	shalt  }
0x7a: {  	_ =	shalt  }
0x7b: {  	_ =	shalt  }
0x7c: {  	_ =	shalt  }
0x7d: {  	_ =	shalt  }
0x7e: {  	_ =	shalt  }
0x7f: {  	_ =	shalt  }
0x80: {  	_ =	shalt  }
0x81: {  	_ =	shalt  }
0x82: {  	_ =	shalt  }
0x83: {  	_ =	shalt  }
0x84: {  	_ =	shalt  }
0x85: {  	_ =	shalt  }
0x86: {  	_ =	shalt  }
0x87: {  	_ =	shalt  }
.Lfunc_end0:
.L_simem_size_0:
called_computation.8_lowered:
.L_overlay_start_0:
0x88: {  	s0 =	sld [smem:$0x3FD9]  }
0x89: {  	s1 =	sld [smem:$0x3FFE];
	_ =	sdelay $0x3  }
0x8a: {  	s0 =	sadd.s32 s1, s0  }
0x8b: {  	[smem:$0x3FBF] =	sst s0  }
0x8c: {  	_ = 	snop  }
0x8d: {  	s0 =	sld [smem:$0x3FD0];
	_ =	sdelay $0x2  }
0x8e: {  	s13 =	simm.s32 $0xB;
	s2 =	simm.s32 $0x10  }
0x8f: {  	[smem:s2], [sflag:s13] =	dma.local [hbm:s0], $0x1  }
0x90: {  	_ =	swait.eq [sflag:s13], $0x1  }
0x91: {  	[sflag:s13] =	ssyncset.done $0x0  }
0x92: {  	s14 =	sld [smem:$0x12];
	[sflag:s13] =	ssyncadd.s32 $0xFFFFFFFF  }
0x93: {  	s15 =	sld [smem:$0x14];
	(tm) =	ssettm $0x1  }
0x94: {  	s16 =	sld [smem:$0x3FFB];
	_ =	sdelay $0x3  }
0x95: {  	_ =	strace s16  }
0x96: {  	s2 =	sld [smem:$0x3FFC];
	_ =	sdelay $0x3  }
0x97: {  	_ =	strace s2  }
0x98: {  	s2 =	sld [smem:$0x3FFD];
	_ =	sdelay $0x3  }
0x99: {  	_ =	strace s2  }
0x9a: {  	_ =	strace $0x8FFFFFFF  }
0x9b: {  	s17 =	sld [smem:$0x3FDB];
	_ =	sdelay $0x1  }
0x9c: {  	s3 =	simm.s32 $_scs_section_size  }
0x9d: {  	s4 =	simm.s32 $_size__tile_overlayer_lowered;
	s5 =	simm.s32 $_tile_overlayer_lowered  }
0x9e: {  	s20 =	simm.s32 $0x1BFF;
	s19 =	sshll.u32 s5, $0x1;
	s2 =	sadd.s32 s3, s17  }
0x9f: {  	s6 =	simm.s32 $0x0;
	s18 =	sshll.u32 s4, $0x1;
	s4 =	sadd.s32 s19, s2  }
0xa0: {  	[timem:s6], [sflag:s20] =	dma.local [hbm:s4], s18  }
0xa1: {  	_ =	swait.ge [sflag:s20], s18  }
0xa2: {  	s3 =	ssub.s32 $0x0, s18;
	[sflag:s20] =	ssyncset.done $0x0  }
0xa3: {  	[sflag:s20] =	ssyncadd.s32 s3;
	_ =	sdelay $0x1  }
0xa4: {  	s21 =	simm.s32 $0x1B8B  }
0xa5: {  	_ =	swait.ge [sflag:s21], $0x1  }
0xa6: {  	[sflag:s21] =	ssyncset.done $0x0  }
0xa7: {  	s23 =	simm.s32 $0x1B8E;
	s22 =	sld [smem:$0x3FFE];
	[sflag:s21] =	ssyncadd.s32 $0xFFFFFFFF  }
0xa8: {  	s24 =	simm.s32 $execute0_lowered;
	[smem:$0x3FD2] =	sst s23  }
0xa9: {  	s4 =	sshll.u32 s24, $0x1;
	_ =	strace $0x80000058;
	[dreg:$0x1] =	wrdreg $0xFFFFFFFF  }
0xaa: {  	s25 =	simm.s32 $_size_execute0_lowered;
	s2 =	sadd.s32 s2, s4;
	[dreg:$0x0] =	wrdreg $0x0  }
0xab: {  	s4 =	sshll.u32 s25, $0x1;
	[dreg:$0x2] =	wrdreg s2  }
0xac: {  	[dreg:$0x3] =	wrdreg s4  }
0xad: {  	[dreg:$0x4] =	wrdreg $0xC0  }
0xae: {  	_ =	task [dreg:s6], $0x5FFFF  }
0xaf: {  	[dreg:$0x1] =	wrdreg $0xFFFFFFFF  }
0xb0: {  	[dreg:$0x0] =	wrdreg $0x60  }
0xb1: {  	[dreg:$0x2] =	wrdreg s22  }
0xb2: {  	[dreg:$0x3] =	wrdreg s14  }
0xb3: {  	[dreg:$0x4] =	wrdreg s15  }
0xb4: {  	[dreg:$0x5] =	wrdreg $0xA  }
0xb5: {  	_ =	task.clear_ibuf [dreg:s6], $0x6FFFF;
	_ =	strace $0x90000058  }
0xb6: {  	s26 =	simm.s32 $0xA;
	_ =	strace $0x8000005A  }
0xb7: {  	_ =	swait.ge [sflag:s26], $0x1  }
0xb8: {  	[sflag:s26] =	ssyncadd.s32 $0xFFFFFFFF  }
0xb9: {  	_ =	strace $0x9000005A  }
0xba: {  	_ =	sfence  }
0xbb: {  	s28 =	sld [smem:$0x0];
	_ =	sdelay $0x1  }
0xbc: {  	s29 =	srdreg.scid  }
0xbd: {  	s30 =	sshll.u32 s29, $0xD;
	s31 =	sshrl.u32 s29, $0x2  }
0xbe: {  	s1 =	sand.u32 $0x1, s29;
	s2 =	sand.u32 $0x4000, s30;
	s0 =	sadd.s32 s31, s28  }
0xbf: {  	s1 =	sor.u32 s2, s1;
	s0 =	sshll.u32 s0, $0x11  }
0xc0: {  	s0 =	sor.u32 s0, s1  }
0xc1: {  	s0 =	sadd.s32 $0x8F2B, s0  }
0xc2: {  	[sflag:s0] =	ssyncadd.remote.s32 $0x1  }
0xc3: {  	_ =	sfence.sel $0xFFFF  }
0xc4: {  	[dreg:$0x0] =	wrdreg $0xFFFFFFFF;
	(pc) =	sbr.abs _section_cstart, $3  }
0xc5: {  	[dreg:$0x1] =	wrdreg $0xFFFFFFFF  }
0xc6: {  	_ =	task.clear_ibuf [dreg:s6], $0x2FFFF;
	_ =	strace $0x9FFFFFFF  }
0xc7: {  	(tm) =	ssettm $0x7FFFFFFF  }
tec
execute0_lowered:
.L_overlay_start_1:
0x0: {  	(tag) =	ssettag $0x1  }
0x1: {  	s8 =	rddreg [dreg:$0x0]  }
0x2: {  	s2 =	rddreg [dreg:$0x1]  }
0x3: {  	s3 =	rddreg [dreg:$0x2]  }
0x4: {  	s0 =	rddreg [dreg:$0x3];
	_ =	strace $0x80000059;
	s4 =	simm.s32 $0x1  }
0x5: {  	s1 =	stileid.u32;
	s7 =	simm.s32 $0x1;
	s9 =	simm.s32 $0x1  }
0x6: {  	s6 =	simm.s32 $0x2;
	s10 =	simm.s32 $0x3;
	s13 =	simm.s32 $0x0  }
.Ltmp0:
0x7: {  	s12 =	simm.s32 $0x0;
	p0 =	slt.u32 s1, $0xA;
	(pc) =	sbr.rel .LBB2_1-.Ltmp0, $4  }
0x8: {  	[sflag:s4] =	ssyncpa.u1 $0x0;
	s7 =	simm.s32 @!p0 $0x0;
	p0 =	sne.s32 s1, $0x9  }
0x9: {  	s5 =	smul.u32 $0x30, s1;
	[sflag:s6] =	ssyncpa.u1 $0x0;
	s9 =	simm.s32 @!p0 $0x0  }
0xa: {  	s8 =	sadd.s32 $0x2A00, s8;
	[sflag:s10] =	ssyncpa.u1 $0x0;
	s7 =	sadd.s32 s9, s7  }
0xb: {  	vm0 =	vmmov $0xffff;
	s10 =	simm.s32 $0x0;
	s11 =	smov.u32 s5;
	s9 =	sadd.s32 $0x1, s7  }
.LBB2_4:
0xc: {  	v3 =	vmul.u32 $0x4800, v3;
	v4 =	vshll.u32 v1, $0x1  }
0xd: {  	v2 =	vshll.u32 v2, $0x7;
	v4 =	vand.u32 $0xFFFFFF00, v4  }
0xe: {  	v2 =	vand.u32 $0x80, v2;
	v3 =	vadd.s32 v3, v4  }
0xf: {  	v63 =	vand.u32 $0x7F, v1;
	v2 =	vor.u32 v2, v3  }
0x10: {  	v1 =	vor.u32 v63, v2;
	_ =	sdelay $0x2  }
0x11: {  	[tilespmem:s15], [sflag:$0x1] =	stream.indirect_vreg.gather [hbm4b:s8+s10], $0x1, v0, vm0, $0x4038;
	[tilespmem:$0xC0] =	vst v63  }
0x12: {  	(ifvalue) =	ssetifvalue $0x7FFFFFFF;
	s29 =	sadd.s32 $0x10, s15  }
0x13: {  	[tilespmem:s29], [sflag:$0x1] =	stream.indirect_vreg.gather [hbm4b:s8+s10], $0x1, v1, vm0, $0x4038;
	[tilespmem:$0xC0] =	vst v63  }
0x14: {  	_ =	swait.ge [sflag:s4], $0x30  }
0x15: {  	s30 =	sshrl.u32 s13, $0x3;
	[sflag:s4] =	ssyncset.done $0x0  }
0x16: {  	s31 =	sand.u32 $0x7, s13;
	s15 =	sadd.s32 s3, s30;
	[sflag:s4] =	ssyncadd.s32 $0xFFFFFFD0  }
0x17: {  	[hbm4b:s15+s31] =	stream.linear.scatter [tilespmem:s14], [sflag:$0x3], $0x30, $0x38;
	[tilespmem:$0xC0] =	vst v63  }
.LBB2_5:
0x18: {  	s15 =	sadd.s32 $0x300, s11  }
0x19: {  	p1 =	sgt.s32 s15, $0x4AF  }
0x1a: {  	s15 =	smov.u32 @p1 s5;
	p1 =	sne.s32 s12, s9  }
.Ltmp1:
0x1b: {  	p0 =	slt.u32 s12, $0x2;
	(pc) =	sbr.rel @!p1 .LBB2_6-.Ltmp1, $4  }
0x1c: {  	s14 =	simm.s32 @!p0 $0x3  }
0x1d: {  	_ =	swait.ge @!p0 [sflag:s14], $0x30  }
0x1e: {  	s16 =	sadd.s32 $0x1, s12;
	s13 =	smov.u32 s11;
	[sflag:s14] =	ssyncset.done @!p0 $0x0  }
0x1f: {  	s12 =	smov.u32 s16;
	s11 =	smov.u32 s15;
	[sflag:s14] =	ssyncadd.s32 @!p0 $0xFFFFFFD0  }
.LBB2_1:
0x20: {  	p0 =	sge.u32 s12, s7  }
0x21: {  	s14 =	sxor.u32 @!p0 $0x1, s12  }
0x22: {  	s14 =	smul.u32 @!p0 $0xC0, s14  }
0x23: {  	s31 =	sadd.s32 $0xFFFFFFFF, s12;
	s15 =	sshrl.u32 @!p0 s11, $0x3  }
0x24: {  	s16 =	sand.u32 @!p0 $0x7, s11;
	s15 =	sadd.s32 @!p0 s2, s15;
	s14 =	sshra.s32 @!p0 s14, $0x2  }
0x25: {  	[tilespmem:s14], [sflag:$0x2] =	stream.linear.gather @!p0 [hbm4b:s15+s16], $0x30, $0x38;
	[tilespmem:$0xC0] =	vst v63  }
0x26: {  	p0 =	sge.u32 s31, s7  }
.Ltmp2:
0x27: {  	_ = 	snop;
	(pc) =	sbr.rel @p0 .LBB2_5-.Ltmp2, $1  }
0x28: {  	_ =	sdelay $0x3  }
0x29: {  	s14 =	sand.u32 $0x1, s12  }
0x2a: {  	_ =	swait.ge [sflag:s6], $0x30;
	p0 =	seq.s32 s14, $0x1;
	s14 =	simm.s32 $0x30  }
0x2b: {  	[sflag:s6] =	ssyncset.done $0x0;
	s14 =	simm.s32 @!p0 $0x0  }
0x2c: {  	[sflag:s6] =	ssyncadd.s32 $0xFFFFFFD0;
	(ifvalue) =	ssetifvalue $0x7FFFFFFF;
	v0 =	vld.msk [tilespmem:s14+$0x0 ss:$0x1], $0xffff;
	_ =	sdelay $0x4  }
0x2d: {  	vm1 =	veq.s32 v0, $0x80000000;
	v1 =	vand.u32 $0x1, v0;
	v0 =	vshrl.u32 v0, $0x1  }
0x2e: {  	v1 =	vsel vm1, $0xFFFFFFFF, v1;
	v0 =	vand.u32 $0x3FFF, v0  }
0x2f: {  	v0 =	vsel vm1, $0xFFFFFFFF, v0;
	v2 =	vshrl.u32 v1, $0x1  }
0x30: {  	s15 =	sadd.s32 $0x10, s14;
	v2 =	vmul.u32 $0x4800, v2;
	v4 =	vshll.u32 v0, $0x1  }
0x31: {  	v3 =	vld.msk [tilespmem:s15+$0x0 ss:$0x1], $0xffff;
	v1 =	vshll.u32 v1, $0x7;
	v4 =	vand.u32 $0xFFFFFF00, v4  }
0x32: {  	v1 =	vand.u32 $0x80, v1;
	v2 =	vadd.s32 v2, v4  }
0x33: {  	v0 =	vand.u32 $0x7F, v0;
	v1 =	vor.u32 v1, v2  }
0x34: {  	v0 =	vor.u32 v0, v1;
	_ =	sdelay $0x1  }
0x35: {  	vm1 =	veq.s32 v3, $0x80000000;
	v2 =	vand.u32 $0x1, v3;
	v3 =	vshrl.u32 v3, $0x1  }
0x36: {  	s16 =	simm.s32 $0x10;
	s14 =	sadd.s32 $0x60, s14;
	v2 =	vsel vm1, $0xFFFFFFFF, v2;
	v3 =	vand.u32 $0x3FFF, v3  }
0x37: {  	s17 =	sadd.s32 $0x10, s15;
	(ifvalue) =	ssetifvalue $0x7FFFFFFF;
	s15 =	smov.u32 s14;
	v1 =	vsel vm1, $0xFFFFFFFF, v3;
	v3 =	vshrl.u32 v2, $0x1  }
.LBB2_3:
0x38: {  	v4 =	vld.msk [tilespmem:s17+$0x0 ss:$0x1], $0xffff;
	v3 =	vmul.u32 $0x4800, v3;
	v5 =	vshll.u32 v1, $0x1;
	[tilespmem:s15], [sflag:$0x1] =	stream.indirect_vreg.gather [hbm4b:s8+s10], $0x1, v0, vm0, $0x4038  }
0x39: {  	s16 =	sadd.s32 $0x10, s16;
	v2 =	vshll.u32 v2, $0x7;
	v0 =	vand.u32 $0xFFFFFF00, v5  }
0x3a: {  	p0 =	slt.u32 s16, $0x20;
	v2 =	vand.u32 $0x80, v2;
	v0 =	vadd.s32 v3, v0  }
0x3b: {  	v1 =	vand.u32 $0x7F, v1;
	v0 =	vor.u32 v2, v0  }
.Ltmp3:
0x3c: {  	v0 =	vor.u32 v1, v0;
	(pc) =	sbr.rel @p0 .LBB2_3-.Ltmp3, $4  }
0x3d: {  	_ = 	snop  }
0x3e: {  	vm1 =	veq.s32 v4, $0x80000000;
	v1 =	vand.u32 $0x1, v4;
	v3 =	vshrl.u32 v4, $0x1  }
0x3f: {  	v2 =	vsel vm1, $0xFFFFFFFF, v1;
	v1 =	vand.u32 $0x3FFF, v3  }
0x40: {  	s17 =	sadd.s32 $0x10, s17;
	s15 =	sadd.s32 $0x10, s15;
	v1 =	vsel vm1, $0xFFFFFFFF, v1;
	v3 =	vshrl.u32 v2, $0x1;
	(ifvalue) =	ssetifvalue $0x7FFFFFFF  }
.Ltmp4:
0x41: {  	_ = 	snop;
	(pc) =	sbr.rel .LBB2_4-.Ltmp4, $1  }
0x42: {  	_ =	sdelay $0x3  }
.LBB2_6:
0x43: {  	_ =	sfence.sel $0x180000  }
0x44: {  	s2 =	simm.s32 $0x2;
	[bflag:$0x0] =	sbarrier.arrive $0xFFFF  }
0x45: {  	s30 =	simm.s32 $0x3;
	[sflag:s2] =	ssyncpa.u1 $0x1  }
0x46: {  	s31 =	simm.s32 $0x1;
	[sflag:s30] =	ssyncpa.u1 $0x1  }
0x47: {  	[sflag:s31] =	ssyncpa.u1 $0x1  }
0x48: {  	p0 =	sne.s32 s1, $0x0;
	_ =	strace $0x90000059  }
0x49: {  	s0 =	sadd.s32 @!p0 $0x100000, s0;
	[bflag:$0x2] =	sbarrier.arrive $0xFFFF  }
0x4a: {  	[sflag:s0] =	ssyncadd.tile.s32 @!p0 $0x1;
	_ =	shalt  }
.Lfunc_end2:
_tile_overlayer_lowered:
.L_overlay_start_2:
0x4b: {  	(tag) =	ssettag $0x2  }
0x4c: {  	s0 =	rddreg [dreg:$0x0];
	s2 =	stileid.u32  }
0x4d: {  	s1 =	rddreg [dreg:$0x1];
	p0 =	sne.s32 s2, $0x0  }
0x4e: {  	s3 =	rddreg [dreg:$0x2];
	[bflag:$0x3] =	sbarrier.arrive $0xFFFF;
	s2 =	simm.s32 @!p0 $0x1C01  }
0x4f: {  	[timem:s3], [sflag:s2] =	dma.local @!p0 [hbm:s0], s1  }
0x50: {  	s0 =	simm.s32 @!p0 $0x1  }
0x51: {  	_ =	swait.ge @!p0 [sflag:s0], s1  }
0x52: {  	s1 =	ssub.s32 @!p0 $0x0, s1;
	[sflag:s0] =	ssyncset.done @!p0 $0x0  }
0x53: {  	[sflag:s0] =	ssyncadd.s32 @!p0 s1  }
0x54: {  	[bflag:$0x3] =	sbarrier.arrive $0xFFFF  }
0x55: {  	_ =	shalt  }

// kernel: gather_offload_async_start
scs
__scs_entry_jumppad:
0x0: {  	(pc) =	sbr.rel $0x88, $3  }
0x1: {  	(tag) =	ssettag $0x0;
	lr =	simm.s32 $0x1  }
0x2: {  	[smem:$0x3F98] =	sst lr;
	_ =	strace $0xD0000000  }
0x3: {  	_ = 	snop  }
0x4: {  	_ = 	snop  }
0x5: {  	_ = 	snop  }
0x6: {  	_ = 	snop  }
0x7: {  	_ = 	snop  }
__scs_overlays_trampoline_lowered:
0x8: {  	[smem:$0x3FA7] =	sst s0  }
0x9: {  	[smem:$0x3FA8] =	sst s1  }
0xa: {  	[smem:$0x3FA9] =	sst s2  }
0xb: {  	[smem:$0x3FAA] =	sst s3  }
0xc: {  	[smem:$0x3FAB] =	sst s4  }
0xd: {  	[smem:$0x3FAC] =	sst s5  }
0xe: {  	[smem:$0x3FAD] =	sst s6  }
0xf: {  	[smem:$0x3FAE] =	sst s7  }
0x10: {  	[smem:$0x3FAF] =	sst s8  }
0x11: {  	[smem:$0x3FB0] =	sst s9;
	s0 =	simm.s32 @!p0 $0x0  }
0x12: {  	s1 =	sld [smem:$0x3F96];
	s0 =	simm.s32 @p0 $0x1  }
0x13: {  	[smem:$0x3FB1] =	sst s0;
	s0 =	simm.s32 @!p1 $0x0  }
0x14: {  	s2 =	sld [smem:$0x3F95];
	s0 =	simm.s32 @p1 $0x1  }
0x15: {  	[smem:$0x3FB2] =	sst s0;
	s0 =	simm.s32 @!p2 $0x0  }
0x16: {  	s3 =	sld [smem:$0x3FDB];
	s0 =	simm.s32 @p2 $0x1  }
0x17: {  	s4 =	simm.s32 $0x1BF5;
	[smem:$0x3FB4] =	sst s0  }
0x18: {  	s0 =	sld [smem:$0x3F97];
	_ =	swait.ge [sflag:s4], $0x0  }
0x19: {  	s7 =	sld [smem:$0x3F98]  }
0x1a: {  	s8 =	sadd.s32 $0xFFFFE003, lr  }
0x1b: {  	s9 =	sadd.s32 $0xFFFFFEF7, lr;
	s5 =	simm.s32 $0xFFFFFFFF;
	p2 =	slt.u32 s8, $0xFFFFF086  }
0x1c: {  	p1 =	slt.u32 s9, $0xF7A;
	s5 =	simm.s32 @!p2 $0x0  }
0x1d: {  	s5 =	simm.s32 @p1 $0x1;
	p0 =	seq.s32 s7, s2  }
0x1e: {  	s7 =	smul.u32 @!p0 $0xF7A, s2;
	p2 =	seq.s32 @!p0 s5, $0x0  }
0x1f: {  	s9 =	smul.u32 $0xF7A, s1;
	s8 =	simm.s32 @!p0 $0x1BF5;
	p2 =	por !p2, p0  }
0x20: {  	[sflag:s8] =	ssyncset.s32 @!p0 $0xFFFFF086;
	s6 =	sadd.s32 @!p0 s3, s7;
	s7 =	simm.s32 @!p0 $0x108  }
0x21: {  	s3 =	sadd.s32 s3, s9;
	s6 =	sadd.s32 @!p0 $0x88, s6;
	s7 =	simm.s32 @p2 $0x1082  }
0x22: {  	[simem:s7], [sflag:s8] =	dma.local @!p0 [hbm:s6], $0xF7A  }
0x23: {  	s9 =	sor.u32 $0xD0000000, s2;
	s6 =	simm.s32 $0x108;
	_ =	swait.ge @!p0 [sflag:s8], $0x0  }
0x24: {  	s3 =	sadd.s32 $0x88, s3;
	s6 =	simm.s32 @!p1 $0x1082;
	[sflag:s4] =	ssyncset.s32 $0xFFFFF086  }
0x25: {  	[simem:s6], [sflag:s4] =	dma.local [hbm:s3], $0xF7A  }
0x26: {  	[smem:$0x3F98] =	sst s1;
	(tag) =	ssettag s2;
	_ =	strace s9  }
0x27: {  	s1 =	sld [smem:$0x3FA8]  }
0x28: {  	s2 =	sld [smem:$0x3FA9]  }
0x29: {  	s4 =	sld [smem:$0x3FAB]  }
0x2a: {  	p0 =	seq.s32 s5, $0x0;
	s5 =	sld [smem:$0x3FAC]  }
0x2b: {  	s6 =	sld [smem:$0x3FAD]  }
0x2c: {  	s7 =	sld [smem:$0x3FAE]  }
0x2d: {  	s3 =	simm.s32 $0x108;
	s8 =	sld [smem:$0x3FAF]  }
0x2e: {  	s3 =	simm.s32 @!p0 $0x1082;
	s9 =	sld [smem:$0x3FB0]  }
0x2f: {  	lr =	sadd.s32 s0, s3;
	s0 =	sld [smem:$0x3FA7]  }
0x30: {  	s3 =	sld [smem:$0x3FAA]  }
0x31: {  	[smem:$0x3FB3] =	sst s10  }
0x32: {  	s10 =	sld [smem:$0x3FB1];
	_ =	sdelay $0x3  }
0x33: {  	p0 =	seq.s32 s10, $0x1;
	s10 =	sld [smem:$0x3FB3];
	_ =	sdelay $0x3  }
0x34: {  	[smem:$0x3FB3] =	sst s10  }
0x35: {  	s10 =	sld [smem:$0x3FB2];
	_ =	sdelay $0x3  }
0x36: {  	p1 =	seq.s32 s10, $0x1;
	s10 =	sld [smem:$0x3FB3];
	_ =	sdelay $0x3  }
0x37: {  	[smem:$0x3FB3] =	sst s10  }
0x38: {  	s10 =	sld [smem:$0x3FB4]  }
0x39: {  	_ = 	snop;
	(pc) =	sbr.ind lr, $3  }
0x3a: {  	_ = 	snop  }
0x3b: {  	_ = 	snop  }
0x3c: {  	p2 =	seq.s32 s10, $0x1;
	s10 =	sld [smem:$0x3FB3]  }
0x3d: {  	_ =	shalt  }
0x3e: {  	_ =	shalt  }
0x3f: {  	_ =	shalt  }
0x40: {  	_ =	shalt  }
0x41: {  	_ =	shalt  }
0x42: {  	_ =	shalt  }
0x43: {  	_ =	shalt  }
0x44: {  	_ =	shalt  }
0x45: {  	_ =	shalt  }
0x46: {  	_ =	shalt  }
0x47: {  	_ =	shalt  }
0x48: {  	_ =	shalt  }
0x49: {  	_ =	shalt  }
0x4a: {  	_ =	shalt  }
0x4b: {  	_ =	shalt  }
0x4c: {  	_ =	shalt  }
0x4d: {  	_ =	shalt  }
0x4e: {  	_ =	shalt  }
0x4f: {  	_ =	shalt  }
0x50: {  	_ =	shalt  }
0x51: {  	_ =	shalt  }
0x52: {  	_ =	shalt  }
0x53: {  	_ =	shalt  }
0x54: {  	_ =	shalt  }
0x55: {  	_ =	shalt  }
0x56: {  	_ =	shalt  }
0x57: {  	_ =	shalt  }
0x58: {  	_ =	shalt  }
0x59: {  	_ =	shalt  }
0x5a: {  	_ =	shalt  }
0x5b: {  	_ =	shalt  }
0x5c: {  	_ =	shalt  }
0x5d: {  	_ =	shalt  }
0x5e: {  	_ =	shalt  }
0x5f: {  	_ =	shalt  }
0x60: {  	_ =	shalt  }
0x61: {  	_ =	shalt  }
0x62: {  	_ =	shalt  }
0x63: {  	_ =	shalt  }
0x64: {  	_ =	shalt  }
0x65: {  	_ =	shalt  }
0x66: {  	_ =	shalt  }
0x67: {  	_ =	shalt  }
0x68: {  	_ =	shalt  }
0x69: {  	_ =	shalt  }
0x6a: {  	_ =	shalt  }
0x6b: {  	_ =	shalt  }
0x6c: {  	_ =	shalt  }
0x6d: {  	_ =	shalt  }
0x6e: {  	_ =	shalt  }
0x6f: {  	_ =	shalt  }
0x70: {  	_ =	shalt  }
0x71: {  	_ =	shalt  }
0x72: {  	_ =	shalt  }
0x73: {  	_ =	shalt  }
0x74: {  	_ =	shalt  }
0x75: {  	_ =	shalt  }
0x76: {  	_ =	shalt  }
0x77: {  	_ =	shalt  }
0x78: {  	_ =	shalt  }
0x79: {  	_ =	shalt  }
0x7a: {  	_ =	shalt  }
0x7b: {  	_ =	shalt  }
0x7c: {  	_ =	shalt  }
0x7d: {  	_ =	shalt  }
0x7e: {  	_ =	shalt  }
0x7f: {  	_ =	shalt  }
0x80: {  	_ =	shalt  }
0x81: {  	_ =	shalt  }
0x82: {  	_ =	shalt  }
0x83: {  	_ =	shalt  }
0x84: {  	_ =	shalt  }
0x85: {  	_ =	shalt  }
0x86: {  	_ =	shalt  }
0x87: {  	_ =	shalt  }
.Lfunc_end0:
.L_simem_size_0:
called_computation_lowered:
.L_overlay_start_0:
0x88: {  	s2 =	sld [smem:$0x3FD9]  }
0x89: {  	s3 =	sld [smem:$0x3FFE];
	_ =	sdelay $0x1  }
0x8a: {  	s1 =	srdreg.scid  }
0x8b: {  	s0 =	sand.u32 $0x1, s1  }
0x8c: {  	s16 =	sshll.u32 s0, $0xA;
	s2 =	sadd.s32 s3, s2  }
0x8d: {  	s2 =	sadd.s32 s2, s16  }
0x8e: {  	[smem:$0x3FBF] =	sst s2  }
0x8f: {  	_ = 	snop  }
0x90: {  	(tm) =	ssettm $0x1  }
0x91: {  	s17 =	sld [smem:$0x3FFB];
	_ =	sdelay $0x3  }
0x92: {  	_ =	strace s17  }
0x93: {  	s2 =	sld [smem:$0x3FFC];
	_ =	sdelay $0x3  }
0x94: {  	_ =	strace s2  }
0x95: {  	s2 =	sld [smem:$0x3FFD];
	_ =	sdelay $0x3  }
0x96: {  	_ =	strace s2  }
0x97: {  	_ =	strace $0x8FFFFFFF  }
0x98: {  	s18 =	sld [smem:$0x3FDB];
	_ =	sdelay $0x1  }
0x99: {  	s19 =	simm.s32 $_scs_section_size  }
0x9a: {  	s4 =	simm.s32 $_size__tile_overlayer_lowered;
	s5 =	simm.s32 $_tile_overlayer_lowered  }
0x9b: {  	s22 =	simm.s32 $0x1BFF;
	s21 =	sshll.u32 s5, $0x1;
	s2 =	sadd.s32 s19, s18  }
0x9c: {  	s6 =	simm.s32 $0x0;
	s20 =	sshll.u32 s4, $0x1;
	s4 =	sadd.s32 s21, s2  }
0x9d: {  	[timem:s6], [sflag:s22] =	dma.local [hbm:s4], s20  }
0x9e: {  	_ =	swait.ge [sflag:s22], s20  }
0x9f: {  	s3 =	ssub.s32 $0x0, s20;
	[sflag:s22] =	ssyncset.done $0x0  }
0xa0: {  	[sflag:s22] =	ssyncadd.s32 s3;
	_ =	sdelay $0x1  }
0xa1: {  	s23 =	simm.s32 $0x1B8B  }
0xa2: {  	_ =	swait.ge [sflag:s23], $0x1  }
0xa3: {  	[sflag:s23] =	ssyncset.done $0x0  }
0xa4: {  	s25 =	simm.s32 $0x1B8E;
	s24 =	sld [smem:$0x3FFE];
	[sflag:s23] =	ssyncadd.s32 $0xFFFFFFFF  }
0xa5: {  	s26 =	simm.s32 $execute0_lowered;
	[smem:$0x3FD2] =	sst s25  }
0xa6: {  	s4 =	sshll.u32 s26, $0x1;
	_ =	strace $0x80000049;
	[dreg:$0x1] =	wrdreg $0xFFFFFFFF  }
0xa7: {  	s28 =	simm.s32 $_size_execute0_lowered;
	s2 =	sadd.s32 s2, s4;
	[dreg:$0x0] =	wrdreg $0x0  }
0xa8: {  	s4 =	sshll.u32 s28, $0x1;
	[dreg:$0x2] =	wrdreg s2  }
0xa9: {  	[dreg:$0x3] =	wrdreg s4  }
0xaa: {  	[dreg:$0x4] =	wrdreg $0xC0  }
0xab: {  	_ =	task [dreg:s6], $0x5FFFF  }
0xac: {  	[dreg:$0x1] =	wrdreg $0xFFFFFFFF  }
0xad: {  	[dreg:$0x0] =	wrdreg $0x60  }
0xae: {  	[dreg:$0x2] =	wrdreg s24  }
0xaf: {  	[dreg:$0x3] =	wrdreg $0xA  }
0xb0: {  	_ =	task.clear_ibuf [dreg:s6], $0x4FFFF;
	_ =	strace $0x90000049  }
0xb1: {  	s29 =	simm.s32 $0xA;
	_ =	strace $0x8000004B  }
0xb2: {  	_ =	swait.ge [sflag:s29], $0x1  }
0xb3: {  	[sflag:s29] =	ssyncadd.s32 $0xFFFFFFFF  }
0xb4: {  	_ =	strace $0x9000004B  }
0xb5: {  	_ =	sfence  }
0xb6: {  	s30 =	sld [smem:$0x0];
	_ =	sdelay $0x2  }
0xb7: {  	s31 =	sshll.u32 s1, $0xD;
	s1 =	sshrl.u32 s1, $0x2  }
0xb8: {  	s3 =	sand.u32 $0x4000, s31;
	s1 =	sadd.s32 s1, s30  }
0xb9: {  	s0 =	sor.u32 s3, s0;
	s1 =	sshll.u32 s1, $0x11  }
0xba: {  	s0 =	sor.u32 s1, s0  }
0xbb: {  	s0 =	sadd.s32 $0x8F2B, s0  }
0xbc: {  	[sflag:s0] =	ssyncadd.remote.s32 $0x1  }
0xbd: {  	_ =	sfence.sel $0xFFFF  }
0xbe: {  	[dreg:$0x0] =	wrdreg $0xFFFFFFFF;
	(pc) =	sbr.abs _section_cstart, $3  }
0xbf: {  	[dreg:$0x1] =	wrdreg $0xFFFFFFFF  }
0xc0: {  	_ =	task.clear_ibuf [dreg:s6], $0x2FFFF;
	_ =	strace $0x9FFFFFFF  }
0xc1: {  	(tm) =	ssettm $0x7FFFFFFF  }
tec
execute0_lowered:
.L_overlay_start_1:
0x0: {  	(tag) =	ssettag $0x1  }
0x1: {  	s0 =	srdreg.scid;
	s5 =	rddreg [dreg:$0x0]  }
0x2: {  	s1 =	stileid.u32;
	s6 =	simm.s32 $0x1;
	s9 =	simm.s32 $0x1  }
0x3: {  	s10 =	simm.s32 $0x3;
	s13 =	simm.s32 $0x0;
	s2 =	sshll.u32 s0, $0x9  }
0x4: {  	s12 =	simm.s32 $0x0;
	s3 =	sshll.u32 s1, $0xA;
	s2 =	sand.u32 $0x200, s2  }
0x5: {  	s0 =	rddreg [dreg:$0x1];
	_ =	strace $0x8000004A;
	s2 =	sor.u32 s3, s2  }
0x6: {  	s4 =	sadd.s32 $0x1600, s5;
	[sflag:s6] =	ssyncpa.u1 $0x0;
	s8 =	ssub.s32 $0x4800, s2  }
.Ltmp0:
0x7: {  	s3 =	sadd.s32 $0x2000, s5;
	s7 =	sand.u32 $0x3E00, s8;
	(pc) =	sbr.rel .LBB2_1-.Ltmp0, $4  }
0x8: {  	s5 =	sadd.s32 $0x5200, s5;
	s11 =	smov.u32 s2;
	p0 =	sne.s32 s7, $0x0  }
0x9: {  	s8 =	sshrl.u32 s8, $0xE;
	s7 =	simm.s32 $0x2;
	s9 =	simm.s32 @!p0 $0x0  }
0xa: {  	[sflag:s7] =	ssyncpa.u1 $0x0;
	p0 =	por $0x0, $0x0;
	s8 =	sadd.s32 s9, s8  }
0xb: {  	vm0 =	vmmov $0xffff;
	[sflag:s10] =	ssyncpa.u1 $0x0;
	s10 =	simm.s32 $0x0;
	s9 =	sadd.s32 $0x1, s8  }
.LBB2_4:
0xc: {  	vm1 =	veq.s32 v4, $0x80000000;
	v56 =	vand.u32 $0x1, v4;
	v6 =	vand.u32 $0x3FFF, v6  }
0xd: {  	v2 =	vor.u32 v2, v5;
	v59 =	vshrl.u32 v1, $0x1;
	v60 =	vand.u32 $0x1, v1  }
0xe: {  	v4 =	vsel vm1, $0xFFFFFFFF, v56;
	v6 =	vsel vm1, $0xFFFFFFFF, v6;
	v2 =	vor.u32 v3, v2  }
0xf: {  	vm1 =	veq.s32 v1, $0x80000000;
	v5 =	vand.u32 $0x3FFF, v59;
	v7 =	vshrl.u32 v4, $0x1  }
0x10: {  	v57 =	vshll.u32 v6, $0x1;
	v4 =	vshll.u32 v4, $0x7;
	v1 =	vsel vm1, $0xFFFFFFFF, v60  }
0x11: {  	v5 =	vsel vm1, $0xFFFFFFFF, v5;
	v6 =	vand.u32 $0x7F, v6;
	v7 =	vmul.u32 $0x4800, v7  }
0x12: {  	v58 =	vand.u32 $0xFFFFFF00, v57;
	v4 =	vand.u32 $0x80, v4;
	v61 =	vshrl.u32 v1, $0x1  }
0x13: {  	v62 =	vshll.u32 v5, $0x1;
	v3 =	vadd.s32 v7, v58;
	v7 =	vmul.u32 $0x4800, v61  }
0x14: {  	v1 =	vshll.u32 v1, $0x7;
	v3 =	vor.u32 v4, v3;
	v4 =	vand.u32 $0xFFFFFF00, v62  }
0x15: {  	v1 =	vand.u32 $0x80, v1;
	v3 =	vor.u32 v6, v3;
	v4 =	vadd.s32 v7, v4  }
0x16: {  	[tilespmem:s16], [sflag:$0x1] =	stream.indirect_vreg.gather [hbm4b:s3+s10], $0x1, v0, vm0, $0x4038;
	v63 =	vand.u32 $0x7F, v5;
	v1 =	vor.u32 v1, v4;
	[tilespmem:$0x800] =	vst v63  }
0x17: {  	s15 =	sadd.s32 $0x10, s15;
	(ifvalue) =	ssetifvalue $0x7FFFFFFF;
	v0 =	vor.u32 v63, v1  }
0x18: {  	[tilespmem:s15], [sflag:$0x1] =	stream.indirect_vreg.gather [hbm4b:s3+s10], $0x1, v2, vm0, $0x4038;
	[tilespmem:$0x800] =	vst v63  }
0x19: {  	s15 =	sadd.s32 $0x10, s15;
	(ifvalue) =	ssetifvalue $0x7FFFFFFF  }
0x1a: {  	[tilespmem:s15], [sflag:$0x1] =	stream.indirect_vreg.gather [hbm4b:s3+s10], $0x1, v3, vm0, $0x4038;
	[tilespmem:$0x800] =	vst v63  }
0x1b: {  	s15 =	sadd.s32 $0x10, s15;
	(ifvalue) =	ssetifvalue $0x7FFFFFFF  }
0x1c: {  	[tilespmem:s15], [sflag:$0x1] =	stream.indirect_vreg.gather [hbm4b:s3+s10], $0x1, v0, vm0, $0x4038;
	[tilespmem:$0x800] =	vst v63  }
0x1d: {  	_ =	swait.ge [sflag:s6], $0x200  }
0x1e: {  	s30 =	sshrl.u32 s13, $0x3;
	[sflag:s6] =	ssyncset.done $0x0  }
0x1f: {  	s31 =	sand.u32 $0x7, s13;
	s15 =	sadd.s32 s5, s30;
	[sflag:s6] =	ssyncadd.s32 $0xFFFFFE00  }
0x20: {  	[hbm4b:s15+s31] =	stream.linear.scatter [tilespmem:s14], [sflag:$0x3], $0x200, $0x38;
	[tilespmem:$0x800] =	vst v63  }
.LBB2_5:
0x21: {  	s15 =	sadd.s32 $0x4000, s11  }
0x22: {  	p2 =	sgt.s32 s15, $0x47FF  }
0x23: {  	s15 =	smov.u32 @p2 s2;
	p2 =	sne.s32 s12, s9  }
.Ltmp1:
0x24: {  	p1 =	slt.u32 s12, $0x2;
	(pc) =	sbr.rel @!p2 .LBB2_6-.Ltmp1, $4  }
0x25: {  	s14 =	simm.s32 @!p1 $0x3  }
0x26: {  	s16 =	sadd.s32 $0x1, s12;
	_ =	swait.ge @!p1 [sflag:s14], $0x200  }
0x27: {  	s13 =	smov.u32 s11;
	p0 =	por !p0, !p0;
	[sflag:s14] =	ssyncset.done @!p1 $0x0  }
0x28: {  	s12 =	smov.u32 s16;
	s11 =	smov.u32 s15;
	[sflag:s14] =	ssyncadd.s32 @!p1 $0xFFFFFE00  }
.LBB2_1:
0x29: {  	p1 =	sge.u32 s12, s8  }
0x2a: {  	s14 =	sxor.u32 @!p1 $0xFFFFFFFF, s12  }
0x2b: {  	s31 =	sadd.s32 $0xFFFFFFFF, s12;
	s15 =	sshrl.u32 @!p1 s11, $0x3;
	s14 =	sshll.u32 @!p1 s14, $0x9  }
0x2c: {  	s16 =	sand.u32 @!p1 $0x7, s11;
	s15 =	sadd.s32 @!p1 s4, s15;
	s14 =	sand.u32 @!p1 $0x200, s14  }
0x2d: {  	[tilespmem:s14], [sflag:$0x2] =	stream.linear.gather @!p1 [hbm4b:s15+s16], $0x200, $0x38;
	[tilespmem:$0x800] =	vst v63  }
0x2e: {  	p1 =	sge.u32 s31, s8  }
.Ltmp2:
0x2f: {  	_ = 	snop;
	(pc) =	sbr.rel @p1 .LBB2_5-.Ltmp2, $1  }
0x30: {  	_ =	sdelay $0x3  }
0x31: {  	s14 =	simm.s32 $0x1  }
0x32: {  	_ =	swait.ge [sflag:s7], $0x200;
	s14 =	simm.s32 @!p0 $0x0  }
0x33: {  	[sflag:s7] =	ssyncset.done $0x0;
	s14 =	sshll.u32 s14, $0x9  }
0x34: {  	[sflag:s7] =	ssyncadd.s32 $0xFFFFFE00;
	(ifvalue) =	ssetifvalue $0x7FFFFFFF;
	v0 =	vld.msk [tilespmem:s14+$0x0 ss:$0x1], $0xffff  }
0x35: {  	s15 =	sadd.s32 $0x10, s14  }
0x36: {  	v1 =	vld.msk [tilespmem:s15+$0x0 ss:$0x1], $0xffff;
	_ =	sdelay $0x2  }
0x37: {  	v2 =	vshrl.u32 v0, $0x1  }
0x38: {  	vm1 =	veq.s32 v0, $0x80000000;
	v0 =	vand.u32 $0x1, v0;
	v2 =	vand.u32 $0x3FFF, v2  }
0x39: {  	v0 =	vsel vm1, $0xFFFFFFFF, v0;
	v6 =	vshrl.u32 v1, $0x1;
	v2 =	vsel vm1, $0xFFFFFFFF, v2  }
0x3a: {  	v3 =	vshrl.u32 v0, $0x1;
	v0 =	vshll.u32 v0, $0x7;
	vm1 =	veq.s32 v1, $0x80000000  }
0x3b: {  	s15 =	sadd.s32 $0x10, s15;
	v1 =	vand.u32 $0x1, v1;
	v4 =	vshll.u32 v2, $0x1;
	v3 =	vmul.u32 $0x4800, v3  }
0x3c: {  	v0 =	vand.u32 $0x80, v0;
	v7 =	vand.u32 $0x7F, v2;
	v5 =	vand.u32 $0xFFFFFF00, v4;
	v4 =	vld.msk [tilespmem:s15+$0x0 ss:$0x1], $0xffff  }
0x3d: {  	v1 =	vsel vm1, $0xFFFFFFFF, v1;
	v2 =	vadd.s32 v3, v5;
	v3 =	vand.u32 $0x3FFF, v6  }
0x3e: {  	v3 =	vsel vm1, $0xFFFFFFFF, v3;
	v0 =	vor.u32 v0, v2;
	v2 =	vshrl.u32 v1, $0x1  }
0x3f: {  	s16 =	sshll.u32 s12, $0x9;
	s18 =	simm.s32 $0x30;
	v1 =	vshll.u32 v1, $0x7;
	v5 =	vshll.u32 v3, $0x1;
	v8 =	vmul.u32 $0x4800, v2  }
0x40: {  	s31 =	sand.u32 $0x200, s16;
	s17 =	sadd.s32 $0x10, s15;
	s15 =	sor.u32 $0x400, s14;
	v2 =	vand.u32 $0x80, v1;
	v0 =	vor.u32 v7, v0;
	v5 =	vand.u32 $0xFFFFFF00, v5  }
0x41: {  	s14 =	sor.u32 $0x400, s31;
	s16 =	smov.u32 s15;
	v1 =	vld.msk [tilespmem:s17+$0x0 ss:$0x1], $0xffff;
	v3 =	vand.u32 $0x7F, v3;
	(ifvalue) =	ssetifvalue $0x7FFFFFFF;
	v6 =	vshrl.u32 v4, $0x1;
	v5 =	vadd.s32 v8, v5  }
.LBB2_3:
0x42: {  	s18 =	sadd.s32 $0x10, s18  }
0x43: {  	vm1 =	veq.s32 v4, $0x80000000;
	v4 =	vand.u32 $0x1, v4;
	v6 =	vand.u32 $0x3FFF, v6;
	s15 =	sadd.s32 $0x10, s15;
	p1 =	slt.u32 s18, $0x1F0  }
.Ltmp3:
0x44: {  	v5 =	vor.u32 v2, v5;
	v4 =	vsel vm1, $0xFFFFFFFF, v4;
	v7 =	vsel vm1, $0xFFFFFFFF, v6;
	(pc) =	sbr.rel @p1 .LBB2_3-.Ltmp3, $4  }
0x45: {  	v2 =	vshrl.u32 v4, $0x1;
	v6 =	vshll.u32 v7, $0x1;
	v4 =	vshll.u32 v4, $0x7;
	[tilespmem:s16], [sflag:$0x1] =	stream.indirect_vreg.gather [hbm4b:s3+s10], $0x1, v0, vm0, $0x4038;
	[tilespmem:$0x800] =	vst v63  }
0x46: {  	v0 =	vor.u32 v3, v5;
	s16 =	smov.u32 s15;
	v8 =	vmul.u32 $0x4800, v2;
	v2 =	vand.u32 $0x80, v4  }
0x47: {  	s17 =	sadd.s32 $0x10, s17;
	v9 =	vand.u32 $0xFFFFFF00, v6  }
0x48: {  	v3 =	vand.u32 $0x7F, v7;
	v6 =	vshrl.u32 v1, $0x1;
	v5 =	vadd.s32 v8, v9;
	(ifvalue) =	ssetifvalue $0x7FFFFFFF;
	v4 =	vmovc v1;
	v1 =	vld.msk [tilespmem:s17+$0x0 ss:$0x1], $0xffff  }
.Ltmp4:
0x49: {  	_ = 	snop;
	(pc) =	sbr.rel .LBB2_4-.Ltmp4, $1  }
0x4a: {  	_ =	sdelay $0x3  }
.LBB2_6:
0x4b: {  	_ =	sfence.sel $0x180000  }
0x4c: {  	s2 =	simm.s32 $0x2;
	[bflag:$0x0] =	sbarrier.arrive $0xFFFF  }
0x4d: {  	s30 =	simm.s32 $0x3;
	[sflag:s2] =	ssyncpa.u1 $0x1  }
0x4e: {  	s31 =	simm.s32 $0x1;
	[sflag:s30] =	ssyncpa.u1 $0x1  }
0x4f: {  	[sflag:s31] =	ssyncpa.u1 $0x1  }
0x50: {  	p0 =	sne.s32 s1, $0x0;
	_ =	strace $0x9000004A  }
0x51: {  	s0 =	sadd.s32 @!p0 $0x100000, s0;
	[bflag:$0x2] =	sbarrier.arrive $0xFFFF  }
0x52: {  	[sflag:s0] =	ssyncadd.tile.s32 @!p0 $0x1;
	_ =	shalt  }
.Lfunc_end2:
_tile_overlayer_lowered:
.L_overlay_start_2:
0x53: {  	(tag) =	ssettag $0x2  }
0x54: {  	s0 =	rddreg [dreg:$0x0];
	s2 =	stileid.u32  }
0x55: {  	s1 =	rddreg [dreg:$0x1];
	p0 =	sne.s32 s2, $0x0  }
0x56: {  	s3 =	rddreg [dreg:$0x2];
	[bflag:$0x3] =	sbarrier.arrive $0xFFFF;
	s2 =	simm.s32 @!p0 $0x1C01  }
0x57: {  	[timem:s3], [sflag:s2] =	dma.local @!p0 [hbm:s0], s1  }
0x58: {  	s0 =	simm.s32 @!p0 $0x1  }
0x59: {  	_ =	swait.ge @!p0 [sflag:s0], s1  }
0x5a: {  	s1 =	ssub.s32 @!p0 $0x0, s1;
	[sflag:s0] =	ssyncset.done @!p0 $0x0  }
0x5b: {  	[sflag:s0] =	ssyncadd.s32 @!p0 s1  }
0x5c: {  	[bflag:$0x3] =	sbarrier.arrive $0xFFFF  }
0x5d: {  	_ =	shalt  }

</sc_bundles>
